<compile_context>
chip_gen: v7x
topology: tpu7x:2x2x1
jax: 0.10.2.dev20260603
libtpu: 0.0.44.dev20260713+nightly
codegen_flags: <defaults>
</compile_context>

<pallas_src>
import functools

import jax
import jax.numpy as jnp
from jax import lax
from jax.experimental import pallas as pl
from jax.experimental.pallas import tpu as pltpu
from jax.experimental.pallas import tpu_sc as plsc

N = 10000
B = 32
E = 160000
LATENT = 128

NPAD = 10112
RPT = NPAD // 16
CHUNK = 128
NWORK = 16
EPW = 10240
EPAD = NWORK * EPW
NCHUNK = EPW // CHUNK


NP2 = 10240
TN1 = 2048
NJ = NP2 // TN1


def _k1_body(t_ref, m_ref, x_ref, wc_ref, btc_ref, enc_ref, aux_ref):
    NCH = TN1 // 256
    rows = []
    for r in range(8):
        acc = jnp.zeros((1, LATENT), jnp.float32)
        for ch in range(NCH):
            sl = slice(ch * 256, (ch + 1) * 256)
            tt = t_ref[r:r + 1, sl]
            mm = m_ref[r:r + 1, sl]
            c = jnp.cos(wc_ref[...] * tt + btc_ref[...])
            acc += lax.dot_general(
                mm, c, (((1,), (1,)), ((), ())),
                precision=lax.Precision.HIGHEST,
                preferred_element_type=jnp.float32)
        rows.append(acc)
    enc_ref[...] = jnp.concatenate(rows, axis=0)
    sx = jnp.sum(m_ref[...] * x_ref[...], axis=1, keepdims=True)
    cnt = jnp.sum(m_ref[...], axis=1, keepdims=True)
    ii = lax.broadcasted_iota(jnp.int32, (8, LATENT), 1)
    aux_ref[...] = (jnp.where(ii == 0, sx, 0.0)
                    + jnp.where(ii == 1, cnt, 0.0))


def _k1(t4, m4, x4, w_col, bt_col):
    return pl.pallas_call(
        _k1_body,
        grid=(NJ * B // 8,),
        in_specs=[
            pl.BlockSpec((8, TN1), lambda i: (i, 0)),
            pl.BlockSpec((8, TN1), lambda i: (i, 0)),
            pl.BlockSpec((8, TN1), lambda i: (i, 0)),
            pl.BlockSpec((LATENT, 1), lambda i: (0, 0)),
            pl.BlockSpec((LATENT, 1), lambda i: (0, 0)),
        ],
        out_specs=[
            pl.BlockSpec((8, LATENT), lambda i: (i, 0)),
            pl.BlockSpec((8, LATENT), lambda i: (i, 0)),
        ],
        out_shape=[
            jax.ShapeDtypeStruct((NJ * B, LATENT), jnp.float32),
            jax.ShapeDtypeStruct((NJ * B, LATENT), jnp.float32),
        ],
    )(t4, m4, x4, w_col, bt_col)


def _k2a_body(x_ref, t_ref, m_ref, src_ref, tar_ref, w_ref, bt_ref,
              wih_ref, bih_ref, bhh_ref, wnb_ref, wself_ref, bself_ref,
              base_ref, cnb_ref, cself_ref, const_ref):
    src = src_ref[0, :]
    tar = tar_ref[0, :]
    nidx = lax.broadcasted_iota(jnp.int32, (B, N), 1)
    msrc = (nidx == src[:, None]).astype(jnp.float32)
    mtar = (nidx == tar[:, None]).astype(jnp.float32)
    x_src = jnp.sum(x_ref[...] * msrc, axis=1)
    x_tar = jnp.sum(x_ref[...] * mtar, axis=1)
    t_src = jnp.sum(t_ref[...] * msrc, axis=1)
    t_tar = jnp.sum(t_ref[...] * mtar, axis=1)

    w = w_ref[0, :].reshape(1, -1)
    bt = bt_ref[0, :].reshape(1, -1)
    dt_src = jnp.cos(t_src[:, None] * w + bt)
    dt_tar = jnp.cos(t_tar[:, None] * w + bt)

    wih_x0 = wih_ref[0, :].reshape(1, -1)
    wih_x1 = wih_ref[1, :].reshape(1, -1)
    wih_dt = wih_ref[2 + LATENT:, :]
    bih = bih_ref[0, :].reshape(1, -1)
    bhh = bhh_ref[0, :].reshape(1, -1)

    def gru(xa, xb, dt):
        gi = (xa[:, None] * wih_x0 + xb[:, None] * wih_x1 + bih
              + jnp.dot(dt, wih_dt, preferred_element_type=jnp.float32))
        r = jax.nn.sigmoid(gi[:, :LATENT] + bhh[:, :LATENT])
        z = jax.nn.sigmoid(gi[:, LATENT:2 * LATENT] + bhh[:, LATENT:2 * LATENT])
        n = jnp.tanh(gi[:, 2 * LATENT:] + r * bhh[:, 2 * LATENT:])
        return (1.0 - z) * n

    new_src = gru(x_src, x_tar, dt_src)
    new_tar = gru(x_tar, x_src, dt_tar)
    vals = jnp.concatenate([new_src, new_tar], axis=0)
    idx64 = jnp.concatenate([src, tar], axis=0)

    p = lax.broadcasted_iota(jnp.int32, (2 * B, 2 * B), 0)
    q = lax.broadcasted_iota(jnp.int32, (2 * B, 2 * B), 1)
    later_same = jnp.logical_and(q > p, idx64[None, :] == idx64[:, None])
    is_final = jnp.logical_not(jnp.any(later_same, axis=1))
    valsf = vals * is_final[:, None].astype(jnp.float32)

    wnb_mem = wnb_ref[1:1 + LATENT, :]
    wself_mem = wself_ref[1:1 + LATENT, :]
    wself_enc = wself_ref[1 + LATENT:, :]
    bself = bself_ref[0, :].reshape(1, -1)

    cnb_ref[...] = jnp.dot(valsf, wnb_mem, preferred_element_type=jnp.float32)
    cself = jnp.dot(valsf, wself_mem, preferred_element_type=jnp.float32)
    cself_ref[...] = cself

    cosb = jnp.cos(bt)
    const_row = jnp.dot(cosb, wself_enc,
                        preferred_element_type=jnp.float32) + bself
    const_ref[...] = const_row

    sel = (idx64[None, :] == tar[:, None]).astype(jnp.float32)
    tar_mem = jnp.dot(sel, valsf, preferred_element_type=jnp.float32)
    onehot = (lax.broadcasted_iota(jnp.int32, (N, 2 * B), 0)
              == idx64[None, :]).astype(jnp.float32)
    mg = jnp.dot(m_ref[...], onehot, preferred_element_type=jnp.float32)
    hsum_mem = jnp.dot(mg, valsf, preferred_element_type=jnp.float32)
    wself_x = wself_ref[0, :].reshape(1, -1)
    base = (x_tar[:, None] * wself_x
            + jnp.dot(tar_mem, wself_mem, preferred_element_type=jnp.float32)
            + const_row
            + jnp.dot(hsum_mem, wnb_mem, preferred_element_type=jnp.float32))
    base_ref[...] = base


def _k2a(x2, t2, m2, src2, tar2, w_time, b_time, W_ih, b_ih, b_hh,
         W_nb, W_self, b_self):
    return pl.pallas_call(
        _k2a_body,
        out_shape=[
            jax.ShapeDtypeStruct((B, LATENT), jnp.float32),
            jax.ShapeDtypeStruct((2 * B, LATENT), jnp.float32),
            jax.ShapeDtypeStruct((2 * B, LATENT), jnp.float32),
            jax.ShapeDtypeStruct((1, LATENT), jnp.float32),
        ],
    )(x2, t2, m2, src2, tar2, w_time, b_time, W_ih, b_ih, b_hh,
      W_nb, W_self, b_self)


def _k2b_body(base_ref, enc_ref, aux_ref, wnb_ref, bnb_ref, wout_ref,
              bout_ref, out_ref):
    enc = enc_ref[0:B, :]
    aux = aux_ref[0:B, :]
    for j in range(1, NJ):
        enc = enc + enc_ref[j * B:(j + 1) * B, :]
        aux = aux + aux_ref[j * B:(j + 1) * B, :]
    sx = aux[:, 0:1]
    cnt = aux[:, 1:2]
    wnb_x = wnb_ref[0, :].reshape(1, -1)
    wnb_enc = wnb_ref[1 + LATENT:, :]
    agg = (sx * wnb_x
           + jnp.dot(enc, wnb_enc, precision=lax.Precision.HIGHEST,
                     preferred_element_type=jnp.float32)
           + cnt * bnb_ref[0, :].reshape(1, -1))
    z = jax.nn.relu(base_ref[...] + agg)
    out_ref[...] = jnp.dot(z, wout_ref[...],
                           preferred_element_type=jnp.float32) + bout_ref[0, 0]


def _k2b(base, enc, aux, W_nb, b_nb, W_out, b_out2):
    return pl.pallas_call(
        _k2b_body,
        out_shape=jax.ShapeDtypeStruct((B, 1), jnp.float32),
    )(base, enc, aux, W_nb, b_nb, W_out, b_out2)


def _k3_body(xl_ref, tl_ref, w_ref, bt_ref, wnb_ref, bnb_ref, cnb_ref,
             idx_ref, out_ref):
    i = pl.program_id(0)
    Tn = out_ref.shape[0]
    enc = jnp.cos(tl_ref[...] * w_ref[0, :].reshape(1, -1)
                  + bt_ref[0, :].reshape(1, -1))
    wnb_enc = wnb_ref[1 + LATENT:, :]
    nb = (jnp.dot(enc, wnb_enc, preferred_element_type=jnp.float32)
          + xl_ref[...] * wnb_ref[0, :].reshape(1, -1)
          + bnb_ref[0, :].reshape(1, -1))
    rows = i * Tn + lax.broadcasted_iota(jnp.int32, (Tn, 2 * B), 0)
    M = (rows == idx_ref[0, :][None, :]).astype(jnp.float32)
    out_ref[...] = nb + jnp.dot(M, cnb_ref[...],
                                preferred_element_type=jnp.float32)


def _k3(xl, tl, w_time, b_time, W_nb, b_nb, contrib_nb, idxrep):
    Tn = 1000
    return pl.pallas_call(
        _k3_body,
        grid=(N // Tn,),
        in_specs=[
            pl.BlockSpec((Tn, 1), lambda i: (i, 0)),
            pl.BlockSpec((Tn, 1), lambda i: (i, 0)),
            pl.BlockSpec((1, LATENT), lambda i: (0, 0)),
            pl.BlockSpec((1, LATENT), lambda i: (0, 0)),
            pl.BlockSpec((257, LATENT), lambda i: (0, 0)),
            pl.BlockSpec((1, LATENT), lambda i: (0, 0)),
            pl.BlockSpec((2 * B, LATENT), lambda i: (0, 0)),
            pl.BlockSpec((8, 2 * B), lambda i: (0, 0)),
        ],
        out_specs=pl.BlockSpec((Tn, LATENT), lambda i: (i, 0)),
        out_shape=jax.ShapeDtypeStruct((N, LATENT), jnp.float32),
    )(xl, tl, w_time, b_time, W_nb, b_nb, contrib_nb, idxrep)


def _k4_body(nb_hbm, jidx_hbm, iidx_hbm, zeros_hbm, out_hbm,
             jall, iall, rows0, rows1, acc, sem0, sem1):
    s = lax.axis_index("s")

    pltpu.sync_copy(zeros_hbm.at[pl.ds(s * RPT, RPT)],
                    acc.at[pl.ds(s * RPT, RPT)])
    plsc.subcore_barrier()

    base = s * NCHUNK
    pltpu.sync_copy(jidx_hbm.at[base], jall.at[0])
    pltpu.sync_copy(iidx_hbm.at[base], iall.at[0])
    pltpu.async_copy(nb_hbm.at[jall.at[0]], rows0, sem0)

    def body(it, carry):
        pltpu.sync_copy(jidx_hbm.at[base + it + 1], jall.at[1])
        pltpu.sync_copy(iidx_hbm.at[base + it + 1], iall.at[1])
        pltpu.async_copy(nb_hbm.at[jall.at[1]], rows1, sem1)
        pltpu.make_async_copy(nb_hbm.at[jall.at[0]], rows0, sem0).wait()
        pltpu.sync_copy(rows0, acc.at[iall.at[0]], add=True)
        nxt = jnp.where(it + 2 < NCHUNK, base + it + 2, base)
        pltpu.sync_copy(jidx_hbm.at[nxt], jall.at[0])
        pltpu.async_copy(nb_hbm.at[jall.at[0]], rows0, sem0)
        pltpu.sync_copy(iidx_hbm.at[nxt], iall.at[0])
        pltpu.make_async_copy(nb_hbm.at[jall.at[1]], rows1, sem1).wait()
        pltpu.sync_copy(rows1, acc.at[iall.at[1]], add=True)
        return carry

    lax.fori_loop(0, NCHUNK // 2, lambda i, c: body(i * 2, c), 0)
    pltpu.make_async_copy(nb_hbm.at[jall.at[0]], rows0, sem0).wait()
    plsc.subcore_barrier()

    pltpu.sync_copy(acc.at[pl.ds(s * RPT, RPT)],
                    out_hbm.at[pl.ds(s * RPT, RPT)])


def _k4(nb, jidx2, iidx2, zeros):
    mesh = plsc.VectorSubcoreMesh(core_axis_name="c", subcore_axis_name="s",
                                  num_cores=1)
    k = functools.partial(
        pl.kernel,
        out_type=jax.ShapeDtypeStruct((NPAD, LATENT), jnp.float32),
        mesh=mesh,
        scratch_types=[
            pltpu.VMEM((2, CHUNK), jnp.int32),
            pltpu.VMEM((2, CHUNK), jnp.int32),
            pltpu.VMEM((CHUNK, LATENT), jnp.float32),
            pltpu.VMEM((CHUNK, LATENT), jnp.float32),
            pltpu.VMEM_SHARED((NPAD, LATENT), jnp.float32),
            pltpu.SemaphoreType.DMA,
            pltpu.SemaphoreType.DMA,
        ],
    )(_k4_body)
    return k(nb, jidx2, iidx2, zeros)


def _k5_body(p0_ref, xl_ref, wself_ref, const_ref, cself_ref,
             idx_ref, wout_ref, bout_ref, out_ref):
    i = pl.program_id(0)
    Tn = out_ref.shape[0]
    rows = i * Tn + lax.broadcasted_iota(jnp.int32, (Tn, 2 * B), 0)
    M = (rows == idx_ref[0, :][None, :]).astype(jnp.float32)
    z = jax.nn.relu(p0_ref[...]
                    + xl_ref[...] * wself_ref[0, :].reshape(1, -1)
                    + const_ref[...]
                    + jnp.dot(M, cself_ref[...],
                              preferred_element_type=jnp.float32))
    out_ref[...] = jnp.dot(z, wout_ref[...],
                           preferred_element_type=jnp.float32) + bout_ref[0, 0]


def _k5(p0, xl, W_self, const_row, contrib_self, idxrep, W_out, b_out2):
    Tn = 1000
    return pl.pallas_call(
        _k5_body,
        grid=(N // Tn,),
        in_specs=[
            pl.BlockSpec((Tn, LATENT), lambda i: (i, 0)),
            pl.BlockSpec((Tn, 1), lambda i: (i, 0)),
            pl.BlockSpec((257, LATENT), lambda i: (0, 0)),
            pl.BlockSpec((1, LATENT), lambda i: (0, 0)),
            pl.BlockSpec((2 * B, LATENT), lambda i: (0, 0)),
            pl.BlockSpec((8, 2 * B), lambda i: (0, 0)),
            pl.BlockSpec((LATENT, 1), lambda i: (0, 0)),
            pl.BlockSpec((1, 1), lambda i: (0, 0)),
        ],
        out_specs=pl.BlockSpec((Tn, 1), lambda i: (i, 0)),
        out_shape=jax.ShapeDtypeStruct((N, 1), jnp.float32),
    )(p0, xl, W_self, const_row, contrib_self, idxrep, W_out, b_out2)


def kernel(x, t, src, tar, n_mask, edge_index, w_time, b_time, W_ih, W_hh,
           b_ih, b_hh, W_self, b_self, W_nb, b_nb, W_out, b_out):
    x2 = x[:, :, 0]
    t2 = t[:, :, 0]
    m2 = n_mask.astype(jnp.float32)
    src2 = src.reshape(1, B).astype(jnp.int32)
    tar2 = tar.reshape(1, B).astype(jnp.int32)
    bt2 = b_time.reshape(1, LATENT)
    bih2 = b_ih.reshape(1, -1)
    bhh2 = b_hh.reshape(1, -1)
    bself2 = b_self.reshape(1, LATENT)
    bnb2 = b_nb.reshape(1, LATENT)
    bout2 = b_out.reshape(1, 1)

    idx64 = jnp.concatenate([src2[0], tar2[0]], axis=0)
    idxrep = jnp.broadcast_to(idx64[None, :], (8, 2 * B))

    padn = NP2 - N

    def _tile4(a):
        return (jnp.pad(a, ((0, 0), (0, padn)))
                .reshape(B, NJ, TN1).transpose(1, 0, 2).reshape(NJ * B, TN1))

    w_col = w_time.reshape(LATENT, 1)
    bt_col = b_time.reshape(LATENT, 1)
    base, contrib_nb, contrib_self, const_row = _k2a(
        x2, t2, m2, src2, tar2, w_time, bt2, W_ih, bih2, bhh2,
        W_nb, W_self, bself2)

    xl = x[0]
    tl = t[-1]
    nb = _k3(xl, tl, w_time, bt2, W_nb, bnb2, contrib_nb, idxrep)

    key = edge_index[0].astype(jnp.int32) * N + edge_index[1].astype(jnp.int32)
    skey = jnp.sort(key)
    uniq = jnp.concatenate(
        [jnp.ones((1,), jnp.bool_), skey[1:] != skey[:-1]])
    i_s = skey // N
    j_s = skey % N
    i_eff = jnp.where(uniq, i_s, N)
    pad = EPAD - E
    jidx = jnp.concatenate([j_s, jnp.zeros((pad,), jnp.int32)])
    iidx = jnp.concatenate([i_eff, jnp.full((pad,), N, jnp.int32)])
    jidx = jidx.reshape(NWORK * NCHUNK, CHUNK)
    iidx = iidx.reshape(NWORK * NCHUNK, CHUNK)
    zeros = jnp.zeros((NPAD, LATENT), jnp.float32)

    partials = _k4(nb, jidx, iidx, zeros)

    enc160, aux160 = _k1(_tile4(t2), _tile4(m2), _tile4(x2), w_col, bt_col)
    step_logit = _k2b(base, enc160, aux160, W_nb, bnb2, W_out, bout2)

    p0 = partials[:N]
    last_logit = _k5(p0, xl, W_self, const_row, contrib_self, idxrep,
                     W_out, bout2)
    return (step_logit, last_logit)

# --- scband reference (transcript-rebuilt; emitter-appended) ---
"""Pipeline reference for scband-tgn-38362647888414 (READ-ONLY COPY).

The authoritative reference and input builder live on the scoring server;
editing this copy changes nothing except your own understanding.
"""

import jax, jax.numpy as jnp
import numpy as np

N = 10000
B = 32
E = 160000
LATENT = 128
NODE_DIM = 1


def _time_enc(t, w, b):
    return jnp.cos(t @ w + b)


def _gru(inp, h, W_ih, W_hh, b_ih, b_hh):
    gi = inp @ W_ih + b_ih
    gh = h @ W_hh + b_hh
    i_r, i_z, i_n = jnp.split(gi, 3, axis=-1)
    h_r, h_z, h_n = jnp.split(gh, 3, axis=-1)
    r = jax.nn.sigmoid(i_r + h_r)
    z = jax.nn.sigmoid(i_z + h_z)
    n = jnp.tanh(i_n + r * h_n)
    return (1.0 - z) * n + z * h


def setup_inputs(seed: int = 0):
    key = jax.random.key(seed)
    ks = jax.random.split(key, 20)
    s = 0.05
    d_gru = 2 * NODE_DIM + 2 * LATENT
    d_emb = NODE_DIM + 2 * LATENT
    inp = {}
    inp['x'] = jax.random.normal(ks[0], (B, N, NODE_DIM), dtype=jnp.float32)
    inp['t'] = jax.random.uniform(ks[1], (B, N, 1), dtype=jnp.float32)
    inp['src'] = jax.random.randint(ks[2], (B, 1), 0, N)
    inp['tar'] = jax.random.randint(ks[3], (B, 1), 0, N)
    inp['n_mask'] = jax.random.randint(ks[4], (B, N), 0, 2).astype(jnp.int32)
    inp['edge_index'] = jax.random.randint(ks[5], (2, E), 0, N)
    inp['w_time'] = jax.random.normal(ks[6], (1, LATENT), dtype=jnp.float32) * s
    inp['b_time'] = jax.random.normal(ks[7], (LATENT,), dtype=jnp.float32) * s
    inp['W_ih'] = jax.random.normal(ks[8], (d_gru, 3 * LATENT), dtype=jnp.float32) * s
    inp['W_hh'] = jax.random.normal(ks[9], (LATENT, 3 * LATENT), dtype=jnp.float32) * s
    inp['b_ih'] = jax.random.normal(ks[10], (3 * LATENT,), dtype=jnp.float32) * s
    inp['b_hh'] = jax.random.normal(ks[11], (3 * LATENT,), dtype=jnp.float32) * s
    inp['W_self'] = jax.random.normal(ks[12], (d_emb, LATENT), dtype=jnp.float32) * s
    inp['b_self'] = jax.random.normal(ks[13], (LATENT,), dtype=jnp.float32) * s
    inp['W_nb'] = jax.random.normal(ks[14], (d_emb, LATENT), dtype=jnp.float32) * s
    inp['b_nb'] = jax.random.normal(ks[15], (LATENT,), dtype=jnp.float32) * s
    inp['W_out'] = jax.random.normal(ks[16], (LATENT, 1), dtype=jnp.float32) * s
    inp['b_out'] = jax.random.normal(ks[17], (1,), dtype=jnp.float32) * s
    return inp


def reference(x, t, src, tar, n_mask, edge_index, w_time, b_time, W_ih, W_hh, b_ih, b_hh, W_self, b_self, W_nb, b_nb, W_out, b_out):
    memory = jnp.zeros((N, LATENT), dtype=jnp.float32)
    bidx = jnp.arange(B)
    src_i = src[:, 0]
    tar_i = tar[:, 0]
    # 1. memory update (TimeEncoder + GRU MemoryUpdater with src/tar gather + scatter-set)
    delta_t = _time_enc(t, w_time, b_time)
    x_src = x[bidx, src_i]
    x_tar = x[bidx, tar_i]
    dt_src = delta_t[bidx, src_i]
    dt_tar = delta_t[bidx, tar_i]
    mem_src = memory[src_i]
    mem_tar = memory[tar_i]
    msg_src = jnp.concatenate([x_src, x_tar, mem_tar, dt_src], axis=-1)
    msg_tar = jnp.concatenate([x_tar, x_src, mem_src, dt_tar], axis=-1)
    new_src = _gru(msg_src, mem_src, W_ih, W_hh, b_ih, b_hh)
    new_tar = _gru(msg_tar, mem_tar, W_ih, W_hh, b_ih, b_hh)
    updated = memory.at[src_i].set(new_src).at[tar_i].set(new_tar)
    # 2. step embedding (GraphSum)
    tar_x = x[bidx, tar_i]
    tar_mem = updated[tar_i]
    tar_t = jnp.zeros((B, 1), dtype=jnp.float32)
    enc_tar_t = _time_enc(tar_t, w_time, b_time)
    tar_h = jnp.concatenate([tar_x, tar_mem, enc_tar_t], axis=-1)
    hidden_ft = jnp.broadcast_to(updated[None, :, :], (B, N, LATENT))
    enc_t = _time_enc(t, w_time, b_time)
    h = jnp.concatenate([x, hidden_ft, enc_t], axis=-1)
    mask = n_mask.astype(jnp.float32)
    nb = h @ W_nb + b_nb
    agg = jnp.sum(mask[:, :, None] * nb, axis=1)
    z = jax.nn.relu(tar_h @ W_self + b_self + agg)
    step_logit = z @ W_out + b_out
    # 3. last tR logit over all nodes with dense adj mask from edge_index
    x_last = x[0]
    t_last = t[-1]
    adj = jnp.zeros((N, N), dtype=jnp.float32).at[edge_index[0], edge_index[1]].set(1.0)
    tar_t_l = jnp.zeros((N, 1), dtype=jnp.float32)
    tar_h_l = jnp.concatenate([x_last, updated, _time_enc(tar_t_l, w_time, b_time)], axis=-1)
    h_l = jnp.concatenate([x_last, updated, _time_enc(t_last, w_time, b_time)], axis=-1)
    nb_l = h_l @ W_nb + b_nb
    z_l = jax.nn.relu(tar_h_l @ W_self + b_self + adj @ nb_l)
    last_logit = z_l @ W_out + b_out
    return (step_logit, last_logit)

if __name__ == "__main__":
    import jax
    _d = setup_inputs()
    print(jax.jit(kernel)(*tuple(_d.values())))

</pallas_src>

<mosaic_0001>
#map = affine_map<(d0, d1) -> (0, 0)>
module attributes {stable_mosaic.version = 14 : i64} {
  func.func @_k4_body(%arg0: i32, %arg1: i32, %arg2: memref<10000x128xf32, #tpu.memory_space<hbm>>, %arg3: memref<1280x128xi32, #tpu.memory_space<hbm>>, %arg4: memref<1280x128xi32, #tpu.memory_space<hbm>>, %arg5: memref<10112x128xf32, #tpu.memory_space<hbm>>, %arg6: memref<10112x128xf32, #tpu.memory_space<hbm>>, %arg7: memref<2x128xi32, #tpu.memory_space<vmem>>, %arg8: memref<2x128xi32, #tpu.memory_space<vmem>>, %arg9: memref<128x128xf32, #tpu.memory_space<vmem>>, %arg10: memref<128x128xf32, #tpu.memory_space<vmem>>, %arg11: memref<10112x128xf32, #tpu.memory_space<vmem_shared>>, %arg12: memref<!tpu.dma_semaphore, #tpu.memory_space<semaphore_mem>>, %arg13: memref<!tpu.dma_semaphore, #tpu.memory_space<semaphore_mem>>) attributes {dimension_semantics = [#tpu.dimension_semantics<core_parallel>, #tpu.dimension_semantics<subcore_parallel>], iteration_bounds = array<i64: 1, 16>, scalar_prefetch = 0 : i64, scratch_operands = 7 : i64, tpu.core_type = #tpu.core_type<sc_vector_subcore>, window_params = [{transform_indices = #map}, {transform_indices = #map}, {transform_indices = #map}, {transform_indices = #map}, {transform_indices = #map}]} {
    %mul3A = arith.constant 632 : i32
    %mul3A_0 = arith.muli %arg1, %mul3A : i32
    %mul3A_1 = arith.constant 632 : i32
    %mul3A_2 = arith.muli %arg1, %mul3A_1 : i32
    "tpu.region"() ({
      %run_scoped3A_28 = tpu.sem_alloc : memref<!tpu.dma_semaphore, #tpu.memory_space<semaphore_mem>>
      %dma_start3A_29 = arith.constant 0 : i32
      %dma_start3A_30 = tpu.memref_slice %arg11[%mul3A_2, %dma_start3A_29] : memref<10112x128xf32, #tpu.memory_space<vmem_shared>> -> memref<632x128xf32, #tpu.memory_space<vmem_shared>>
      %dma_start3A_31 = arith.constant 0 : i32
      %dma_start3A_32 = tpu.memref_slice %arg5[%mul3A_0, %dma_start3A_31] : memref<10112x128xf32, #tpu.memory_space<hbm>> -> memref<632x128xf32, #tpu.memory_space<hbm>>
      tpu.enqueue_dma source(%dma_start3A_32 : memref<632x128xf32, #tpu.memory_space<hbm>>) target(%dma_start3A_30 : memref<632x128xf32, #tpu.memory_space<vmem_shared>>) target_semaphore(%run_scoped3A_28 : memref<!tpu.dma_semaphore, #tpu.memory_space<semaphore_mem>>)
      %dma_wait3A_33 = arith.constant 0 : i32
      %dma_wait3A_34 = tpu.memref_slice %arg11[%mul3A_2, %dma_wait3A_33] : memref<10112x128xf32, #tpu.memory_space<vmem_shared>> -> memref<632x128xf32, #tpu.memory_space<vmem_shared>>
      %dma_wait3A_35 = arith.constant 0 : i32
      %dma_wait3A_36 = tpu.memref_slice %arg5[%mul3A_0, %dma_wait3A_35] : memref<10112x128xf32, #tpu.memory_space<hbm>> -> memref<632x128xf32, #tpu.memory_space<hbm>>
      tpu.wait_dma2 semaphore(%run_scoped3A_28 : memref<!tpu.dma_semaphore, #tpu.memory_space<semaphore_mem>>) src(%dma_wait3A_36 : memref<632x128xf32, #tpu.memory_space<hbm>>) dst(%dma_wait3A_34 : memref<632x128xf32, #tpu.memory_space<vmem_shared>>)
      tpu.yield
    }) : () -> ()
    %barrier3A = arith.constant 0 : index
    tpu.barrier barrier_id(%barrier3A)
    %mul3A_3 = arith.constant 80 : i32
    %mul3A_4 = arith.muli %arg1, %mul3A_3 : i32
    %run_scoped3A = arith.constant 0 : i32
    "tpu.region"() ({
      %run_scoped3A_28 = tpu.sem_alloc : memref<!tpu.dma_semaphore, #tpu.memory_space<semaphore_mem>>
      %dma_start3A_29 = arith.constant 0 : i32
      %dma_start3A_30 = tpu.memref_slice %arg7[%run_scoped3A, %dma_start3A_29] : memref<2x128xi32, #tpu.memory_space<vmem>> -> memref<1x128xi32, #tpu.memory_space<vmem>>
      %dma_start3A_31 = tpu.memref_squeeze %dma_start3A_30 : memref<1x128xi32, #tpu.memory_space<vmem>> -> memref<128xi32, #tpu.memory_space<vmem>>
      %dma_start3A_32 = arith.constant 0 : i32
      %dma_start3A_33 = tpu.memref_slice %arg3[%mul3A_4, %dma_start3A_32] : memref<1280x128xi32, #tpu.memory_space<hbm>> -> memref<1x128xi32, #tpu.memory_space<hbm>>
      %dma_start3A_34 = tpu.memref_squeeze %dma_start3A_33 : memref<1x128xi32, #tpu.memory_space<hbm>> -> memref<128xi32, #tpu.memory_space<hbm>>
      %dma_start3A_35 = arith.constant 0 : i32
      %dma_start3A_36 = tpu.memref_slice %arg7[%run_scoped3A, %dma_start3A_35] : memref<2x128xi32, #tpu.memory_space<vmem>> -> memref<1x128xi32, #tpu.memory_space<vmem>>
      %dma_start3A_37 = tpu.memref_squeeze %dma_start3A_36 : memref<1x128xi32, #tpu.memory_space<vmem>> -> memref<128xi32, #tpu.memory_space<vmem>>
      %dma_start3A_38 = arith.constant 0 : i32
      %dma_start3A_39 = tpu.memref_slice %arg3[%mul3A_4, %dma_start3A_38] : memref<1280x128xi32, #tpu.memory_space<hbm>> -> memref<1x128xi32, #tpu.memory_space<hbm>>
      %dma_start3A_40 = tpu.memref_squeeze %dma_start3A_39 : memref<1x128xi32, #tpu.memory_space<hbm>> -> memref<128xi32, #tpu.memory_space<hbm>>
      tpu.enqueue_dma source(%dma_start3A_40 : memref<128xi32, #tpu.memory_space<hbm>>) target(%dma_start3A_37 : memref<128xi32, #tpu.memory_space<vmem>>) target_semaphore(%run_scoped3A_28 : memref<!tpu.dma_semaphore, #tpu.memory_space<semaphore_mem>>)
      %dma_wait3A_41 = arith.constant 0 : i32
      %dma_wait3A_42 = tpu.memref_slice %arg7[%run_scoped3A, %dma_wait3A_41] : memref<2x128xi32, #tpu.memory_space<vmem>> -> memref<1x128xi32, #tpu.memory_space<vmem>>
      %dma_wait3A_43 = tpu.memref_squeeze %dma_wait3A_42 : memref<1x128xi32, #tpu.memory_space<vmem>> -> memref<128xi32, #tpu.memory_space<vmem>>
      %dma_wait3A_44 = arith.constant 0 : i32
      %dma_wait3A_45 = tpu.memref_slice %arg3[%mul3A_4, %dma_wait3A_44] : memref<1280x128xi32, #tpu.memory_space<hbm>> -> memref<1x128xi32, #tpu.memory_space<hbm>>
      %dma_wait3A_46 = tpu.memref_squeeze %dma_wait3A_45 : memref<1x128xi32, #tpu.memory_space<hbm>> -> memref<128xi32, #tpu.memory_space<hbm>>
      %dma_wait3A_47 = arith.constant 0 : i32
      %dma_wait3A_48 = tpu.memref_slice %arg7[%run_scoped3A, %dma_wait3A_47] : memref<2x128xi32, #tpu.memory_space<vmem>> -> memref<1x128xi32, #tpu.memory_space<vmem>>
      %dma_wait3A_49 = tpu.memref_squeeze %dma_wait3A_48 : memref<1x128xi32, #tpu.memory_space<vmem>> -> memref<128xi32, #tpu.memory_space<vmem>>
      %dma_wait3A_50 = arith.constant 0 : i32
      %dma_wait3A_51 = tpu.memref_slice %arg3[%mul3A_4, %dma_wait3A_50] : memref<1280x128xi32, #tpu.memory_space<hbm>> -> memref<1x128xi32, #tpu.memory_space<hbm>>
      %dma_wait3A_52 = tpu.memref_squeeze %dma_wait3A_51 : memref<1x128xi32, #tpu.memory_space<hbm>> -> memref<128xi32, #tpu.memory_space<hbm>>
      tpu.wait_dma2 semaphore(%run_scoped3A_28 : memref<!tpu.dma_semaphore, #tpu.memory_space<semaphore_mem>>) src(%dma_wait3A_52 : memref<128xi32, #tpu.memory_space<hbm>>) dst(%dma_wait3A_49 : memref<128xi32, #tpu.memory_space<vmem>>)
      tpu.yield
    }) : () -> ()
    %run_scoped3A_5 = arith.constant 0 : i32
    "tpu.region"() ({
      %run_scoped3A_28 = tpu.sem_alloc : memref<!tpu.dma_semaphore, #tpu.memory_space<semaphore_mem>>
      %dma_start3A_29 = arith.constant 0 : i32
      %dma_start3A_30 = tpu.memref_slice %arg8[%run_scoped3A_5, %dma_start3A_29] : memref<2x128xi32, #tpu.memory_space<vmem>> -> memref<1x128xi32, #tpu.memory_space<vmem>>
      %dma_start3A_31 = tpu.memref_squeeze %dma_start3A_30 : memref<1x128xi32, #tpu.memory_space<vmem>> -> memref<128xi32, #tpu.memory_space<vmem>>
      %dma_start3A_32 = arith.constant 0 : i32
      %dma_start3A_33 = tpu.memref_slice %arg4[%mul3A_4, %dma_start3A_32] : memref<1280x128xi32, #tpu.memory_space<hbm>> -> memref<1x128xi32, #tpu.memory_space<hbm>>
      %dma_start3A_34 = tpu.memref_squeeze %dma_start3A_33 : memref<1x128xi32, #tpu.memory_space<hbm>> -> memref<128xi32, #tpu.memory_space<hbm>>
      %dma_start3A_35 = arith.constant 0 : i32
      %dma_start3A_36 = tpu.memref_slice %arg8[%run_scoped3A_5, %dma_start3A_35] : memref<2x128xi32, #tpu.memory_space<vmem>> -> memref<1x128xi32, #tpu.memory_space<vmem>>
      %dma_start3A_37 = tpu.memref_squeeze %dma_start3A_36 : memref<1x128xi32, #tpu.memory_space<vmem>> -> memref<128xi32, #tpu.memory_space<vmem>>
      %dma_start3A_38 = arith.constant 0 : i32
      %dma_start3A_39 = tpu.memref_slice %arg4[%mul3A_4, %dma_start3A_38] : memref<1280x128xi32, #tpu.memory_space<hbm>> -> memref<1x128xi32, #tpu.memory_space<hbm>>
      %dma_start3A_40 = tpu.memref_squeeze %dma_start3A_39 : memref<1x128xi32, #tpu.memory_space<hbm>> -> memref<128xi32, #tpu.memory_space<hbm>>
      tpu.enqueue_dma source(%dma_start3A_40 : memref<128xi32, #tpu.memory_space<hbm>>) target(%dma_start3A_37 : memref<128xi32, #tpu.memory_space<vmem>>) target_semaphore(%run_scoped3A_28 : memref<!tpu.dma_semaphore, #tpu.memory_space<semaphore_mem>>)
      %dma_wait3A_41 = arith.constant 0 : i32
      %dma_wait3A_42 = tpu.memref_slice %arg8[%run_scoped3A_5, %dma_wait3A_41] : memref<2x128xi32, #tpu.memory_space<vmem>> -> memref<1x128xi32, #tpu.memory_space<vmem>>
      %dma_wait3A_43 = tpu.memref_squeeze %dma_wait3A_42 : memref<1x128xi32, #tpu.memory_space<vmem>> -> memref<128xi32, #tpu.memory_space<vmem>>
      %dma_wait3A_44 = arith.constant 0 : i32
      %dma_wait3A_45 = tpu.memref_slice %arg4[%mul3A_4, %dma_wait3A_44] : memref<1280x128xi32, #tpu.memory_space<hbm>> -> memref<1x128xi32, #tpu.memory_space<hbm>>
      %dma_wait3A_46 = tpu.memref_squeeze %dma_wait3A_45 : memref<1x128xi32, #tpu.memory_space<hbm>> -> memref<128xi32, #tpu.memory_space<hbm>>
      %dma_wait3A_47 = arith.constant 0 : i32
      %dma_wait3A_48 = tpu.memref_slice %arg8[%run_scoped3A_5, %dma_wait3A_47] : memref<2x128xi32, #tpu.memory_space<vmem>> -> memref<1x128xi32, #tpu.memory_space<vmem>>
      %dma_wait3A_49 = tpu.memref_squeeze %dma_wait3A_48 : memref<1x128xi32, #tpu.memory_space<vmem>> -> memref<128xi32, #tpu.memory_space<vmem>>
      %dma_wait3A_50 = arith.constant 0 : i32
      %dma_wait3A_51 = tpu.memref_slice %arg4[%mul3A_4, %dma_wait3A_50] : memref<1280x128xi32, #tpu.memory_space<hbm>> -> memref<1x128xi32, #tpu.memory_space<hbm>>
      %dma_wait3A_52 = tpu.memref_squeeze %dma_wait3A_51 : memref<1x128xi32, #tpu.memory_space<hbm>> -> memref<128xi32, #tpu.memory_space<hbm>>
      tpu.wait_dma2 semaphore(%run_scoped3A_28 : memref<!tpu.dma_semaphore, #tpu.memory_space<semaphore_mem>>) src(%dma_wait3A_52 : memref<128xi32, #tpu.memory_space<hbm>>) dst(%dma_wait3A_49 : memref<128xi32, #tpu.memory_space<vmem>>)
      tpu.yield
    }) : () -> ()
    %dma_start3A = arith.constant 0 : i32
    %dma_start3A_6 = arith.constant 0 : i32
    %dma_start3A_7 = tpu.memref_slice %arg7[%dma_start3A, %dma_start3A_6] : memref<2x128xi32, #tpu.memory_space<vmem>> -> memref<1x128xi32, #tpu.memory_space<vmem>>
    %dma_start3A_8 = tpu.memref_squeeze %dma_start3A_7 : memref<1x128xi32, #tpu.memory_space<vmem>> -> memref<128xi32, #tpu.memory_space<vmem>>
    %dma_start3A_9 = arith.constant 0 : i32
    %dma_start3A_10 = arith.constant 0 : i32
    %dma_start3A_11 = tpu.memref_slice %arg2[%dma_start3A_9, %dma_start3A_10] : memref<10000x128xf32, #tpu.memory_space<hbm>> -> memref<10000x128xf32, #tpu.memory_space<hbm>>
    tpu.enqueue_indirect_dma source(%dma_start3A_11 : memref<10000x128xf32, #tpu.memory_space<hbm>>) target(%arg9 : memref<128x128xf32, #tpu.memory_space<vmem>>) offsets(%dma_start3A_8 : memref<128xi32, #tpu.memory_space<vmem>>) semaphore(%arg12 : memref<!tpu.dma_semaphore, #tpu.memory_space<semaphore_mem>>)
    %scan3A = arith.constant 0 : i32
    %scan3A_12 = arith.constant 0 : i32
    %scan3A_13 = arith.constant 40 : i32
    %scan3A_14 = arith.addi %scan3A_12, %scan3A_13 : i32
    %scan3A_15 = arith.constant 1 : i32
    scf.for %scan3A_28 = %scan3A_12 to %scan3A_14 step %scan3A_15  : i32 {
      %mul3A_29 = arith.constant 2 : i32
      %mul3A_30 = arith.muli %scan3A_28, %mul3A_29 : i32
      %add3A = arith.addi %mul3A_4, %mul3A_30 : i32
      %add3A_31 = arith.constant 1 : i32
      %add3A_32 = arith.addi %add3A, %add3A_31 : i32
      %run_scoped3A_33 = arith.constant 1 : i32
      "tpu.region"() ({
        %run_scoped3A_76 = tpu.sem_alloc : memref<!tpu.dma_semaphore, #tpu.memory_space<semaphore_mem>>
        %dma_start3A_77 = arith.constant 0 : i32
        %dma_start3A_78 = tpu.memref_slice %arg7[%run_scoped3A_33, %dma_start3A_77] : memref<2x128xi32, #tpu.memory_space<vmem>> -> memref<1x128xi32, #tpu.memory_space<vmem>>
        %dma_start3A_79 = tpu.memref_squeeze %dma_start3A_78 : memref<1x128xi32, #tpu.memory_space<vmem>> -> memref<128xi32, #tpu.memory_space<vmem>>
        %dma_start3A_80 = arith.constant 0 : i32
        %dma_start3A_81 = tpu.memref_slice %arg3[%add3A_32, %dma_start3A_80] : memref<1280x128xi32, #tpu.memory_space<hbm>> -> memref<1x128xi32, #tpu.memory_space<hbm>>
        %dma_start3A_82 = tpu.memref_squeeze %dma_start3A_81 : memref<1x128xi32, #tpu.memory_space<hbm>> -> memref<128xi32, #tpu.memory_space<hbm>>
        %dma_start3A_83 = arith.constant 0 : i32
        %dma_start3A_84 = tpu.memref_slice %arg7[%run_scoped3A_33, %dma_start3A_83] : memref<2x128xi32, #tpu.memory_space<vmem>> -> memref<1x128xi32, #tpu.memory_space<vmem>>
        %dma_start3A_85 = tpu.memref_squeeze %dma_start3A_84 : memref<1x128xi32, #tpu.memory_space<vmem>> -> memref<128xi32, #tpu.memory_space<vmem>>
        %dma_start3A_86 = arith.constant 0 : i32
        %dma_start3A_87 = tpu.memref_slice %arg3[%add3A_32, %dma_start3A_86] : memref<1280x128xi32, #tpu.memory_space<hbm>> -> memref<1x128xi32, #tpu.memory_space<hbm>>
        %dma_start3A_88 = tpu.memref_squeeze %dma_start3A_87 : memref<1x128xi32, #tpu.memory_space<hbm>> -> memref<128xi32, #tpu.memory_space<hbm>>
        tpu.enqueue_dma source(%dma_start3A_88 : memref<128xi32, #tpu.memory_space<hbm>>) target(%dma_start3A_85 : memref<128xi32, #tpu.memory_space<vmem>>) target_semaphore(%run_scoped3A_76 : memref<!tpu.dma_semaphore, #tpu.memory_space<semaphore_mem>>)
        %dma_wait3A_89 = arith.constant 0 : i32
        %dma_wait3A_90 = tpu.memref_slice %arg7[%run_scoped3A_33, %dma_wait3A_89] : memref<2x128xi32, #tpu.memory_space<vmem>> -> memref<1x128xi32, #tpu.memory_space<vmem>>
        %dma_wait3A_91 = tpu.memref_squeeze %dma_wait3A_90 : memref<1x128xi32, #tpu.memory_space<vmem>> -> memref<128xi32, #tpu.memory_space<vmem>>
        %dma_wait3A_92 = arith.constant 0 : i32
        %dma_wait3A_93 = tpu.memref_slice %arg3[%add3A_32, %dma_wait3A_92] : memref<1280x128xi32, #tpu.memory_space<hbm>> -> memref<1x128xi32, #tpu.memory_space<hbm>>
        %dma_wait3A_94 = tpu.memref_squeeze %dma_wait3A_93 : memref<1x128xi32, #tpu.memory_space<hbm>> -> memref<128xi32, #tpu.memory_space<hbm>>
        %dma_wait3A_95 = arith.constant 0 : i32
        %dma_wait3A_96 = tpu.memref_slice %arg7[%run_scoped3A_33, %dma_wait3A_95] : memref<2x128xi32, #tpu.memory_space<vmem>> -> memref<1x128xi32, #tpu.memory_space<vmem>>
        %dma_wait3A_97 = tpu.memref_squeeze %dma_wait3A_96 : memref<1x128xi32, #tpu.memory_space<vmem>> -> memref<128xi32, #tpu.memory_space<vmem>>
        %dma_wait3A_98 = arith.constant 0 : i32
        %dma_wait3A_99 = tpu.memref_slice %arg3[%add3A_32, %dma_wait3A_98] : memref<1280x128xi32, #tpu.memory_space<hbm>> -> memref<1x128xi32, #tpu.memory_space<hbm>>
        %dma_wait3A_100 = tpu.memref_squeeze %dma_wait3A_99 : memref<1x128xi32, #tpu.memory_space<hbm>> -> memref<128xi32, #tpu.memory_space<hbm>>
        tpu.wait_dma2 semaphore(%run_scoped3A_76 : memref<!tpu.dma_semaphore, #tpu.memory_space<semaphore_mem>>) src(%dma_wait3A_100 : memref<128xi32, #tpu.memory_space<hbm>>) dst(%dma_wait3A_97 : memref<128xi32, #tpu.memory_space<vmem>>)
        tpu.yield
      }) : () -> ()
      %add3A_34 = arith.addi %mul3A_4, %mul3A_30 : i32
      %add3A_35 = arith.constant 1 : i32
      %add3A_36 = arith.addi %add3A_34, %add3A_35 : i32
      %run_scoped3A_37 = arith.constant 1 : i32
      "tpu.region"() ({
        %run_scoped3A_76 = tpu.sem_alloc : memref<!tpu.dma_semaphore, #tpu.memory_space<semaphore_mem>>
        %dma_start3A_77 = arith.constant 0 : i32
        %dma_start3A_78 = tpu.memref_slice %arg8[%run_scoped3A_37, %dma_start3A_77] : memref<2x128xi32, #tpu.memory_space<vmem>> -> memref<1x128xi32, #tpu.memory_space<vmem>>
        %dma_start3A_79 = tpu.memref_squeeze %dma_start3A_78 : memref<1x128xi32, #tpu.memory_space<vmem>> -> memref<128xi32, #tpu.memory_space<vmem>>
        %dma_start3A_80 = arith.constant 0 : i32
        %dma_start3A_81 = tpu.memref_slice %arg4[%add3A_36, %dma_start3A_80] : memref<1280x128xi32, #tpu.memory_space<hbm>> -> memref<1x128xi32, #tpu.memory_space<hbm>>
        %dma_start3A_82 = tpu.memref_squeeze %dma_start3A_81 : memref<1x128xi32, #tpu.memory_space<hbm>> -> memref<128xi32, #tpu.memory_space<hbm>>
        %dma_start3A_83 = arith.constant 0 : i32
        %dma_start3A_84 = tpu.memref_slice %arg8[%run_scoped3A_37, %dma_start3A_83] : memref<2x128xi32, #tpu.memory_space<vmem>> -> memref<1x128xi32, #tpu.memory_space<vmem>>
        %dma_start3A_85 = tpu.memref_squeeze %dma_start3A_84 : memref<1x128xi32, #tpu.memory_space<vmem>> -> memref<128xi32, #tpu.memory_space<vmem>>
        %dma_start3A_86 = arith.constant 0 : i32
        %dma_start3A_87 = tpu.memref_slice %arg4[%add3A_36, %dma_start3A_86] : memref<1280x128xi32, #tpu.memory_space<hbm>> -> memref<1x128xi32, #tpu.memory_space<hbm>>
        %dma_start3A_88 = tpu.memref_squeeze %dma_start3A_87 : memref<1x128xi32, #tpu.memory_space<hbm>> -> memref<128xi32, #tpu.memory_space<hbm>>
        tpu.enqueue_dma source(%dma_start3A_88 : memref<128xi32, #tpu.memory_space<hbm>>) target(%dma_start3A_85 : memref<128xi32, #tpu.memory_space<vmem>>) target_semaphore(%run_scoped3A_76 : memref<!tpu.dma_semaphore, #tpu.memory_space<semaphore_mem>>)
        %dma_wait3A_89 = arith.constant 0 : i32
        %dma_wait3A_90 = tpu.memref_slice %arg8[%run_scoped3A_37, %dma_wait3A_89] : memref<2x128xi32, #tpu.memory_space<vmem>> -> memref<1x128xi32, #tpu.memory_space<vmem>>
        %dma_wait3A_91 = tpu.memref_squeeze %dma_wait3A_90 : memref<1x128xi32, #tpu.memory_space<vmem>> -> memref<128xi32, #tpu.memory_space<vmem>>
        %dma_wait3A_92 = arith.constant 0 : i32
        %dma_wait3A_93 = tpu.memref_slice %arg4[%add3A_36, %dma_wait3A_92] : memref<1280x128xi32, #tpu.memory_space<hbm>> -> memref<1x128xi32, #tpu.memory_space<hbm>>
        %dma_wait3A_94 = tpu.memref_squeeze %dma_wait3A_93 : memref<1x128xi32, #tpu.memory_space<hbm>> -> memref<128xi32, #tpu.memory_space<hbm>>
        %dma_wait3A_95 = arith.constant 0 : i32
        %dma_wait3A_96 = tpu.memref_slice %arg8[%run_scoped3A_37, %dma_wait3A_95] : memref<2x128xi32, #tpu.memory_space<vmem>> -> memref<1x128xi32, #tpu.memory_space<vmem>>
        %dma_wait3A_97 = tpu.memref_squeeze %dma_wait3A_96 : memref<1x128xi32, #tpu.memory_space<vmem>> -> memref<128xi32, #tpu.memory_space<vmem>>
        %dma_wait3A_98 = arith.constant 0 : i32
        %dma_wait3A_99 = tpu.memref_slice %arg4[%add3A_36, %dma_wait3A_98] : memref<1280x128xi32, #tpu.memory_space<hbm>> -> memref<1x128xi32, #tpu.memory_space<hbm>>
        %dma_wait3A_100 = tpu.memref_squeeze %dma_wait3A_99 : memref<1x128xi32, #tpu.memory_space<hbm>> -> memref<128xi32, #tpu.memory_space<hbm>>
        tpu.wait_dma2 semaphore(%run_scoped3A_76 : memref<!tpu.dma_semaphore, #tpu.memory_space<semaphore_mem>>) src(%dma_wait3A_100 : memref<128xi32, #tpu.memory_space<hbm>>) dst(%dma_wait3A_97 : memref<128xi32, #tpu.memory_space<vmem>>)
        tpu.yield
      }) : () -> ()
      %dma_start3A_38 = arith.constant 1 : i32
      %dma_start3A_39 = arith.constant 0 : i32
      %dma_start3A_40 = tpu.memref_slice %arg7[%dma_start3A_38, %dma_start3A_39] : memref<2x128xi32, #tpu.memory_space<vmem>> -> memref<1x128xi32, #tpu.memory_space<vmem>>
      %dma_start3A_41 = tpu.memref_squeeze %dma_start3A_40 : memref<1x128xi32, #tpu.memory_space<vmem>> -> memref<128xi32, #tpu.memory_space<vmem>>
      %dma_start3A_42 = arith.constant 0 : i32
      %dma_start3A_43 = arith.constant 0 : i32
      %dma_start3A_44 = tpu.memref_slice %arg2[%dma_start3A_42, %dma_start3A_43] : memref<10000x128xf32, #tpu.memory_space<hbm>> -> memref<10000x128xf32, #tpu.memory_space<hbm>>
      tpu.enqueue_indirect_dma source(%dma_start3A_44 : memref<10000x128xf32, #tpu.memory_space<hbm>>) target(%arg10 : memref<128x128xf32, #tpu.memory_space<vmem>>) offsets(%dma_start3A_41 : memref<128xi32, #tpu.memory_space<vmem>>) semaphore(%arg13 : memref<!tpu.dma_semaphore, #tpu.memory_space<semaphore_mem>>)
      %dma_wait3A_45 = arith.constant 0 : i32
      %dma_wait3A_46 = arith.constant 0 : i32
      %dma_wait3A_47 = tpu.memref_slice %arg7[%dma_wait3A_45, %dma_wait3A_46] : memref<2x128xi32, #tpu.memory_space<vmem>> -> memref<1x128xi32, #tpu.memory_space<vmem>>
      %dma_wait3A_48 = tpu.memref_squeeze %dma_wait3A_47 : memref<1x128xi32, #tpu.memory_space<vmem>> -> memref<128xi32, #tpu.memory_space<vmem>>
      %dma_wait3A_49 = arith.constant 0 : i32
      %dma_wait3A_50 = arith.constant 0 : i32
      %dma_wait3A_51 = tpu.memref_slice %arg2[%dma_wait3A_49, %dma_wait3A_50] : memref<10000x128xf32, #tpu.memory_space<hbm>> -> memref<10000x128xf32, #tpu.memory_space<hbm>>
      tpu.wait_indirect_dma semaphore(%arg12 : memref<!tpu.dma_semaphore, #tpu.memory_space<semaphore_mem>>) src(%dma_wait3A_51 : memref<10000x128xf32, #tpu.memory_space<hbm>>) dst(%arg9 : memref<128x128xf32, #tpu.memory_space<vmem>>)
      %run_scoped3A_52 = arith.constant 0 : i32
      "tpu.region"() ({
        %run_scoped3A_76 = tpu.sem_alloc : memref<!tpu.dma_semaphore, #tpu.memory_space<semaphore_mem>>
        %dma_start3A_77 = arith.constant 0 : i32
        %dma_start3A_78 = tpu.memref_slice %arg8[%run_scoped3A_52, %dma_start3A_77] : memref<2x128xi32, #tpu.memory_space<vmem>> -> memref<1x128xi32, #tpu.memory_space<vmem>>
        %dma_start3A_79 = tpu.memref_squeeze %dma_start3A_78 : memref<1x128xi32, #tpu.memory_space<vmem>> -> memref<128xi32, #tpu.memory_space<vmem>>
        %dma_start3A_80 = arith.constant 0 : i32
        %dma_start3A_81 = arith.constant 0 : i32
        %dma_start3A_82 = tpu.memref_slice %arg11[%dma_start3A_80, %dma_start3A_81] : memref<10112x128xf32, #tpu.memory_space<vmem_shared>> -> memref<10112x128xf32, #tpu.memory_space<vmem_shared>>
        tpu.enqueue_indirect_dma source(%arg9 : memref<128x128xf32, #tpu.memory_space<vmem>>) target(%dma_start3A_82 : memref<10112x128xf32, #tpu.memory_space<vmem_shared>>) offsets(%dma_start3A_79 : memref<128xi32, #tpu.memory_space<vmem>>) semaphore(%run_scoped3A_76 : memref<!tpu.dma_semaphore, #tpu.memory_space<semaphore_mem>>) {add = true}
        %dma_wait3A_83 = arith.constant 0 : i32
        %dma_wait3A_84 = tpu.memref_slice %arg8[%run_scoped3A_52, %dma_wait3A_83] : memref<2x128xi32, #tpu.memory_space<vmem>> -> memref<1x128xi32, #tpu.memory_space<vmem>>
        %dma_wait3A_85 = tpu.memref_squeeze %dma_wait3A_84 : memref<1x128xi32, #tpu.memory_space<vmem>> -> memref<128xi32, #tpu.memory_space<vmem>>
        %dma_wait3A_86 = arith.constant 0 : i32
        %dma_wait3A_87 = arith.constant 0 : i32
        %dma_wait3A_88 = tpu.memref_slice %arg11[%dma_wait3A_86, %dma_wait3A_87] : memref<10112x128xf32, #tpu.memory_space<vmem_shared>> -> memref<10112x128xf32, #tpu.memory_space<vmem_shared>>
        tpu.wait_indirect_dma semaphore(%run_scoped3A_76 : memref<!tpu.dma_semaphore, #tpu.memory_space<semaphore_mem>>) src(%arg9 : memref<128x128xf32, #tpu.memory_space<vmem>>) dst(%dma_wait3A_88 : memref<10112x128xf32, #tpu.memory_space<vmem_shared>>)
        tpu.yield
      }) : () -> ()
      %add3A_53 = arith.constant 2 : i32
      %add3A_54 = arith.addi %mul3A_30, %add3A_53 : i32
      %lt3A = arith.constant 80 : i32
      %lt3A_55 = arith.cmpi slt, %add3A_54, %lt3A : i32
      %add3A_56 = arith.addi %mul3A_4, %mul3A_30 : i32
      %add3A_57 = arith.constant 2 : i32
      %add3A_58 = arith.addi %add3A_56, %add3A_57 : i32
      %select_n3A = arith.select %lt3A_55, %add3A_58, %mul3A_4 : i32
      %run_scoped3A_59 = arith.constant 0 : i32
      "tpu.region"() ({
        %run_scoped3A_76 = tpu.sem_alloc : memref<!tpu.dma_semaphore, #tpu.memory_space<semaphore_mem>>
        %dma_start3A_77 = arith.constant 0 : i32
        %dma_start3A_78 = tpu.memref_slice %arg7[%run_scoped3A_59, %dma_start3A_77] : memref<2x128xi32, #tpu.memory_space<vmem>> -> memref<1x128xi32, #tpu.memory_space<vmem>>
        %dma_start3A_79 = tpu.memref_squeeze %dma_start3A_78 : memref<1x128xi32, #tpu.memory_space<vmem>> -> memref<128xi32, #tpu.memory_space<vmem>>
        %dma_start3A_80 = arith.constant 0 : i32
        %dma_start3A_81 = tpu.memref_slice %arg3[%select_n3A, %dma_start3A_80] : memref<1280x128xi32, #tpu.memory_space<hbm>> -> memref<1x128xi32, #tpu.memory_space<hbm>>
        %dma_start3A_82 = tpu.memref_squeeze %dma_start3A_81 : memref<1x128xi32, #tpu.memory_space<hbm>> -> memref<128xi32, #tpu.memory_space<hbm>>
        %dma_start3A_83 = arith.constant 0 : i32
        %dma_start3A_84 = tpu.memref_slice %arg7[%run_scoped3A_59, %dma_start3A_83] : memref<2x128xi32, #tpu.memory_space<vmem>> -> memref<1x128xi32, #tpu.memory_space<vmem>>
        %dma_start3A_85 = tpu.memref_squeeze %dma_start3A_84 : memref<1x128xi32, #tpu.memory_space<vmem>> -> memref<128xi32, #tpu.memory_space<vmem>>
        %dma_start3A_86 = arith.constant 0 : i32
        %dma_start3A_87 = tpu.memref_slice %arg3[%select_n3A, %dma_start3A_86] : memref<1280x128xi32, #tpu.memory_space<hbm>> -> memref<1x128xi32, #tpu.memory_space<hbm>>
        %dma_start3A_88 = tpu.memref_squeeze %dma_start3A_87 : memref<1x128xi32, #tpu.memory_space<hbm>> -> memref<128xi32, #tpu.memory_space<hbm>>
        tpu.enqueue_dma source(%dma_start3A_88 : memref<128xi32, #tpu.memory_space<hbm>>) target(%dma_start3A_85 : memref<128xi32, #tpu.memory_space<vmem>>) target_semaphore(%run_scoped3A_76 : memref<!tpu.dma_semaphore, #tpu.memory_space<semaphore_mem>>)
        %dma_wait3A_89 = arith.constant 0 : i32
        %dma_wait3A_90 = tpu.memref_slice %arg7[%run_scoped3A_59, %dma_wait3A_89] : memref<2x128xi32, #tpu.memory_space<vmem>> -> memref<1x128xi32, #tpu.memory_space<vmem>>
        %dma_wait3A_91 = tpu.memref_squeeze %dma_wait3A_90 : memref<1x128xi32, #tpu.memory_space<vmem>> -> memref<128xi32, #tpu.memory_space<vmem>>
        %dma_wait3A_92 = arith.constant 0 : i32
        %dma_wait3A_93 = tpu.memref_slice %arg3[%select_n3A, %dma_wait3A_92] : memref<1280x128xi32, #tpu.memory_space<hbm>> -> memref<1x128xi32, #tpu.memory_space<hbm>>
        %dma_wait3A_94 = tpu.memref_squeeze %dma_wait3A_93 : memref<1x128xi32, #tpu.memory_space<hbm>> -> memref<128xi32, #tpu.memory_space<hbm>>
        %dma_wait3A_95 = arith.constant 0 : i32
        %dma_wait3A_96 = tpu.memref_slice %arg7[%run_scoped3A_59, %dma_wait3A_95] : memref<2x128xi32, #tpu.memory_space<vmem>> -> memref<1x128xi32, #tpu.memory_space<vmem>>
        %dma_wait3A_97 = tpu.memref_squeeze %dma_wait3A_96 : memref<1x128xi32, #tpu.memory_space<vmem>> -> memref<128xi32, #tpu.memory_space<vmem>>
        %dma_wait3A_98 = arith.constant 0 : i32
        %dma_wait3A_99 = tpu.memref_slice %arg3[%select_n3A, %dma_wait3A_98] : memref<1280x128xi32, #tpu.memory_space<hbm>> -> memref<1x128xi32, #tpu.memory_space<hbm>>
        %dma_wait3A_100 = tpu.memref_squeeze %dma_wait3A_99 : memref<1x128xi32, #tpu.memory_space<hbm>> -> memref<128xi32, #tpu.memory_space<hbm>>
        tpu.wait_dma2 semaphore(%run_scoped3A_76 : memref<!tpu.dma_semaphore, #tpu.memory_space<semaphore_mem>>) src(%dma_wait3A_100 : memref<128xi32, #tpu.memory_space<hbm>>) dst(%dma_wait3A_97 : memref<128xi32, #tpu.memory_space<vmem>>)
        tpu.yield
      }) : () -> ()
      %dma_start3A_60 = arith.constant 0 : i32
      %dma_start3A_61 = arith.constant 0 : i32
      %dma_start3A_62 = tpu.memref_slice %arg7[%dma_start3A_60, %dma_start3A_61] : memref<2x128xi32, #tpu.memory_space<vmem>> -> memref<1x128xi32, #tpu.memory_space<vmem>>
      %dma_start3A_63 = tpu.memref_squeeze %dma_start3A_62 : memref<1x128xi32, #tpu.memory_space<vmem>> -> memref<128xi32, #tpu.memory_space<vmem>>
      %dma_start3A_64 = arith.constant 0 : i32
      %dma_start3A_65 = arith.constant 0 : i32
      %dma_start3A_66 = tpu.memref_slice %arg2[%dma_start3A_64, %dma_start3A_65] : memref<10000x128xf32, #tpu.memory_space<hbm>> -> memref<10000x128xf32, #tpu.memory_space<hbm>>
      tpu.enqueue_indirect_dma source(%dma_start3A_66 : memref<10000x128xf32, #tpu.memory_space<hbm>>) target(%arg9 : memref<128x128xf32, #tpu.memory_space<vmem>>) offsets(%dma_start3A_63 : memref<128xi32, #tpu.memory_space<vmem>>) semaphore(%arg12 : memref<!tpu.dma_semaphore, #tpu.memory_space<semaphore_mem>>)
      %run_scoped3A_67 = arith.constant 0 : i32
      "tpu.region"() ({
        %run_scoped3A_76 = tpu.sem_alloc : memref<!tpu.dma_semaphore, #tpu.memory_space<semaphore_mem>>
        %dma_start3A_77 = arith.constant 0 : i32
        %dma_start3A_78 = tpu.memref_slice %arg8[%run_scoped3A_67, %dma_start3A_77] : memref<2x128xi32, #tpu.memory_space<vmem>> -> memref<1x128xi32, #tpu.memory_space<vmem>>
        %dma_start3A_79 = tpu.memref_squeeze %dma_start3A_78 : memref<1x128xi32, #tpu.memory_space<vmem>> -> memref<128xi32, #tpu.memory_space<vmem>>
        %dma_start3A_80 = arith.constant 0 : i32
        %dma_start3A_81 = tpu.memref_slice %arg4[%select_n3A, %dma_start3A_80] : memref<1280x128xi32, #tpu.memory_space<hbm>> -> memref<1x128xi32, #tpu.memory_space<hbm>>
        %dma_start3A_82 = tpu.memref_squeeze %dma_start3A_81 : memref<1x128xi32, #tpu.memory_space<hbm>> -> memref<128xi32, #tpu.memory_space<hbm>>
        %dma_start3A_83 = arith.constant 0 : i32
        %dma_start3A_84 = tpu.memref_slice %arg8[%run_scoped3A_67, %dma_start3A_83] : memref<2x128xi32, #tpu.memory_space<vmem>> -> memref<1x128xi32, #tpu.memory_space<vmem>>
        %dma_start3A_85 = tpu.memref_squeeze %dma_start3A_84 : memref<1x128xi32, #tpu.memory_space<vmem>> -> memref<128xi32, #tpu.memory_space<vmem>>
        %dma_start3A_86 = arith.constant 0 : i32
        %dma_start3A_87 = tpu.memref_slice %arg4[%select_n3A, %dma_start3A_86] : memref<1280x128xi32, #tpu.memory_space<hbm>> -> memref<1x128xi32, #tpu.memory_space<hbm>>
        %dma_start3A_88 = tpu.memref_squeeze %dma_start3A_87 : memref<1x128xi32, #tpu.memory_space<hbm>> -> memref<128xi32, #tpu.memory_space<hbm>>
        tpu.enqueue_dma source(%dma_start3A_88 : memref<128xi32, #tpu.memory_space<hbm>>) target(%dma_start3A_85 : memref<128xi32, #tpu.memory_space<vmem>>) target_semaphore(%run_scoped3A_76 : memref<!tpu.dma_semaphore, #tpu.memory_space<semaphore_mem>>)
        %dma_wait3A_89 = arith.constant 0 : i32
        %dma_wait3A_90 = tpu.memref_slice %arg8[%run_scoped3A_67, %dma_wait3A_89] : memref<2x128xi32, #tpu.memory_space<vmem>> -> memref<1x128xi32, #tpu.memory_space<vmem>>
        %dma_wait3A_91 = tpu.memref_squeeze %dma_wait3A_90 : memref<1x128xi32, #tpu.memory_space<vmem>> -> memref<128xi32, #tpu.memory_space<vmem>>
        %dma_wait3A_92 = arith.constant 0 : i32
        %dma_wait3A_93 = tpu.memref_slice %arg4[%select_n3A, %dma_wait3A_92] : memref<1280x128xi32, #tpu.memory_space<hbm>> -> memref<1x128xi32, #tpu.memory_space<hbm>>
        %dma_wait3A_94 = tpu.memref_squeeze %dma_wait3A_93 : memref<1x128xi32, #tpu.memory_space<hbm>> -> memref<128xi32, #tpu.memory_space<hbm>>
        %dma_wait3A_95 = arith.constant 0 : i32
        %dma_wait3A_96 = tpu.memref_slice %arg8[%run_scoped3A_67, %dma_wait3A_95] : memref<2x128xi32, #tpu.memory_space<vmem>> -> memref<1x128xi32, #tpu.memory_space<vmem>>
        %dma_wait3A_97 = tpu.memref_squeeze %dma_wait3A_96 : memref<1x128xi32, #tpu.memory_space<vmem>> -> memref<128xi32, #tpu.memory_space<vmem>>
        %dma_wait3A_98 = arith.constant 0 : i32
        %dma_wait3A_99 = tpu.memref_slice %arg4[%select_n3A, %dma_wait3A_98] : memref<1280x128xi32, #tpu.memory_space<hbm>> -> memref<1x128xi32, #tpu.memory_space<hbm>>
        %dma_wait3A_100 = tpu.memref_squeeze %dma_wait3A_99 : memref<1x128xi32, #tpu.memory_space<hbm>> -> memref<128xi32, #tpu.memory_space<hbm>>
        tpu.wait_dma2 semaphore(%run_scoped3A_76 : memref<!tpu.dma_semaphore, #tpu.memory_space<semaphore_mem>>) src(%dma_wait3A_100 : memref<128xi32, #tpu.memory_space<hbm>>) dst(%dma_wait3A_97 : memref<128xi32, #tpu.memory_space<vmem>>)
        tpu.yield
      }) : () -> ()
      %dma_wait3A_68 = arith.constant 1 : i32
      %dma_wait3A_69 = arith.constant 0 : i32
      %dma_wait3A_70 = tpu.memref_slice %arg7[%dma_wait3A_68, %dma_wait3A_69] : memref<2x128xi32, #tpu.memory_space<vmem>> -> memref<1x128xi32, #tpu.memory_space<vmem>>
      %dma_wait3A_71 = tpu.memref_squeeze %dma_wait3A_70 : memref<1x128xi32, #tpu.memory_space<vmem>> -> memref<128xi32, #tpu.memory_space<vmem>>
      %dma_wait3A_72 = arith.constant 0 : i32
      %dma_wait3A_73 = arith.constant 0 : i32
      %dma_wait3A_74 = tpu.memref_slice %arg2[%dma_wait3A_72, %dma_wait3A_73] : memref<10000x128xf32, #tpu.memory_space<hbm>> -> memref<10000x128xf32, #tpu.memory_space<hbm>>
      tpu.wait_indirect_dma semaphore(%arg13 : memref<!tpu.dma_semaphore, #tpu.memory_space<semaphore_mem>>) src(%dma_wait3A_74 : memref<10000x128xf32, #tpu.memory_space<hbm>>) dst(%arg10 : memref<128x128xf32, #tpu.memory_space<vmem>>)
      %run_scoped3A_75 = arith.constant 1 : i32
      "tpu.region"() ({
        %run_scoped3A_76 = tpu.sem_alloc : memref<!tpu.dma_semaphore, #tpu.memory_space<semaphore_mem>>
        %dma_start3A_77 = arith.constant 0 : i32
        %dma_start3A_78 = tpu.memref_slice %arg8[%run_scoped3A_75, %dma_start3A_77] : memref<2x128xi32, #tpu.memory_space<vmem>> -> memref<1x128xi32, #tpu.memory_space<vmem>>
        %dma_start3A_79 = tpu.memref_squeeze %dma_start3A_78 : memref<1x128xi32, #tpu.memory_space<vmem>> -> memref<128xi32, #tpu.memory_space<vmem>>
        %dma_start3A_80 = arith.constant 0 : i32
        %dma_start3A_81 = arith.constant 0 : i32
        %dma_start3A_82 = tpu.memref_slice %arg11[%dma_start3A_80, %dma_start3A_81] : memref<10112x128xf32, #tpu.memory_space<vmem_shared>> -> memref<10112x128xf32, #tpu.memory_space<vmem_shared>>
        tpu.enqueue_indirect_dma source(%arg10 : memref<128x128xf32, #tpu.memory_space<vmem>>) target(%dma_start3A_82 : memref<10112x128xf32, #tpu.memory_space<vmem_shared>>) offsets(%dma_start3A_79 : memref<128xi32, #tpu.memory_space<vmem>>) semaphore(%run_scoped3A_76 : memref<!tpu.dma_semaphore, #tpu.memory_space<semaphore_mem>>) {add = true}
        %dma_wait3A_83 = arith.constant 0 : i32
        %dma_wait3A_84 = tpu.memref_slice %arg8[%run_scoped3A_75, %dma_wait3A_83] : memref<2x128xi32, #tpu.memory_space<vmem>> -> memref<1x128xi32, #tpu.memory_space<vmem>>
        %dma_wait3A_85 = tpu.memref_squeeze %dma_wait3A_84 : memref<1x128xi32, #tpu.memory_space<vmem>> -> memref<128xi32, #tpu.memory_space<vmem>>
        %dma_wait3A_86 = arith.constant 0 : i32
        %dma_wait3A_87 = arith.constant 0 : i32
        %dma_wait3A_88 = tpu.memref_slice %arg11[%dma_wait3A_86, %dma_wait3A_87] : memref<10112x128xf32, #tpu.memory_space<vmem_shared>> -> memref<10112x128xf32, #tpu.memory_space<vmem_shared>>
        tpu.wait_indirect_dma semaphore(%run_scoped3A_76 : memref<!tpu.dma_semaphore, #tpu.memory_space<semaphore_mem>>) src(%arg10 : memref<128x128xf32, #tpu.memory_space<vmem>>) dst(%dma_wait3A_88 : memref<10112x128xf32, #tpu.memory_space<vmem_shared>>)
        tpu.yield
      }) : () -> ()
    }
    %scan3A_16 = arith.constant 40 : i32
    %dma_wait3A = arith.constant 0 : i32
    %dma_wait3A_17 = arith.constant 0 : i32
    %dma_wait3A_18 = tpu.memref_slice %arg7[%dma_wait3A, %dma_wait3A_17] : memref<2x128xi32, #tpu.memory_space<vmem>> -> memref<1x128xi32, #tpu.memory_space<vmem>>
    %dma_wait3A_19 = tpu.memref_squeeze %dma_wait3A_18 : memref<1x128xi32, #tpu.memory_space<vmem>> -> memref<128xi32, #tpu.memory_space<vmem>>
    %dma_wait3A_20 = arith.constant 0 : i32
    %dma_wait3A_21 = arith.constant 0 : i32
    %dma_wait3A_22 = tpu.memref_slice %arg2[%dma_wait3A_20, %dma_wait3A_21] : memref<10000x128xf32, #tpu.memory_space<hbm>> -> memref<10000x128xf32, #tpu.memory_space<hbm>>
    tpu.wait_indirect_dma semaphore(%arg12 : memref<!tpu.dma_semaphore, #tpu.memory_space<semaphore_mem>>) src(%dma_wait3A_22 : memref<10000x128xf32, #tpu.memory_space<hbm>>) dst(%arg9 : memref<128x128xf32, #tpu.memory_space<vmem>>)
    %barrier3A_23 = arith.constant 0 : index
    tpu.barrier barrier_id(%barrier3A_23)
    %mul3A_24 = arith.constant 632 : i32
    %mul3A_25 = arith.muli %arg1, %mul3A_24 : i32
    %mul3A_26 = arith.constant 632 : i32
    %mul3A_27 = arith.muli %arg1, %mul3A_26 : i32
    "tpu.region"() ({
      %run_scoped3A_28 = tpu.sem_alloc : memref<!tpu.dma_semaphore, #tpu.memory_space<semaphore_mem>>
      %dma_start3A_29 = arith.constant 0 : i32
      %dma_start3A_30 = tpu.memref_slice %arg6[%mul3A_27, %dma_start3A_29] : memref<10112x128xf32, #tpu.memory_space<hbm>> -> memref<632x128xf32, #tpu.memory_space<hbm>>
      %dma_start3A_31 = arith.constant 0 : i32
      %dma_start3A_32 = tpu.memref_slice %arg11[%mul3A_25, %dma_start3A_31] : memref<10112x128xf32, #tpu.memory_space<vmem_shared>> -> memref<632x128xf32, #tpu.memory_space<vmem_shared>>
      tpu.enqueue_dma source(%dma_start3A_32 : memref<632x128xf32, #tpu.memory_space<vmem_shared>>) target(%dma_start3A_30 : memref<632x128xf32, #tpu.memory_space<hbm>>) target_semaphore(%run_scoped3A_28 : memref<!tpu.dma_semaphore, #tpu.memory_space<semaphore_mem>>)
      %dma_wait3A_33 = arith.constant 0 : i32
      %dma_wait3A_34 = tpu.memref_slice %arg6[%mul3A_27, %dma_wait3A_33] : memref<10112x128xf32, #tpu.memory_space<hbm>> -> memref<632x128xf32, #tpu.memory_space<hbm>>
      %dma_wait3A_35 = arith.constant 0 : i32
      %dma_wait3A_36 = tpu.memref_slice %arg11[%mul3A_25, %dma_wait3A_35] : memref<10112x128xf32, #tpu.memory_space<vmem_shared>> -> memref<632x128xf32, #tpu.memory_space<vmem_shared>>
      tpu.wait_dma2 semaphore(%run_scoped3A_28 : memref<!tpu.dma_semaphore, #tpu.memory_space<semaphore_mem>>) src(%dma_wait3A_36 : memref<632x128xf32, #tpu.memory_space<vmem_shared>>) dst(%dma_wait3A_34 : memref<632x128xf32, #tpu.memory_space<hbm>>)
      tpu.yield
    }) : () -> ()
    return
  }
}

module attributes {stable_mosaic.version = 14 : i64} {
  func.func @_k2a_body(%arg0: memref<32x10000xf32, #tpu.memory_space<vmem>>, %arg1: memref<32x10000xf32, #tpu.memory_space<vmem>>, %arg2: memref<32x10000xf32, #tpu.memory_space<vmem>>, %arg3: memref<1x32xi32, #tpu.memory_space<vmem>>, %arg4: memref<1x32xi32, #tpu.memory_space<vmem>>, %arg5: memref<1x128xf32, #tpu.memory_space<vmem>>, %arg6: memref<1x128xf32, #tpu.memory_space<vmem>>, %arg7: memref<258x384xf32, #tpu.memory_space<vmem>>, %arg8: memref<1x384xf32, #tpu.memory_space<vmem>>, %arg9: memref<1x384xf32, #tpu.memory_space<vmem>>, %arg10: memref<257x128xf32, #tpu.memory_space<vmem>>, %arg11: memref<257x128xf32, #tpu.memory_space<vmem>>, %arg12: memref<1x128xf32, #tpu.memory_space<vmem>>, %arg13: memref<32x128xf32, #tpu.memory_space<vmem>>, %arg14: memref<64x128xf32, #tpu.memory_space<vmem>>, %arg15: memref<64x128xf32, #tpu.memory_space<vmem>>, %arg16: memref<1x128xf32, #tpu.memory_space<vmem>>) attributes {dimension_semantics = [], scalar_prefetch = 0 : i64, scratch_operands = 0 : i64, tpu.core_type = #tpu.core_type<tc>} {
    %get3A = arith.constant 0 : index
    %get3A_0 = arith.constant 0 : index
    %get3A_1 = vector.load %arg3[%get3A, %get3A_0] : memref<1x32xi32, #tpu.memory_space<vmem>>, vector<1x32xi32>
    %get3A_2 = vector.shape_cast %get3A_1 : vector<1x32xi32> to vector<32xi32>
    %get3A_3 = arith.constant 0 : index
    %get3A_4 = arith.constant 0 : index
    %get3A_5 = vector.load %arg4[%get3A_3, %get3A_4] : memref<1x32xi32, #tpu.memory_space<vmem>>, vector<1x32xi32>
    %get3A_6 = vector.shape_cast %get3A_5 : vector<1x32xi32> to vector<32xi32>
    %iota3A = tpu.iota {dimensions = array<i32: 1>} : vector<32x10000xi32>
    %broadcast_in_dim3A = vector.shape_cast %get3A_2 : vector<32xi32> to vector<32x1xi32>
    %eq3A = vector.broadcast %broadcast_in_dim3A : vector<32x1xi32> to vector<32x10000xi32>
    %eq3A_7 = arith.cmpi eq, %iota3A, %eq3A : vector<32x10000xi32>
    %convert_element_type3A = arith.extui %eq3A_7 : vector<32x10000xi1> to vector<32x10000xi32>
    %convert_element_type3A_8 = arith.sitofp %convert_element_type3A : vector<32x10000xi32> to vector<32x10000xf32>
    %broadcast_in_dim3A_9 = vector.shape_cast %get3A_6 : vector<32xi32> to vector<32x1xi32>
    %eq3A_10 = vector.broadcast %broadcast_in_dim3A_9 : vector<32x1xi32> to vector<32x10000xi32>
    %eq3A_11 = arith.cmpi eq, %iota3A, %eq3A_10 : vector<32x10000xi32>
    %convert_element_type3A_12 = arith.extui %eq3A_11 : vector<32x10000xi1> to vector<32x10000xi32>
    %convert_element_type3A_13 = arith.sitofp %convert_element_type3A_12 : vector<32x10000xi32> to vector<32x10000xf32>
    %get3A_14 = arith.constant 0 : index
    %get3A_15 = arith.constant 0 : index
    %get3A_16 = vector.load %arg0[%get3A_14, %get3A_15] : memref<32x10000xf32, #tpu.memory_space<vmem>>, vector<32x10000xf32>
    %mul3A = arith.mulf %get3A_16, %convert_element_type3A_8 : vector<32x10000xf32>
    %reduce_sum3A = arith.constant dense<0.000000e+00> : vector<32xf32>
    %reduce_sum3A_17 = vector.multi_reduction <add>, %mul3A, %reduce_sum3A [1] : vector<32x10000xf32> to vector<32xf32>
    %get3A_18 = arith.constant 0 : index
    %get3A_19 = arith.constant 0 : index
    %get3A_20 = vector.load %arg0[%get3A_18, %get3A_19] : memref<32x10000xf32, #tpu.memory_space<vmem>>, vector<32x10000xf32>
    %mul3A_21 = arith.mulf %get3A_20, %convert_element_type3A_13 : vector<32x10000xf32>
    %reduce_sum3A_22 = arith.constant dense<0.000000e+00> : vector<32xf32>
    %reduce_sum3A_23 = vector.multi_reduction <add>, %mul3A_21, %reduce_sum3A_22 [1] : vector<32x10000xf32> to vector<32xf32>
    %get3A_24 = arith.constant 0 : index
    %get3A_25 = arith.constant 0 : index
    %get3A_26 = vector.load %arg1[%get3A_24, %get3A_25] : memref<32x10000xf32, #tpu.memory_space<vmem>>, vector<32x10000xf32>
    %mul3A_27 = arith.mulf %get3A_26, %convert_element_type3A_8 : vector<32x10000xf32>
    %reduce_sum3A_28 = arith.constant dense<0.000000e+00> : vector<32xf32>
    %reduce_sum3A_29 = vector.multi_reduction <add>, %mul3A_27, %reduce_sum3A_28 [1] : vector<32x10000xf32> to vector<32xf32>
    %get3A_30 = arith.constant 0 : index
    %get3A_31 = arith.constant 0 : index
    %get3A_32 = vector.load %arg1[%get3A_30, %get3A_31] : memref<32x10000xf32, #tpu.memory_space<vmem>>, vector<32x10000xf32>
    %mul3A_33 = arith.mulf %get3A_32, %convert_element_type3A_13 : vector<32x10000xf32>
    %reduce_sum3A_34 = arith.constant dense<0.000000e+00> : vector<32xf32>
    %reduce_sum3A_35 = vector.multi_reduction <add>, %mul3A_33, %reduce_sum3A_34 [1] : vector<32x10000xf32> to vector<32xf32>
    %get3A_36 = arith.constant 0 : index
    %get3A_37 = arith.constant 0 : index
    %get3A_38 = vector.load %arg5[%get3A_36, %get3A_37] : memref<1x128xf32, #tpu.memory_space<vmem>>, vector<1x128xf32>
    %get3A_39 = vector.shape_cast %get3A_38 : vector<1x128xf32> to vector<128xf32>
    %reshape3A = vector.shape_cast %get3A_39 : vector<128xf32> to vector<1x128xf32>
    %get3A_40 = arith.constant 0 : index
    %get3A_41 = arith.constant 0 : index
    %get3A_42 = vector.load %arg6[%get3A_40, %get3A_41] : memref<1x128xf32, #tpu.memory_space<vmem>>, vector<1x128xf32>
    %get3A_43 = vector.shape_cast %get3A_42 : vector<1x128xf32> to vector<128xf32>
    %reshape3A_44 = vector.shape_cast %get3A_43 : vector<128xf32> to vector<1x128xf32>
    %broadcast_in_dim3A_45 = vector.shape_cast %reduce_sum3A_29 : vector<32xf32> to vector<32x1xf32>
    %mul3A_46 = vector.broadcast %broadcast_in_dim3A_45 : vector<32x1xf32> to vector<32x128xf32>
    %mul3A_47 = vector.broadcast %reshape3A : vector<1x128xf32> to vector<32x128xf32>
    %mul3A_48 = arith.mulf %mul3A_46, %mul3A_47 : vector<32x128xf32>
    %add3A = vector.broadcast %reshape3A_44 : vector<1x128xf32> to vector<32x128xf32>
    %add3A_49 = arith.addf %mul3A_48, %add3A : vector<32x128xf32>
    %cos3A = math.cos %add3A_49 : vector<32x128xf32>
    %broadcast_in_dim3A_50 = vector.shape_cast %reduce_sum3A_35 : vector<32xf32> to vector<32x1xf32>
    %mul3A_51 = vector.broadcast %broadcast_in_dim3A_50 : vector<32x1xf32> to vector<32x128xf32>
    %mul3A_52 = vector.broadcast %reshape3A : vector<1x128xf32> to vector<32x128xf32>
    %mul3A_53 = arith.mulf %mul3A_51, %mul3A_52 : vector<32x128xf32>
    %add3A_54 = vector.broadcast %reshape3A_44 : vector<1x128xf32> to vector<32x128xf32>
    %add3A_55 = arith.addf %mul3A_53, %add3A_54 : vector<32x128xf32>
    %cos3A_56 = math.cos %add3A_55 : vector<32x128xf32>
    %get3A_57 = arith.constant 0 : index
    %get3A_58 = arith.constant 0 : index
    %get3A_59 = vector.load %arg7[%get3A_57, %get3A_58] : memref<258x384xf32, #tpu.memory_space<vmem>>, vector<1x384xf32>
    %get3A_60 = vector.shape_cast %get3A_59 : vector<1x384xf32> to vector<384xf32>
    %reshape3A_61 = vector.shape_cast %get3A_60 : vector<384xf32> to vector<1x384xf32>
    %get3A_62 = arith.constant 1 : index
    %get3A_63 = arith.constant 0 : index
    %get3A_64 = vector.load %arg7[%get3A_62, %get3A_63] : memref<258x384xf32, #tpu.memory_space<vmem>>, vector<1x384xf32>
    %get3A_65 = vector.shape_cast %get3A_64 : vector<1x384xf32> to vector<384xf32>
    %reshape3A_66 = vector.shape_cast %get3A_65 : vector<384xf32> to vector<1x384xf32>
    %get3A_67 = arith.constant 130 : index
    %get3A_68 = arith.constant 0 : index
    %get3A_69 = vector.load %arg7[%get3A_67, %get3A_68] : memref<258x384xf32, #tpu.memory_space<vmem>>, vector<128x384xf32>
    %get3A_70 = arith.constant 0 : index
    %get3A_71 = arith.constant 0 : index
    %get3A_72 = vector.load %arg8[%get3A_70, %get3A_71] : memref<1x384xf32, #tpu.memory_space<vmem>>, vector<1x384xf32>
    %get3A_73 = vector.shape_cast %get3A_72 : vector<1x384xf32> to vector<384xf32>
    %reshape3A_74 = vector.shape_cast %get3A_73 : vector<384xf32> to vector<1x384xf32>
    %get3A_75 = arith.constant 0 : index
    %get3A_76 = arith.constant 0 : index
    %get3A_77 = vector.load %arg9[%get3A_75, %get3A_76] : memref<1x384xf32, #tpu.memory_space<vmem>>, vector<1x384xf32>
    %get3A_78 = vector.shape_cast %get3A_77 : vector<1x384xf32> to vector<384xf32>
    %reshape3A_79 = vector.shape_cast %get3A_78 : vector<384xf32> to vector<1x384xf32>
    %broadcast_in_dim3A_80 = vector.shape_cast %reduce_sum3A_17 : vector<32xf32> to vector<32x1xf32>
    %mul3A_81 = vector.broadcast %broadcast_in_dim3A_80 : vector<32x1xf32> to vector<32x384xf32>
    %mul3A_82 = vector.broadcast %reshape3A_61 : vector<1x384xf32> to vector<32x384xf32>
    %mul3A_83 = arith.mulf %mul3A_81, %mul3A_82 : vector<32x384xf32>
    %broadcast_in_dim3A_84 = vector.shape_cast %reduce_sum3A_23 : vector<32xf32> to vector<32x1xf32>
    %mul3A_85 = vector.broadcast %broadcast_in_dim3A_84 : vector<32x1xf32> to vector<32x384xf32>
    %mul3A_86 = vector.broadcast %reshape3A_66 : vector<1x384xf32> to vector<32x384xf32>
    %mul3A_87 = arith.mulf %mul3A_85, %mul3A_86 : vector<32x384xf32>
    %add3A_88 = arith.addf %mul3A_83, %mul3A_87 : vector<32x384xf32>
    %add3A_89 = vector.broadcast %reshape3A_74 : vector<1x384xf32> to vector<32x384xf32>
    %add3A_90 = arith.addf %add3A_88, %add3A_89 : vector<32x384xf32>
    %dot_general3A = arith.constant dense<0.000000e+00> : vector<32x384xf32>
    %dot_general3A_91 = tpu.matmul %cos3A, %get3A_69, %dot_general3A {dimension_numbers = #tpu.dot_dimension_numbers<[1], [0], [0], [1], [0, 0, 1, 1], [], []>, transpose_lhs_hint = false} : vector<32x128xf32>, vector<128x384xf32>, vector<32x384xf32> -> vector<32x384xf32>
    %add3A_92 = arith.addf %add3A_90, %dot_general3A_91 : vector<32x384xf32>
    %slice3A = vector.extract_strided_slice %add3A_92 {offsets = [0, 0], sizes = [32, 128], strides = [1, 1]} : vector<32x384xf32> to vector<32x128xf32>
    %slice3A_93 = vector.extract_strided_slice %reshape3A_79 {offsets = [0, 0], sizes = [1, 128], strides = [1, 1]} : vector<1x384xf32> to vector<1x128xf32>
    %add3A_94 = vector.broadcast %slice3A_93 : vector<1x128xf32> to vector<32x128xf32>
    %add3A_95 = arith.addf %slice3A, %add3A_94 : vector<32x128xf32>
    %logistic3A = arith.negf %add3A_95 : vector<32x128xf32>
    %logistic3A_96 = math.exp %logistic3A : vector<32x128xf32>
    %logistic3A_97 = arith.constant 1.000000e+00 : f32
    %logistic3A_98 = vector.broadcast %logistic3A_97 : f32 to vector<32x128xf32>
    %logistic3A_99 = arith.addf %logistic3A_98, %logistic3A_96 : vector<32x128xf32>
    %logistic3A_100 = arith.divf %logistic3A_98, %logistic3A_99 : vector<32x128xf32>
    %slice3A_101 = vector.extract_strided_slice %add3A_92 {offsets = [0, 128], sizes = [32, 128], strides = [1, 1]} : vector<32x384xf32> to vector<32x128xf32>
    %slice3A_102 = vector.extract_strided_slice %reshape3A_79 {offsets = [0, 128], sizes = [1, 128], strides = [1, 1]} : vector<1x384xf32> to vector<1x128xf32>
    %add3A_103 = vector.broadcast %slice3A_102 : vector<1x128xf32> to vector<32x128xf32>
    %add3A_104 = arith.addf %slice3A_101, %add3A_103 : vector<32x128xf32>
    %logistic3A_105 = arith.negf %add3A_104 : vector<32x128xf32>
    %logistic3A_106 = math.exp %logistic3A_105 : vector<32x128xf32>
    %logistic3A_107 = arith.constant 1.000000e+00 : f32
    %logistic3A_108 = vector.broadcast %logistic3A_107 : f32 to vector<32x128xf32>
    %logistic3A_109 = arith.addf %logistic3A_108, %logistic3A_106 : vector<32x128xf32>
    %logistic3A_110 = arith.divf %logistic3A_108, %logistic3A_109 : vector<32x128xf32>
    %slice3A_111 = vector.extract_strided_slice %add3A_92 {offsets = [0, 256], sizes = [32, 128], strides = [1, 1]} : vector<32x384xf32> to vector<32x128xf32>
    %slice3A_112 = vector.extract_strided_slice %reshape3A_79 {offsets = [0, 256], sizes = [1, 128], strides = [1, 1]} : vector<1x384xf32> to vector<1x128xf32>
    %mul3A_113 = vector.broadcast %slice3A_112 : vector<1x128xf32> to vector<32x128xf32>
    %mul3A_114 = arith.mulf %logistic3A_100, %mul3A_113 : vector<32x128xf32>
    %add3A_115 = arith.addf %slice3A_111, %mul3A_114 : vector<32x128xf32>
    %tanh3A = math.tanh %add3A_115 : vector<32x128xf32>
    %sub3A = arith.constant 1.000000e+00 : f32
    %sub3A_116 = vector.broadcast %sub3A : f32 to vector<32x128xf32>
    %sub3A_117 = arith.subf %sub3A_116, %logistic3A_110 : vector<32x128xf32>
    %mul3A_118 = arith.mulf %sub3A_117, %tanh3A : vector<32x128xf32>
    %broadcast_in_dim3A_119 = vector.shape_cast %reduce_sum3A_23 : vector<32xf32> to vector<32x1xf32>
    %mul3A_120 = vector.broadcast %broadcast_in_dim3A_119 : vector<32x1xf32> to vector<32x384xf32>
    %mul3A_121 = vector.broadcast %reshape3A_61 : vector<1x384xf32> to vector<32x384xf32>
    %mul3A_122 = arith.mulf %mul3A_120, %mul3A_121 : vector<32x384xf32>
    %broadcast_in_dim3A_123 = vector.shape_cast %reduce_sum3A_17 : vector<32xf32> to vector<32x1xf32>
    %mul3A_124 = vector.broadcast %broadcast_in_dim3A_123 : vector<32x1xf32> to vector<32x384xf32>
    %mul3A_125 = vector.broadcast %reshape3A_66 : vector<1x384xf32> to vector<32x384xf32>
    %mul3A_126 = arith.mulf %mul3A_124, %mul3A_125 : vector<32x384xf32>
    %add3A_127 = arith.addf %mul3A_122, %mul3A_126 : vector<32x384xf32>
    %add3A_128 = vector.broadcast %reshape3A_74 : vector<1x384xf32> to vector<32x384xf32>
    %add3A_129 = arith.addf %add3A_127, %add3A_128 : vector<32x384xf32>
    %dot_general3A_130 = arith.constant dense<0.000000e+00> : vector<32x384xf32>
    %dot_general3A_131 = tpu.matmul %cos3A_56, %get3A_69, %dot_general3A_130 {dimension_numbers = #tpu.dot_dimension_numbers<[1], [0], [0], [1], [0, 0, 1, 1], [], []>, transpose_lhs_hint = false} : vector<32x128xf32>, vector<128x384xf32>, vector<32x384xf32> -> vector<32x384xf32>
    %add3A_132 = arith.addf %add3A_129, %dot_general3A_131 : vector<32x384xf32>
    %slice3A_133 = vector.extract_strided_slice %add3A_132 {offsets = [0, 0], sizes = [32, 128], strides = [1, 1]} : vector<32x384xf32> to vector<32x128xf32>
    %slice3A_134 = vector.extract_strided_slice %reshape3A_79 {offsets = [0, 0], sizes = [1, 128], strides = [1, 1]} : vector<1x384xf32> to vector<1x128xf32>
    %add3A_135 = vector.broadcast %slice3A_134 : vector<1x128xf32> to vector<32x128xf32>
    %add3A_136 = arith.addf %slice3A_133, %add3A_135 : vector<32x128xf32>
    %logistic3A_137 = arith.negf %add3A_136 : vector<32x128xf32>
    %logistic3A_138 = math.exp %logistic3A_137 : vector<32x128xf32>
    %logistic3A_139 = arith.constant 1.000000e+00 : f32
    %logistic3A_140 = vector.broadcast %logistic3A_139 : f32 to vector<32x128xf32>
    %logistic3A_141 = arith.addf %logistic3A_140, %logistic3A_138 : vector<32x128xf32>
    %logistic3A_142 = arith.divf %logistic3A_140, %logistic3A_141 : vector<32x128xf32>
    %slice3A_143 = vector.extract_strided_slice %add3A_132 {offsets = [0, 128], sizes = [32, 128], strides = [1, 1]} : vector<32x384xf32> to vector<32x128xf32>
    %slice3A_144 = vector.extract_strided_slice %reshape3A_79 {offsets = [0, 128], sizes = [1, 128], strides = [1, 1]} : vector<1x384xf32> to vector<1x128xf32>
    %add3A_145 = vector.broadcast %slice3A_144 : vector<1x128xf32> to vector<32x128xf32>
    %add3A_146 = arith.addf %slice3A_143, %add3A_145 : vector<32x128xf32>
    %logistic3A_147 = arith.negf %add3A_146 : vector<32x128xf32>
    %logistic3A_148 = math.exp %logistic3A_147 : vector<32x128xf32>
    %logistic3A_149 = arith.constant 1.000000e+00 : f32
    %logistic3A_150 = vector.broadcast %logistic3A_149 : f32 to vector<32x128xf32>
    %logistic3A_151 = arith.addf %logistic3A_150, %logistic3A_148 : vector<32x128xf32>
    %logistic3A_152 = arith.divf %logistic3A_150, %logistic3A_151 : vector<32x128xf32>
    %slice3A_153 = vector.extract_strided_slice %add3A_132 {offsets = [0, 256], sizes = [32, 128], strides = [1, 1]} : vector<32x384xf32> to vector<32x128xf32>
    %slice3A_154 = vector.extract_strided_slice %reshape3A_79 {offsets = [0, 256], sizes = [1, 128], strides = [1, 1]} : vector<1x384xf32> to vector<1x128xf32>
    %mul3A_155 = vector.broadcast %slice3A_154 : vector<1x128xf32> to vector<32x128xf32>
    %mul3A_156 = arith.mulf %logistic3A_142, %mul3A_155 : vector<32x128xf32>
    %add3A_157 = arith.addf %slice3A_153, %mul3A_156 : vector<32x128xf32>
    %tanh3A_158 = math.tanh %add3A_157 : vector<32x128xf32>
    %sub3A_159 = arith.constant 1.000000e+00 : f32
    %sub3A_160 = vector.broadcast %sub3A_159 : f32 to vector<32x128xf32>
    %sub3A_161 = arith.subf %sub3A_160, %logistic3A_152 : vector<32x128xf32>
    %mul3A_162 = arith.mulf %sub3A_161, %tanh3A_158 : vector<32x128xf32>
    %concatenate3A = tpu.concatenate %mul3A_118, %mul3A_162 in 0 : vector<32x128xf32>, vector<32x128xf32> -> vector<64x128xf32>
    %concatenate3A_163 = tpu.concatenate %get3A_2, %get3A_6 in 0 : vector<32xi32>, vector<32xi32> -> vector<64xi32>
    %iota3A_164 = tpu.iota {dimensions = array<i32: 0>} : vector<64x64xi32>
    %iota3A_165 = tpu.iota {dimensions = array<i32: 1>} : vector<64x64xi32>
    %gt3A = arith.cmpi sgt, %iota3A_165, %iota3A_164 : vector<64x64xi32>
    %broadcast_in_dim3A_166 = vector.shape_cast %concatenate3A_163 : vector<64xi32> to vector<1x64xi32>
    %broadcast_in_dim3A_167 = vector.shape_cast %concatenate3A_163 : vector<64xi32> to vector<64x1xi32>
    %eq3A_168 = vector.broadcast %broadcast_in_dim3A_166 : vector<1x64xi32> to vector<64x64xi32>
    %eq3A_169 = vector.broadcast %broadcast_in_dim3A_167 : vector<64x1xi32> to vector<64x64xi32>
    %eq3A_170 = arith.cmpi eq, %eq3A_168, %eq3A_169 : vector<64x64xi32>
    %and3A = arith.andi %gt3A, %eq3A_170 : vector<64x64xi1>
    %reduce_or3A = arith.constant 1.000000e+00 : f32
    %reduce_or3A_171 = arith.constant 0.000000e+00 : f32
    %reduce_or3A_172 = vector.broadcast %reduce_or3A : f32 to vector<64x64xf32>
    %reduce_or3A_173 = vector.broadcast %reduce_or3A_171 : f32 to vector<64x64xf32>
    %reduce_or3A_174 = arith.select %and3A, %reduce_or3A_172, %reduce_or3A_173 : vector<64x64xi1>, vector<64x64xf32>
    %reduce_or3A_175 = arith.constant dense<0xFF800000> : vector<64xf32>
    %reduce_or3A_176 = vector.multi_reduction <maximumf>, %reduce_or3A_174, %reduce_or3A_175 [1] : vector<64x64xf32> to vector<64xf32>
    %reduce_or3A_177 = arith.constant 0.000000e+00 : f32
    %reduce_or3A_178 = vector.broadcast %reduce_or3A_177 : f32 to vector<64xf32>
    %reduce_or3A_179 = arith.cmpf ogt, %reduce_or3A_176, %reduce_or3A_178 : vector<64xf32>
    %not3A = arith.constant dense<true> : vector<64xi1>
    %not3A_180 = arith.xori %reduce_or3A_179, %not3A : vector<64xi1>
    %broadcast_in_dim3A_181 = vector.shape_cast %not3A_180 : vector<64xi1> to vector<64x1xi1>
    %convert_element_type3A_182 = arith.extui %broadcast_in_dim3A_181 : vector<64x1xi1> to vector<64x1xi32>
    %convert_element_type3A_183 = arith.sitofp %convert_element_type3A_182 : vector<64x1xi32> to vector<64x1xf32>
    %mul3A_184 = vector.broadcast %convert_element_type3A_183 : vector<64x1xf32> to vector<64x128xf32>
    %mul3A_185 = arith.mulf %concatenate3A, %mul3A_184 : vector<64x128xf32>
    %get3A_186 = arith.constant 1 : index
    %get3A_187 = arith.constant 0 : index
    %get3A_188 = vector.load %arg10[%get3A_186, %get3A_187] : memref<257x128xf32, #tpu.memory_space<vmem>>, vector<128x128xf32>
    %get3A_189 = arith.constant 1 : index
    %get3A_190 = arith.constant 0 : index
    %get3A_191 = vector.load %arg11[%get3A_189, %get3A_190] : memref<257x128xf32, #tpu.memory_space<vmem>>, vector<128x128xf32>
    %get3A_192 = arith.constant 129 : index
    %get3A_193 = arith.constant 0 : index
    %get3A_194 = vector.load %arg11[%get3A_192, %get3A_193] : memref<257x128xf32, #tpu.memory_space<vmem>>, vector<128x128xf32>
    %get3A_195 = arith.constant 0 : index
    %get3A_196 = arith.constant 0 : index
    %get3A_197 = vector.load %arg12[%get3A_195, %get3A_196] : memref<1x128xf32, #tpu.memory_space<vmem>>, vector<1x128xf32>
    %get3A_198 = vector.shape_cast %get3A_197 : vector<1x128xf32> to vector<128xf32>
    %reshape3A_199 = vector.shape_cast %get3A_198 : vector<128xf32> to vector<1x128xf32>
    %dot_general3A_200 = arith.constant dense<0.000000e+00> : vector<64x128xf32>
    %dot_general3A_201 = tpu.matmul %mul3A_185, %get3A_188, %dot_general3A_200 {dimension_numbers = #tpu.dot_dimension_numbers<[1], [0], [0], [1], [0, 0, 1, 1], [], []>, transpose_lhs_hint = false} : vector<64x128xf32>, vector<128x128xf32>, vector<64x128xf32> -> vector<64x128xf32>
    %swap3A = arith.constant 0 : index
    %swap3A_202 = arith.constant 0 : index
    %swap3A_203 = vector.load %arg14[%swap3A, %swap3A_202] : memref<64x128xf32, #tpu.memory_space<vmem>>, vector<64x128xf32>
    tpu.vector_store %arg14[%swap3A, %swap3A_202], %dot_general3A_201 {strides = array<i32>} : memref<64x128xf32, #tpu.memory_space<vmem>>, vector<64x128xf32>,
    %dot_general3A_204 = arith.constant dense<0.000000e+00> : vector<64x128xf32>
    %dot_general3A_205 = tpu.matmul %mul3A_185, %get3A_191, %dot_general3A_204 {dimension_numbers = #tpu.dot_dimension_numbers<[1], [0], [0], [1], [0, 0, 1, 1], [], []>, transpose_lhs_hint = false} : vector<64x128xf32>, vector<128x128xf32>, vector<64x128xf32> -> vector<64x128xf32>
    %swap3A_206 = arith.constant 0 : index
    %swap3A_207 = arith.constant 0 : index
    %swap3A_208 = vector.load %arg15[%swap3A_206, %swap3A_207] : memref<64x128xf32, #tpu.memory_space<vmem>>, vector<64x128xf32>
    tpu.vector_store %arg15[%swap3A_206, %swap3A_207], %dot_general3A_205 {strides = array<i32>} : memref<64x128xf32, #tpu.memory_space<vmem>>, vector<64x128xf32>,
    %cos3A_209 = math.cos %reshape3A_44 : vector<1x128xf32>
    %dot_general3A_210 = arith.constant dense<0.000000e+00> : vector<1x128xf32>
    %dot_general3A_211 = tpu.matmul %cos3A_209, %get3A_194, %dot_general3A_210 {dimension_numbers = #tpu.dot_dimension_numbers<[1], [0], [0], [1], [0, 0, 1, 1], [], []>, transpose_lhs_hint = false} : vector<1x128xf32>, vector<128x128xf32>, vector<1x128xf32> -> vector<1x128xf32>
    %add3A_212 = arith.addf %dot_general3A_211, %reshape3A_199 : vector<1x128xf32>
    %swap3A_213 = arith.constant 0 : index
    %swap3A_214 = arith.constant 0 : index
    %swap3A_215 = vector.load %arg16[%swap3A_213, %swap3A_214] : memref<1x128xf32, #tpu.memory_space<vmem>>, vector<1x128xf32>
    tpu.vector_store %arg16[%swap3A_213, %swap3A_214], %add3A_212 {strides = array<i32>} : memref<1x128xf32, #tpu.memory_space<vmem>>, vector<1x128xf32>,
    %broadcast_in_dim3A_216 = vector.shape_cast %concatenate3A_163 : vector<64xi32> to vector<1x64xi32>
    %broadcast_in_dim3A_217 = vector.shape_cast %get3A_6 : vector<32xi32> to vector<32x1xi32>
    %eq3A_218 = vector.broadcast %broadcast_in_dim3A_216 : vector<1x64xi32> to vector<32x64xi32>
    %eq3A_219 = vector.broadcast %broadcast_in_dim3A_217 : vector<32x1xi32> to vector<32x64xi32>
    %eq3A_220 = arith.cmpi eq, %eq3A_218, %eq3A_219 : vector<32x64xi32>
    %convert_element_type3A_221 = arith.extui %eq3A_220 : vector<32x64xi1> to vector<32x64xi32>
    %convert_element_type3A_222 = arith.sitofp %convert_element_type3A_221 : vector<32x64xi32> to vector<32x64xf32>
    %dot_general3A_223 = arith.constant dense<0.000000e+00> : vector<32x128xf32>
    %dot_general3A_224 = tpu.matmul %convert_element_type3A_222, %mul3A_185, %dot_general3A_223 {dimension_numbers = #tpu.dot_dimension_numbers<[1], [0], [0], [1], [0, 0, 1, 1], [], []>, transpose_lhs_hint = false} : vector<32x64xf32>, vector<64x128xf32>, vector<32x128xf32> -> vector<32x128xf32>
    %iota3A_225 = tpu.iota {dimensions = array<i32: 0>} : vector<10000x64xi32>
    %broadcast_in_dim3A_226 = vector.shape_cast %concatenate3A_163 : vector<64xi32> to vector<1x64xi32>
    %eq3A_227 = vector.broadcast %broadcast_in_dim3A_226 : vector<1x64xi32> to vector<10000x64xi32>
    %eq3A_228 = arith.cmpi eq, %iota3A_225, %eq3A_227 : vector<10000x64xi32>
    %convert_element_type3A_229 = arith.extui %eq3A_228 : vector<10000x64xi1> to vector<10000x64xi32>
    %convert_element_type3A_230 = arith.sitofp %convert_element_type3A_229 : vector<10000x64xi32> to vector<10000x64xf32>
    %get3A_231 = arith.constant 0 : index
    %get3A_232 = arith.constant 0 : index
    %get3A_233 = vector.load %arg2[%get3A_231, %get3A_232] : memref<32x10000xf32, #tpu.memory_space<vmem>>, vector<32x10000xf32>
    %dot_general3A_234 = arith.constant dense<0.000000e+00> : vector<32x64xf32>
    %dot_general3A_235 = tpu.matmul %get3A_233, %convert_element_type3A_230, %dot_general3A_234 {dimension_numbers = #tpu.dot_dimension_numbers<[1], [0], [0], [1], [0, 0, 1, 1], [], []>, transpose_lhs_hint = false} : vector<32x10000xf32>, vector<10000x64xf32>, vector<32x64xf32> -> vector<32x64xf32>
    %dot_general3A_236 = arith.constant dense<0.000000e+00> : vector<32x128xf32>
    %dot_general3A_237 = tpu.matmul %dot_general3A_235, %mul3A_185, %dot_general3A_236 {dimension_numbers = #tpu.dot_dimension_numbers<[1], [0], [0], [1], [0, 0, 1, 1], [], []>, transpose_lhs_hint = false} : vector<32x64xf32>, vector<64x128xf32>, vector<32x128xf32> -> vector<32x128xf32>
    %get3A_238 = arith.constant 0 : index
    %get3A_239 = arith.constant 0 : index
    %get3A_240 = vector.load %arg11[%get3A_238, %get3A_239] : memref<257x128xf32, #tpu.memory_space<vmem>>, vector<1x128xf32>
    %get3A_241 = vector.shape_cast %get3A_240 : vector<1x128xf32> to vector<128xf32>
    %reshape3A_242 = vector.shape_cast %get3A_241 : vector<128xf32> to vector<1x128xf32>
    %broadcast_in_dim3A_243 = vector.shape_cast %reduce_sum3A_23 : vector<32xf32> to vector<32x1xf32>
    %mul3A_244 = vector.broadcast %broadcast_in_dim3A_243 : vector<32x1xf32> to vector<32x128xf32>
    %mul3A_245 = vector.broadcast %reshape3A_242 : vector<1x128xf32> to vector<32x128xf32>
    %mul3A_246 = arith.mulf %mul3A_244, %mul3A_245 : vector<32x128xf32>
    %dot_general3A_247 = arith.constant dense<0.000000e+00> : vector<32x128xf32>
    %dot_general3A_248 = tpu.matmul %dot_general3A_224, %get3A_191, %dot_general3A_247 {dimension_numbers = #tpu.dot_dimension_numbers<[1], [0], [0], [1], [0, 0, 1, 1], [], []>, transpose_lhs_hint = false} : vector<32x128xf32>, vector<128x128xf32>, vector<32x128xf32> -> vector<32x128xf32>
    %add3A_249 = arith.addf %mul3A_246, %dot_general3A_248 : vector<32x128xf32>
    %add3A_250 = vector.broadcast %add3A_212 : vector<1x128xf32> to vector<32x128xf32>
    %add3A_251 = arith.addf %add3A_249, %add3A_250 : vector<32x128xf32>
    %dot_general3A_252 = arith.constant dense<0.000000e+00> : vector<32x128xf32>
    %dot_general3A_253 = tpu.matmul %dot_general3A_237, %get3A_188, %dot_general3A_252 {dimension_numbers = #tpu.dot_dimension_numbers<[1], [0], [0], [1], [0, 0, 1, 1], [], []>, transpose_lhs_hint = false} : vector<32x128xf32>, vector<128x128xf32>, vector<32x128xf32> -> vector<32x128xf32>
    %add3A_254 = arith.addf %add3A_251, %dot_general3A_253 : vector<32x128xf32>
    %swap3A_255 = arith.constant 0 : index
    %swap3A_256 = arith.constant 0 : index
    %swap3A_257 = vector.load %arg13[%swap3A_255, %swap3A_256] : memref<32x128xf32, #tpu.memory_space<vmem>>, vector<32x128xf32>
    tpu.vector_store %arg13[%swap3A_255, %swap3A_256], %add3A_254 {strides = array<i32>} : memref<32x128xf32, #tpu.memory_space<vmem>>, vector<32x128xf32>,
    return
  }
}

module attributes {stable_mosaic.version = 14 : i64} {
  func.func @_k3_body(%arg0: i32, %arg1: memref<1000x1xf32, #tpu.memory_space<vmem>>, %arg2: memref<1000x1xf32, #tpu.memory_space<vmem>>, %arg3: memref<1x128xf32, #tpu.memory_space<vmem>>, %arg4: memref<1x128xf32, #tpu.memory_space<vmem>>, %arg5: memref<257x128xf32, #tpu.memory_space<vmem>>, %arg6: memref<1x128xf32, #tpu.memory_space<vmem>>, %arg7: memref<64x128xf32, #tpu.memory_space<vmem>>, %arg8: memref<8x64xi32, #tpu.memory_space<vmem>>, %arg9: memref<1000x128xf32, #tpu.memory_space<vmem>>) attributes {dimension_semantics = [#tpu.dimension_semantics<arbitrary>], iteration_bounds = array<i64: 10>, scalar_prefetch = 0 : i64, scratch_operands = 0 : i64, tpu.core_type = #tpu.core_type<tc>, window_params = [{transform_indices = @transform_0, window_bounds = array<i64: 1000, 1>}, {transform_indices = @transform_1, window_bounds = array<i64: 1000, 1>}, {pipeline_mode = #tpu.pipeline_mode<synchronous>, transform_indices = @transform_2, window_bounds = array<i64: 1, 128>}, {pipeline_mode = #tpu.pipeline_mode<synchronous>, transform_indices = @transform_3, window_bounds = array<i64: 1, 128>}, {pipeline_mode = #tpu.pipeline_mode<synchronous>, transform_indices = @transform_4, window_bounds = array<i64: 257, 128>}, {pipeline_mode = #tpu.pipeline_mode<synchronous>, transform_indices = @transform_5, window_bounds = array<i64: 1, 128>}, {pipeline_mode = #tpu.pipeline_mode<synchronous>, transform_indices = @transform_6, window_bounds = array<i64: 64, 128>}, {pipeline_mode = #tpu.pipeline_mode<synchronous>, transform_indices = @transform_7, window_bounds = array<i64: 8, 64>}, {transform_indices = @transform_8, window_bounds = array<i64: 1000, 128>}]} {
    %get3A = arith.constant 0 : index
    %get3A_0 = arith.constant 0 : index
    %get3A_1 = vector.load %arg2[%get3A, %get3A_0] : memref<1000x1xf32, #tpu.memory_space<vmem>>, vector<1000x1xf32>
    %get3A_2 = arith.constant 0 : index
    %get3A_3 = arith.constant 0 : index
    %get3A_4 = vector.load %arg3[%get3A_2, %get3A_3] : memref<1x128xf32, #tpu.memory_space<vmem>>, vector<1x128xf32>
    %get3A_5 = vector.shape_cast %get3A_4 : vector<1x128xf32> to vector<128xf32>
    %reshape3A = vector.shape_cast %get3A_5 : vector<128xf32> to vector<1x128xf32>
    %mul3A = vector.broadcast %get3A_1 : vector<1000x1xf32> to vector<1000x128xf32>
    %mul3A_6 = vector.broadcast %reshape3A : vector<1x128xf32> to vector<1000x128xf32>
    %mul3A_7 = arith.mulf %mul3A, %mul3A_6 : vector<1000x128xf32>
    %get3A_8 = arith.constant 0 : index
    %get3A_9 = arith.constant 0 : index
    %get3A_10 = vector.load %arg4[%get3A_8, %get3A_9] : memref<1x128xf32, #tpu.memory_space<vmem>>, vector<1x128xf32>
    %get3A_11 = vector.shape_cast %get3A_10 : vector<1x128xf32> to vector<128xf32>
    %reshape3A_12 = vector.shape_cast %get3A_11 : vector<128xf32> to vector<1x128xf32>
    %add3A = vector.broadcast %reshape3A_12 : vector<1x128xf32> to vector<1000x128xf32>
    %add3A_13 = arith.addf %mul3A_7, %add3A : vector<1000x128xf32>
    %cos3A = math.cos %add3A_13 : vector<1000x128xf32>
    %get3A_14 = arith.constant 129 : index
    %get3A_15 = arith.constant 0 : index
    %get3A_16 = vector.load %arg5[%get3A_14, %get3A_15] : memref<257x128xf32, #tpu.memory_space<vmem>>, vector<128x128xf32>
    %dot_general3A = arith.constant dense<0.000000e+00> : vector<1000x128xf32>
    %dot_general3A_17 = tpu.matmul %cos3A, %get3A_16, %dot_general3A {dimension_numbers = #tpu.dot_dimension_numbers<[1], [0], [0], [1], [0, 0, 1, 1], [], []>, transpose_lhs_hint = false} : vector<1000x128xf32>, vector<128x128xf32>, vector<1000x128xf32> -> vector<1000x128xf32>
    %get3A_18 = arith.constant 0 : index
    %get3A_19 = arith.constant 0 : index
    %get3A_20 = vector.load %arg1[%get3A_18, %get3A_19] : memref<1000x1xf32, #tpu.memory_space<vmem>>, vector<1000x1xf32>
    %get3A_21 = arith.constant 0 : index
    %get3A_22 = arith.constant 0 : index
    %get3A_23 = vector.load %arg5[%get3A_21, %get3A_22] : memref<257x128xf32, #tpu.memory_space<vmem>>, vector<1x128xf32>
    %get3A_24 = vector.shape_cast %get3A_23 : vector<1x128xf32> to vector<128xf32>
    %reshape3A_25 = vector.shape_cast %get3A_24 : vector<128xf32> to vector<1x128xf32>
    %mul3A_26 = vector.broadcast %get3A_20 : vector<1000x1xf32> to vector<1000x128xf32>
    %mul3A_27 = vector.broadcast %reshape3A_25 : vector<1x128xf32> to vector<1000x128xf32>
    %mul3A_28 = arith.mulf %mul3A_26, %mul3A_27 : vector<1000x128xf32>
    %add3A_29 = arith.addf %dot_general3A_17, %mul3A_28 : vector<1000x128xf32>
    %get3A_30 = arith.constant 0 : index
    %get3A_31 = arith.constant 0 : index
    %get3A_32 = vector.load %arg6[%get3A_30, %get3A_31] : memref<1x128xf32, #tpu.memory_space<vmem>>, vector<1x128xf32>
    %get3A_33 = vector.shape_cast %get3A_32 : vector<1x128xf32> to vector<128xf32>
    %reshape3A_34 = vector.shape_cast %get3A_33 : vector<128xf32> to vector<1x128xf32>
    %add3A_35 = vector.broadcast %reshape3A_34 : vector<1x128xf32> to vector<1000x128xf32>
    %add3A_36 = arith.addf %add3A_29, %add3A_35 : vector<1000x128xf32>
    %mul3A_37 = arith.constant 1000 : i32
    %mul3A_38 = arith.muli %arg0, %mul3A_37 : i32
    %iota3A = tpu.iota {dimensions = array<i32: 0>} : vector<1000x64xi32>
    %add3A_39 = vector.broadcast %mul3A_38 : i32 to vector<1000x64xi32>
    %add3A_40 = arith.addi %add3A_39, %iota3A : vector<1000x64xi32>
    %get3A_41 = arith.constant 0 : index
    %get3A_42 = arith.constant 0 : index
    %get3A_43 = vector.load %arg8[%get3A_41, %get3A_42] : memref<8x64xi32, #tpu.memory_space<vmem>>, vector<1x64xi32>
    %get3A_44 = vector.shape_cast %get3A_43 : vector<1x64xi32> to vector<64xi32>
    %broadcast_in_dim3A = vector.shape_cast %get3A_44 : vector<64xi32> to vector<1x64xi32>
    %eq3A = vector.broadcast %broadcast_in_dim3A : vector<1x64xi32> to vector<1000x64xi32>
    %eq3A_45 = arith.cmpi eq, %add3A_40, %eq3A : vector<1000x64xi32>
    %convert_element_type3A = arith.extui %eq3A_45 : vector<1000x64xi1> to vector<1000x64xi32>
    %convert_element_type3A_46 = arith.sitofp %convert_element_type3A : vector<1000x64xi32> to vector<1000x64xf32>
    %get3A_47 = arith.constant 0 : index
    %get3A_48 = arith.constant 0 : index
    %get3A_49 = vector.load %arg7[%get3A_47, %get3A_48] : memref<64x128xf32, #tpu.memory_space<vmem>>, vector<64x128xf32>
    %dot_general3A_50 = arith.constant dense<0.000000e+00> : vector<1000x128xf32>
    %dot_general3A_51 = tpu.matmul %convert_element_type3A_46, %get3A_49, %dot_general3A_50 {dimension_numbers = #tpu.dot_dimension_numbers<[1], [0], [0], [1], [0, 0, 1, 1], [], []>, transpose_lhs_hint = false} : vector<1000x64xf32>, vector<64x128xf32>, vector<1000x128xf32> -> vector<1000x128xf32>
    %add3A_52 = arith.addf %add3A_36, %dot_general3A_51 : vector<1000x128xf32>
    %swap3A = arith.constant 0 : index
    %swap3A_53 = arith.constant 0 : index
    %swap3A_54 = vector.load %arg9[%swap3A, %swap3A_53] : memref<1000x128xf32, #tpu.memory_space<vmem>>, vector<1000x128xf32>
    tpu.vector_store %arg9[%swap3A, %swap3A_53], %add3A_52 {strides = array<i32>} : memref<1000x128xf32, #tpu.memory_space<vmem>>, vector<1000x128xf32>,
    return
  }
  func.func @transform_0(%arg0: i32) -> (i32, i32) {
    %c0_i32 = arith.constant 0 : i32
    %c0_i32_0 = arith.constant 0 : i32
    return %arg0, %c0_i32 : i32, i32
  }
  func.func @transform_1(%arg0: i32) -> (i32, i32) {
    %c0_i32 = arith.constant 0 : i32
    %c0_i32_0 = arith.constant 0 : i32
    return %arg0, %c0_i32 : i32, i32
  }
  func.func @transform_2(%arg0: i32) -> (i32, i32) {
    %c0_i32 = arith.constant 0 : i32
    %c0_i32_0 = arith.constant 0 : i32
    %c0_i32_1 = arith.constant 0 : i32
    return %c0_i32, %c0_i32_0 : i32, i32
  }
  func.func @transform_3(%arg0: i32) -> (i32, i32) {
    %c0_i32 = arith.constant 0 : i32
    %c0_i32_0 = arith.constant 0 : i32
    %c0_i32_1 = arith.constant 0 : i32
    return %c0_i32, %c0_i32_0 : i32, i32
  }
  func.func @transform_4(%arg0: i32) -> (i32, i32) {
    %c0_i32 = arith.constant 0 : i32
    %c0_i32_0 = arith.constant 0 : i32
    %c0_i32_1 = arith.constant 0 : i32
    return %c0_i32, %c0_i32_0 : i32, i32
  }
  func.func @transform_5(%arg0: i32) -> (i32, i32) {
    %c0_i32 = arith.constant 0 : i32
    %c0_i32_0 = arith.constant 0 : i32
    %c0_i32_1 = arith.constant 0 : i32
    return %c0_i32, %c0_i32_0 : i32, i32
  }
  func.func @transform_6(%arg0: i32) -> (i32, i32) {
    %c0_i32 = arith.constant 0 : i32
    %c0_i32_0 = arith.constant 0 : i32
    %c0_i32_1 = arith.constant 0 : i32
    return %c0_i32, %c0_i32_0 : i32, i32
  }
  func.func @transform_7(%arg0: i32) -> (i32, i32) {
    %c0_i32 = arith.constant 0 : i32
    %c0_i32_0 = arith.constant 0 : i32
    %c0_i32_1 = arith.constant 0 : i32
    return %c0_i32, %c0_i32_0 : i32, i32
  }
  func.func @transform_8(%arg0: i32) -> (i32, i32) {
    %c0_i32 = arith.constant 0 : i32
    %c0_i32_0 = arith.constant 0 : i32
    return %arg0, %c0_i32 : i32, i32
  }
}

module attributes {stable_mosaic.version = 14 : i64} {
  func.func @_k1_body(%arg0: i32, %arg1: memref<8x2048xf32, #tpu.memory_space<vmem>>, %arg2: memref<8x2048xf32, #tpu.memory_space<vmem>>, %arg3: memref<8x2048xf32, #tpu.memory_space<vmem>>, %arg4: memref<128x1xf32, #tpu.memory_space<vmem>>, %arg5: memref<128x1xf32, #tpu.memory_space<vmem>>, %arg6: memref<8x128xf32, #tpu.memory_space<vmem>>, %arg7: memref<8x128xf32, #tpu.memory_space<vmem>>) attributes {dimension_semantics = [#tpu.dimension_semantics<arbitrary>], iteration_bounds = array<i64: 20>, scalar_prefetch = 0 : i64, scratch_operands = 0 : i64, tpu.core_type = #tpu.core_type<tc>, window_params = [{transform_indices = @transform_0, window_bounds = array<i64: 8, 2048>}, {transform_indices = @transform_1, window_bounds = array<i64: 8, 2048>}, {transform_indices = @transform_2, window_bounds = array<i64: 8, 2048>}, {pipeline_mode = #tpu.pipeline_mode<synchronous>, transform_indices = @transform_3, window_bounds = array<i64: 128, 1>}, {pipeline_mode = #tpu.pipeline_mode<synchronous>, transform_indices = @transform_4, window_bounds = array<i64: 128, 1>}, {transform_indices = @transform_5, window_bounds = array<i64: 8, 128>}, {transform_indices = @transform_6, window_bounds = array<i64: 8, 128>}]} {
    %broadcast_in_dim3A = arith.constant 0.000000e+00 : f32
    %broadcast_in_dim3A_0 = vector.broadcast %broadcast_in_dim3A : f32 to vector<1x128xf32>
    %get3A = arith.constant 0 : index
    %get3A_1 = arith.constant 0 : index
    %get3A_2 = vector.load %arg1[%get3A, %get3A_1] : memref<8x2048xf32, #tpu.memory_space<vmem>>, vector<1x256xf32>
    %get3A_3 = arith.constant 0 : index
    %get3A_4 = arith.constant 0 : index
    %get3A_5 = vector.load %arg2[%get3A_3, %get3A_4] : memref<8x2048xf32, #tpu.memory_space<vmem>>, vector<1x256xf32>
    %get3A_6 = arith.constant 0 : index
    %get3A_7 = arith.constant 0 : index
    %get3A_8 = vector.load %arg4[%get3A_6, %get3A_7] : memref<128x1xf32, #tpu.memory_space<vmem>>, vector<128x1xf32>
    %mul3A = vector.broadcast %get3A_8 : vector<128x1xf32> to vector<128x256xf32>
    %mul3A_9 = vector.broadcast %get3A_2 : vector<1x256xf32> to vector<128x256xf32>
    %mul3A_10 = arith.mulf %mul3A, %mul3A_9 : vector<128x256xf32>
    %get3A_11 = arith.constant 0 : index
    %get3A_12 = arith.constant 0 : index
    %get3A_13 = vector.load %arg5[%get3A_11, %get3A_12] : memref<128x1xf32, #tpu.memory_space<vmem>>, vector<128x1xf32>
    %add3A = vector.broadcast %get3A_13 : vector<128x1xf32> to vector<128x256xf32>
    %add3A_14 = arith.addf %mul3A_10, %add3A : vector<128x256xf32>
    %cos3A = math.cos %add3A_14 : vector<128x256xf32>
    %dot_general3A = arith.constant dense<0.000000e+00> : vector<1x128xf32>
    %dot_general3A_15 = tpu.matmul %get3A_5, %cos3A, %dot_general3A {dimension_numbers = #tpu.dot_dimension_numbers<[1], [1], [0], [0], [0, 0, 1, 0], [], []>, precision = #tpu.contract_precision<fp32>, transpose_lhs_hint = false} : vector<1x256xf32>, vector<128x256xf32>, vector<1x128xf32> -> vector<1x128xf32>
    %add3A_16 = arith.addf %broadcast_in_dim3A_0, %dot_general3A_15 : vector<1x128xf32>
    %get3A_17 = arith.constant 0 : index
    %get3A_18 = arith.constant 256 : index
    %get3A_19 = vector.load %arg1[%get3A_17, %get3A_18] : memref<8x2048xf32, #tpu.memory_space<vmem>>, vector<1x256xf32>
    %get3A_20 = arith.constant 0 : index
    %get3A_21 = arith.constant 256 : index
    %get3A_22 = vector.load %arg2[%get3A_20, %get3A_21] : memref<8x2048xf32, #tpu.memory_space<vmem>>, vector<1x256xf32>
    %get3A_23 = arith.constant 0 : index
    %get3A_24 = arith.constant 0 : index
    %get3A_25 = vector.load %arg4[%get3A_23, %get3A_24] : memref<128x1xf32, #tpu.memory_space<vmem>>, vector<128x1xf32>
    %mul3A_26 = vector.broadcast %get3A_25 : vector<128x1xf32> to vector<128x256xf32>
    %mul3A_27 = vector.broadcast %get3A_19 : vector<1x256xf32> to vector<128x256xf32>
    %mul3A_28 = arith.mulf %mul3A_26, %mul3A_27 : vector<128x256xf32>
    %get3A_29 = arith.constant 0 : index
    %get3A_30 = arith.constant 0 : index
    %get3A_31 = vector.load %arg5[%get3A_29, %get3A_30] : memref<128x1xf32, #tpu.memory_space<vmem>>, vector<128x1xf32>
    %add3A_32 = vector.broadcast %get3A_31 : vector<128x1xf32> to vector<128x256xf32>
    %add3A_33 = arith.addf %mul3A_28, %add3A_32 : vector<128x256xf32>
    %cos3A_34 = math.cos %add3A_33 : vector<128x256xf32>
    %dot_general3A_35 = arith.constant dense<0.000000e+00> : vector<1x128xf32>
    %dot_general3A_36 = tpu.matmul %get3A_22, %cos3A_34, %dot_general3A_35 {dimension_numbers = #tpu.dot_dimension_numbers<[1], [1], [0], [0], [0, 0, 1, 0], [], []>, precision = #tpu.contract_precision<fp32>, transpose_lhs_hint = false} : vector<1x256xf32>, vector<128x256xf32>, vector<1x128xf32> -> vector<1x128xf32>
    %add3A_37 = arith.addf %add3A_16, %dot_general3A_36 : vector<1x128xf32>
    %get3A_38 = arith.constant 0 : index
    %get3A_39 = arith.constant 512 : index
    %get3A_40 = vector.load %arg1[%get3A_38, %get3A_39] : memref<8x2048xf32, #tpu.memory_space<vmem>>, vector<1x256xf32>
    %get3A_41 = arith.constant 0 : index
    %get3A_42 = arith.constant 512 : index
    %get3A_43 = vector.load %arg2[%get3A_41, %get3A_42] : memref<8x2048xf32, #tpu.memory_space<vmem>>, vector<1x256xf32>
    %get3A_44 = arith.constant 0 : index
    %get3A_45 = arith.constant 0 : index
    %get3A_46 = vector.load %arg4[%get3A_44, %get3A_45] : memref<128x1xf32, #tpu.memory_space<vmem>>, vector<128x1xf32>
    %mul3A_47 = vector.broadcast %get3A_46 : vector<128x1xf32> to vector<128x256xf32>
    %mul3A_48 = vector.broadcast %get3A_40 : vector<1x256xf32> to vector<128x256xf32>
    %mul3A_49 = arith.mulf %mul3A_47, %mul3A_48 : vector<128x256xf32>
    %get3A_50 = arith.constant 0 : index
    %get3A_51 = arith.constant 0 : index
    %get3A_52 = vector.load %arg5[%get3A_50, %get3A_51] : memref<128x1xf32, #tpu.memory_space<vmem>>, vector<128x1xf32>
    %add3A_53 = vector.broadcast %get3A_52 : vector<128x1xf32> to vector<128x256xf32>
    %add3A_54 = arith.addf %mul3A_49, %add3A_53 : vector<128x256xf32>
    %cos3A_55 = math.cos %add3A_54 : vector<128x256xf32>
    %dot_general3A_56 = arith.constant dense<0.000000e+00> : vector<1x128xf32>
    %dot_general3A_57 = tpu.matmul %get3A_43, %cos3A_55, %dot_general3A_56 {dimension_numbers = #tpu.dot_dimension_numbers<[1], [1], [0], [0], [0, 0, 1, 0], [], []>, precision = #tpu.contract_precision<fp32>, transpose_lhs_hint = false} : vector<1x256xf32>, vector<128x256xf32>, vector<1x128xf32> -> vector<1x128xf32>
    %add3A_58 = arith.addf %add3A_37, %dot_general3A_57 : vector<1x128xf32>
    %get3A_59 = arith.constant 0 : index
    %get3A_60 = arith.constant 768 : index
    %get3A_61 = vector.load %arg1[%get3A_59, %get3A_60] : memref<8x2048xf32, #tpu.memory_space<vmem>>, vector<1x256xf32>
    %get3A_62 = arith.constant 0 : index
    %get3A_63 = arith.constant 768 : index
    %get3A_64 = vector.load %arg2[%get3A_62, %get3A_63] : memref<8x2048xf32, #tpu.memory_space<vmem>>, vector<1x256xf32>
    %get3A_65 = arith.constant 0 : index
    %get3A_66 = arith.constant 0 : index
    %get3A_67 = vector.load %arg4[%get3A_65, %get3A_66] : memref<128x1xf32, #tpu.memory_space<vmem>>, vector<128x1xf32>
    %mul3A_68 = vector.broadcast %get3A_67 : vector<128x1xf32> to vector<128x256xf32>
    %mul3A_69 = vector.broadcast %get3A_61 : vector<1x256xf32> to vector<128x256xf32>
    %mul3A_70 = arith.mulf %mul3A_68, %mul3A_69 : vector<128x256xf32>
    %get3A_71 = arith.constant 0 : index
    %get3A_72 = arith.constant 0 : index
    %get3A_73 = vector.load %arg5[%get3A_71, %get3A_72] : memref<128x1xf32, #tpu.memory_space<vmem>>, vector<128x1xf32>
    %add3A_74 = vector.broadcast %get3A_73 : vector<128x1xf32> to vector<128x256xf32>
    %add3A_75 = arith.addf %mul3A_70, %add3A_74 : vector<128x256xf32>
    %cos3A_76 = math.cos %add3A_75 : vector<128x256xf32>
    %dot_general3A_77 = arith.constant dense<0.000000e+00> : vector<1x128xf32>
    %dot_general3A_78 = tpu.matmul %get3A_64, %cos3A_76, %dot_general3A_77 {dimension_numbers = #tpu.dot_dimension_numbers<[1], [1], [0], [0], [0, 0, 1, 0], [], []>, precision = #tpu.contract_precision<fp32>, transpose_lhs_hint = false} : vector<1x256xf32>, vector<128x256xf32>, vector<1x128xf32> -> vector<1x128xf32>
    %add3A_79 = arith.addf %add3A_58, %dot_general3A_78 : vector<1x128xf32>
    %get3A_80 = arith.constant 0 : index
    %get3A_81 = arith.constant 1024 : index
    %get3A_82 = vector.load %arg1[%get3A_80, %get3A_81] : memref<8x2048xf32, #tpu.memory_space<vmem>>, vector<1x256xf32>
    %get3A_83 = arith.constant 0 : index
    %get3A_84 = arith.constant 1024 : index
    %get3A_85 = vector.load %arg2[%get3A_83, %get3A_84] : memref<8x2048xf32, #tpu.memory_space<vmem>>, vector<1x256xf32>
    %get3A_86 = arith.constant 0 : index
    %get3A_87 = arith.constant 0 : index
    %get3A_88 = vector.load %arg4[%get3A_86, %get3A_87] : memref<128x1xf32, #tpu.memory_space<vmem>>, vector<128x1xf32>
    %mul3A_89 = vector.broadcast %get3A_88 : vector<128x1xf32> to vector<128x256xf32>
    %mul3A_90 = vector.broadcast %get3A_82 : vector<1x256xf32> to vector<128x256xf32>
    %mul3A_91 = arith.mulf %mul3A_89, %mul3A_90 : vector<128x256xf32>
    %get3A_92 = arith.constant 0 : index
    %get3A_93 = arith.constant 0 : index
    %get3A_94 = vector.load %arg5[%get3A_92, %get3A_93] : memref<128x1xf32, #tpu.memory_space<vmem>>, vector<128x1xf32>
    %add3A_95 = vector.broadcast %get3A_94 : vector<128x1xf32> to vector<128x256xf32>
    %add3A_96 = arith.addf %mul3A_91, %add3A_95 : vector<128x256xf32>
    %cos3A_97 = math.cos %add3A_96 : vector<128x256xf32>
    %dot_general3A_98 = arith.constant dense<0.000000e+00> : vector<1x128xf32>
    %dot_general3A_99 = tpu.matmul %get3A_85, %cos3A_97, %dot_general3A_98 {dimension_numbers = #tpu.dot_dimension_numbers<[1], [1], [0], [0], [0, 0, 1, 0], [], []>, precision = #tpu.contract_precision<fp32>, transpose_lhs_hint = false} : vector<1x256xf32>, vector<128x256xf32>, vector<1x128xf32> -> vector<1x128xf32>
    %add3A_100 = arith.addf %add3A_79, %dot_general3A_99 : vector<1x128xf32>
    %get3A_101 = arith.constant 0 : index
    %get3A_102 = arith.constant 1280 : index
    %get3A_103 = vector.load %arg1[%get3A_101, %get3A_102] : memref<8x2048xf32, #tpu.memory_space<vmem>>, vector<1x256xf32>
    %get3A_104 = arith.constant 0 : index
    %get3A_105 = arith.constant 1280 : index
    %get3A_106 = vector.load %arg2[%get3A_104, %get3A_105] : memref<8x2048xf32, #tpu.memory_space<vmem>>, vector<1x256xf32>
    %get3A_107 = arith.constant 0 : index
    %get3A_108 = arith.constant 0 : index
    %get3A_109 = vector.load %arg4[%get3A_107, %get3A_108] : memref<128x1xf32, #tpu.memory_space<vmem>>, vector<128x1xf32>
    %mul3A_110 = vector.broadcast %get3A_109 : vector<128x1xf32> to vector<128x256xf32>
    %mul3A_111 = vector.broadcast %get3A_103 : vector<1x256xf32> to vector<128x256xf32>
    %mul3A_112 = arith.mulf %mul3A_110, %mul3A_111 : vector<128x256xf32>
    %get3A_113 = arith.constant 0 : index
    %get3A_114 = arith.constant 0 : index
    %get3A_115 = vector.load %arg5[%get3A_113, %get3A_114] : memref<128x1xf32, #tpu.memory_space<vmem>>, vector<128x1xf32>
    %add3A_116 = vector.broadcast %get3A_115 : vector<128x1xf32> to vector<128x256xf32>
    %add3A_117 = arith.addf %mul3A_112, %add3A_116 : vector<128x256xf32>
    %cos3A_118 = math.cos %add3A_117 : vector<128x256xf32>
    %dot_general3A_119 = arith.constant dense<0.000000e+00> : vector<1x128xf32>
    %dot_general3A_120 = tpu.matmul %get3A_106, %cos3A_118, %dot_general3A_119 {dimension_numbers = #tpu.dot_dimension_numbers<[1], [1], [0], [0], [0, 0, 1, 0], [], []>, precision = #tpu.contract_precision<fp32>, transpose_lhs_hint = false} : vector<1x256xf32>, vector<128x256xf32>, vector<1x128xf32> -> vector<1x128xf32>
    %add3A_121 = arith.addf %add3A_100, %dot_general3A_120 : vector<1x128xf32>
    %get3A_122 = arith.constant 0 : index
    %get3A_123 = arith.constant 1536 : index
    %get3A_124 = vector.load %arg1[%get3A_122, %get3A_123] : memref<8x2048xf32, #tpu.memory_space<vmem>>, vector<1x256xf32>
    %get3A_125 = arith.constant 0 : index
    %get3A_126 = arith.constant 1536 : index
    %get3A_127 = vector.load %arg2[%get3A_125, %get3A_126] : memref<8x2048xf32, #tpu.memory_space<vmem>>, vector<1x256xf32>
    %get3A_128 = arith.constant 0 : index
    %get3A_129 = arith.constant 0 : index
    %get3A_130 = vector.load %arg4[%get3A_128, %get3A_129] : memref<128x1xf32, #tpu.memory_space<vmem>>, vector<128x1xf32>
    %mul3A_131 = vector.broadcast %get3A_130 : vector<128x1xf32> to vector<128x256xf32>
    %mul3A_132 = vector.broadcast %get3A_124 : vector<1x256xf32> to vector<128x256xf32>
    %mul3A_133 = arith.mulf %mul3A_131, %mul3A_132 : vector<128x256xf32>
    %get3A_134 = arith.constant 0 : index
    %get3A_135 = arith.constant 0 : index
    %get3A_136 = vector.load %arg5[%get3A_134, %get3A_135] : memref<128x1xf32, #tpu.memory_space<vmem>>, vector<128x1xf32>
    %add3A_137 = vector.broadcast %get3A_136 : vector<128x1xf32> to vector<128x256xf32>
    %add3A_138 = arith.addf %mul3A_133, %add3A_137 : vector<128x256xf32>
    %cos3A_139 = math.cos %add3A_138 : vector<128x256xf32>
    %dot_general3A_140 = arith.constant dense<0.000000e+00> : vector<1x128xf32>
    %dot_general3A_141 = tpu.matmul %get3A_127, %cos3A_139, %dot_general3A_140 {dimension_numbers = #tpu.dot_dimension_numbers<[1], [1], [0], [0], [0, 0, 1, 0], [], []>, precision = #tpu.contract_precision<fp32>, transpose_lhs_hint = false} : vector<1x256xf32>, vector<128x256xf32>, vector<1x128xf32> -> vector<1x128xf32>
    %add3A_142 = arith.addf %add3A_121, %dot_general3A_141 : vector<1x128xf32>
    %get3A_143 = arith.constant 0 : index
    %get3A_144 = arith.constant 1792 : index
    %get3A_145 = vector.load %arg1[%get3A_143, %get3A_144] : memref<8x2048xf32, #tpu.memory_space<vmem>>, vector<1x256xf32>
    %get3A_146 = arith.constant 0 : index
    %get3A_147 = arith.constant 1792 : index
    %get3A_148 = vector.load %arg2[%get3A_146, %get3A_147] : memref<8x2048xf32, #tpu.memory_space<vmem>>, vector<1x256xf32>
    %get3A_149 = arith.constant 0 : index
    %get3A_150 = arith.constant 0 : index
    %get3A_151 = vector.load %arg4[%get3A_149, %get3A_150] : memref<128x1xf32, #tpu.memory_space<vmem>>, vector<128x1xf32>
    %mul3A_152 = vector.broadcast %get3A_151 : vector<128x1xf32> to vector<128x256xf32>
    %mul3A_153 = vector.broadcast %get3A_145 : vector<1x256xf32> to vector<128x256xf32>
    %mul3A_154 = arith.mulf %mul3A_152, %mul3A_153 : vector<128x256xf32>
    %get3A_155 = arith.constant 0 : index
    %get3A_156 = arith.constant 0 : index
    %get3A_157 = vector.load %arg5[%get3A_155, %get3A_156] : memref<128x1xf32, #tpu.memory_space<vmem>>, vector<128x1xf32>
    %add3A_158 = vector.broadcast %get3A_157 : vector<128x1xf32> to vector<128x256xf32>
    %add3A_159 = arith.addf %mul3A_154, %add3A_158 : vector<128x256xf32>
    %cos3A_160 = math.cos %add3A_159 : vector<128x256xf32>
    %dot_general3A_161 = arith.constant dense<0.000000e+00> : vector<1x128xf32>
    %dot_general3A_162 = tpu.matmul %get3A_148, %cos3A_160, %dot_general3A_161 {dimension_numbers = #tpu.dot_dimension_numbers<[1], [1], [0], [0], [0, 0, 1, 0], [], []>, precision = #tpu.contract_precision<fp32>, transpose_lhs_hint = false} : vector<1x256xf32>, vector<128x256xf32>, vector<1x128xf32> -> vector<1x128xf32>
    %add3A_163 = arith.addf %add3A_142, %dot_general3A_162 : vector<1x128xf32>
    %broadcast_in_dim3A_164 = arith.constant 0.000000e+00 : f32
    %broadcast_in_dim3A_165 = vector.broadcast %broadcast_in_dim3A_164 : f32 to vector<1x128xf32>
    %get3A_166 = arith.constant 1 : index
    %get3A_167 = arith.constant 0 : index
    %get3A_168 = vector.load %arg1[%get3A_166, %get3A_167] : memref<8x2048xf32, #tpu.memory_space<vmem>>, vector<1x256xf32>
    %get3A_169 = arith.constant 1 : index
    %get3A_170 = arith.constant 0 : index
    %get3A_171 = vector.load %arg2[%get3A_169, %get3A_170] : memref<8x2048xf32, #tpu.memory_space<vmem>>, vector<1x256xf32>
    %get3A_172 = arith.constant 0 : index
    %get3A_173 = arith.constant 0 : index
    %get3A_174 = vector.load %arg4[%get3A_172, %get3A_173] : memref<128x1xf32, #tpu.memory_space<vmem>>, vector<128x1xf32>
    %mul3A_175 = vector.broadcast %get3A_174 : vector<128x1xf32> to vector<128x256xf32>
    %mul3A_176 = vector.broadcast %get3A_168 : vector<1x256xf32> to vector<128x256xf32>
    %mul3A_177 = arith.mulf %mul3A_175, %mul3A_176 : vector<128x256xf32>
    %get3A_178 = arith.constant 0 : index
    %get3A_179 = arith.constant 0 : index
    %get3A_180 = vector.load %arg5[%get3A_178, %get3A_179] : memref<128x1xf32, #tpu.memory_space<vmem>>, vector<128x1xf32>
    %add3A_181 = vector.broadcast %get3A_180 : vector<128x1xf32> to vector<128x256xf32>
    %add3A_182 = arith.addf %mul3A_177, %add3A_181 : vector<128x256xf32>
    %cos3A_183 = math.cos %add3A_182 : vector<128x256xf32>
    %dot_general3A_184 = arith.constant dense<0.000000e+00> : vector<1x128xf32>
    %dot_general3A_185 = tpu.matmul %get3A_171, %cos3A_183, %dot_general3A_184 {dimension_numbers = #tpu.dot_dimension_numbers<[1], [1], [0], [0], [0, 0, 1, 0], [], []>, precision = #tpu.contract_precision<fp32>, transpose_lhs_hint = false} : vector<1x256xf32>, vector<128x256xf32>, vector<1x128xf32> -> vector<1x128xf32>
    %add3A_186 = arith.addf %broadcast_in_dim3A_165, %dot_general3A_185 : vector<1x128xf32>
    %get3A_187 = arith.constant 1 : index
    %get3A_188 = arith.constant 256 : index
    %get3A_189 = vector.load %arg1[%get3A_187, %get3A_188] : memref<8x2048xf32, #tpu.memory_space<vmem>>, vector<1x256xf32>
    %get3A_190 = arith.constant 1 : index
    %get3A_191 = arith.constant 256 : index
    %get3A_192 = vector.load %arg2[%get3A_190, %get3A_191] : memref<8x2048xf32, #tpu.memory_space<vmem>>, vector<1x256xf32>
    %get3A_193 = arith.constant 0 : index
    %get3A_194 = arith.constant 0 : index
    %get3A_195 = vector.load %arg4[%get3A_193, %get3A_194] : memref<128x1xf32, #tpu.memory_space<vmem>>, vector<128x1xf32>
    %mul3A_196 = vector.broadcast %get3A_195 : vector<128x1xf32> to vector<128x256xf32>
    %mul3A_197 = vector.broadcast %get3A_189 : vector<1x256xf32> to vector<128x256xf32>
    %mul3A_198 = arith.mulf %mul3A_196, %mul3A_197 : vector<128x256xf32>
    %get3A_199 = arith.constant 0 : index
    %get3A_200 = arith.constant 0 : index
    %get3A_201 = vector.load %arg5[%get3A_199, %get3A_200] : memref<128x1xf32, #tpu.memory_space<vmem>>, vector<128x1xf32>
    %add3A_202 = vector.broadcast %get3A_201 : vector<128x1xf32> to vector<128x256xf32>
    %add3A_203 = arith.addf %mul3A_198, %add3A_202 : vector<128x256xf32>
    %cos3A_204 = math.cos %add3A_203 : vector<128x256xf32>
    %dot_general3A_205 = arith.constant dense<0.000000e+00> : vector<1x128xf32>
    %dot_general3A_206 = tpu.matmul %get3A_192, %cos3A_204, %dot_general3A_205 {dimension_numbers = #tpu.dot_dimension_numbers<[1], [1], [0], [0], [0, 0, 1, 0], [], []>, precision = #tpu.contract_precision<fp32>, transpose_lhs_hint = false} : vector<1x256xf32>, vector<128x256xf32>, vector<1x128xf32> -> vector<1x128xf32>
    %add3A_207 = arith.addf %add3A_186, %dot_general3A_206 : vector<1x128xf32>
    %get3A_208 = arith.constant 1 : index
    %get3A_209 = arith.constant 512 : index
    %get3A_210 = vector.load %arg1[%get3A_208, %get3A_209] : memref<8x2048xf32, #tpu.memory_space<vmem>>, vector<1x256xf32>
    %get3A_211 = arith.constant 1 : index
    %get3A_212 = arith.constant 512 : index
    %get3A_213 = vector.load %arg2[%get3A_211, %get3A_212] : memref<8x2048xf32, #tpu.memory_space<vmem>>, vector<1x256xf32>
    %get3A_214 = arith.constant 0 : index
    %get3A_215 = arith.constant 0 : index
    %get3A_216 = vector.load %arg4[%get3A_214, %get3A_215] : memref<128x1xf32, #tpu.memory_space<vmem>>, vector<128x1xf32>
    %mul3A_217 = vector.broadcast %get3A_216 : vector<128x1xf32> to vector<128x256xf32>
    %mul3A_218 = vector.broadcast %get3A_210 : vector<1x256xf32> to vector<128x256xf32>
    %mul3A_219 = arith.mulf %mul3A_217, %mul3A_218 : vector<128x256xf32>
    %get3A_220 = arith.constant 0 : index
    %get3A_221 = arith.constant 0 : index
    %get3A_222 = vector.load %arg5[%get3A_220, %get3A_221] : memref<128x1xf32, #tpu.memory_space<vmem>>, vector<128x1xf32>
    %add3A_223 = vector.broadcast %get3A_222 : vector<128x1xf32> to vector<128x256xf32>
    %add3A_224 = arith.addf %mul3A_219, %add3A_223 : vector<128x256xf32>
    %cos3A_225 = math.cos %add3A_224 : vector<128x256xf32>
    %dot_general3A_226 = arith.constant dense<0.000000e+00> : vector<1x128xf32>
    %dot_general3A_227 = tpu.matmul %get3A_213, %cos3A_225, %dot_general3A_226 {dimension_numbers = #tpu.dot_dimension_numbers<[1], [1], [0], [0], [0, 0, 1, 0], [], []>, precision = #tpu.contract_precision<fp32>, transpose_lhs_hint = false} : vector<1x256xf32>, vector<128x256xf32>, vector<1x128xf32> -> vector<1x128xf32>
    %add3A_228 = arith.addf %add3A_207, %dot_general3A_227 : vector<1x128xf32>
    %get3A_229 = arith.constant 1 : index
    %get3A_230 = arith.constant 768 : index
    %get3A_231 = vector.load %arg1[%get3A_229, %get3A_230] : memref<8x2048xf32, #tpu.memory_space<vmem>>, vector<1x256xf32>
    %get3A_232 = arith.constant 1 : index
    %get3A_233 = arith.constant 768 : index
    %get3A_234 = vector.load %arg2[%get3A_232, %get3A_233] : memref<8x2048xf32, #tpu.memory_space<vmem>>, vector<1x256xf32>
    %get3A_235 = arith.constant 0 : index
    %get3A_236 = arith.constant 0 : index
    %get3A_237 = vector.load %arg4[%get3A_235, %get3A_236] : memref<128x1xf32, #tpu.memory_space<vmem>>, vector<128x1xf32>
    %mul3A_238 = vector.broadcast %get3A_237 : vector<128x1xf32> to vector<128x256xf32>
    %mul3A_239 = vector.broadcast %get3A_231 : vector<1x256xf32> to vector<128x256xf32>
    %mul3A_240 = arith.mulf %mul3A_238, %mul3A_239 : vector<128x256xf32>
    %get3A_241 = arith.constant 0 : index
    %get3A_242 = arith.constant 0 : index
    %get3A_243 = vector.load %arg5[%get3A_241, %get3A_242] : memref<128x1xf32, #tpu.memory_space<vmem>>, vector<128x1xf32>
    %add3A_244 = vector.broadcast %get3A_243 : vector<128x1xf32> to vector<128x256xf32>
    %add3A_245 = arith.addf %mul3A_240, %add3A_244 : vector<128x256xf32>
    %cos3A_246 = math.cos %add3A_245 : vector<128x256xf32>
    %dot_general3A_247 = arith.constant dense<0.000000e+00> : vector<1x128xf32>
    %dot_general3A_248 = tpu.matmul %get3A_234, %cos3A_246, %dot_general3A_247 {dimension_numbers = #tpu.dot_dimension_numbers<[1], [1], [0], [0], [0, 0, 1, 0], [], []>, precision = #tpu.contract_precision<fp32>, transpose_lhs_hint = false} : vector<1x256xf32>, vector<128x256xf32>, vector<1x128xf32> -> vector<1x128xf32>
    %add3A_249 = arith.addf %add3A_228, %dot_general3A_248 : vector<1x128xf32>
    %get3A_250 = arith.constant 1 : index
    %get3A_251 = arith.constant 1024 : index
    %get3A_252 = vector.load %arg1[%get3A_250, %get3A_251] : memref<8x2048xf32, #tpu.memory_space<vmem>>, vector<1x256xf32>
    %get3A_253 = arith.constant 1 : index
    %get3A_254 = arith.constant 1024 : index
    %get3A_255 = vector.load %arg2[%get3A_253, %get3A_254] : memref<8x2048xf32, #tpu.memory_space<vmem>>, vector<1x256xf32>
    %get3A_256 = arith.constant 0 : index
    %get3A_257 = arith.constant 0 : index
    %get3A_258 = vector.load %arg4[%get3A_256, %get3A_257] : memref<128x1xf32, #tpu.memory_space<vmem>>, vector<128x1xf32>
    %mul3A_259 = vector.broadcast %get3A_258 : vector<128x1xf32> to vector<128x256xf32>
    %mul3A_260 = vector.broadcast %get3A_252 : vector<1x256xf32> to vector<128x256xf32>
    %mul3A_261 = arith.mulf %mul3A_259, %mul3A_260 : vector<128x256xf32>
    %get3A_262 = arith.constant 0 : index
    %get3A_263 = arith.constant 0 : index
    %get3A_264 = vector.load %arg5[%get3A_262, %get3A_263] : memref<128x1xf32, #tpu.memory_space<vmem>>, vector<128x1xf32>
    %add3A_265 = vector.broadcast %get3A_264 : vector<128x1xf32> to vector<128x256xf32>
    %add3A_266 = arith.addf %mul3A_261, %add3A_265 : vector<128x256xf32>
    %cos3A_267 = math.cos %add3A_266 : vector<128x256xf32>
    %dot_general3A_268 = arith.constant dense<0.000000e+00> : vector<1x128xf32>
    %dot_general3A_269 = tpu.matmul %get3A_255, %cos3A_267, %dot_general3A_268 {dimension_numbers = #tpu.dot_dimension_numbers<[1], [1], [0], [0], [0, 0, 1, 0], [], []>, precision = #tpu.contract_precision<fp32>, transpose_lhs_hint = false} : vector<1x256xf32>, vector<128x256xf32>, vector<1x128xf32> -> vector<1x128xf32>
    %add3A_270 = arith.addf %add3A_249, %dot_general3A_269 : vector<1x128xf32>
    %get3A_271 = arith.constant 1 : index
    %get3A_272 = arith.constant 1280 : index
    %get3A_273 = vector.load %arg1[%get3A_271, %get3A_272] : memref<8x2048xf32, #tpu.memory_space<vmem>>, vector<1x256xf32>
    %get3A_274 = arith.constant 1 : index
    %get3A_275 = arith.constant 1280 : index
    %get3A_276 = vector.load %arg2[%get3A_274, %get3A_275] : memref<8x2048xf32, #tpu.memory_space<vmem>>, vector<1x256xf32>
    %get3A_277 = arith.constant 0 : index
    %get3A_278 = arith.constant 0 : index
    %get3A_279 = vector.load %arg4[%get3A_277, %get3A_278] : memref<128x1xf32, #tpu.memory_space<vmem>>, vector<128x1xf32>
    %mul3A_280 = vector.broadcast %get3A_279 : vector<128x1xf32> to vector<128x256xf32>
    %mul3A_281 = vector.broadcast %get3A_273 : vector<1x256xf32> to vector<128x256xf32>
    %mul3A_282 = arith.mulf %mul3A_280, %mul3A_281 : vector<128x256xf32>
    %get3A_283 = arith.constant 0 : index
    %get3A_284 = arith.constant 0 : index
    %get3A_285 = vector.load %arg5[%get3A_283, %get3A_284] : memref<128x1xf32, #tpu.memory_space<vmem>>, vector<128x1xf32>
    %add3A_286 = vector.broadcast %get3A_285 : vector<128x1xf32> to vector<128x256xf32>
    %add3A_287 = arith.addf %mul3A_282, %add3A_286 : vector<128x256xf32>
    %cos3A_288 = math.cos %add3A_287 : vector<128x256xf32>
    %dot_general3A_289 = arith.constant dense<0.000000e+00> : vector<1x128xf32>
    %dot_general3A_290 = tpu.matmul %get3A_276, %cos3A_288, %dot_general3A_289 {dimension_numbers = #tpu.dot_dimension_numbers<[1], [1], [0], [0], [0, 0, 1, 0], [], []>, precision = #tpu.contract_precision<fp32>, transpose_lhs_hint = false} : vector<1x256xf32>, vector<128x256xf32>, vector<1x128xf32> -> vector<1x128xf32>
    %add3A_291 = arith.addf %add3A_270, %dot_general3A_290 : vector<1x128xf32>
    %get3A_292 = arith.constant 1 : index
    %get3A_293 = arith.constant 1536 : index
    %get3A_294 = vector.load %arg1[%get3A_292, %get3A_293] : memref<8x2048xf32, #tpu.memory_space<vmem>>, vector<1x256xf32>
    %get3A_295 = arith.constant 1 : index
    %get3A_296 = arith.constant 1536 : index
    %get3A_297 = vector.load %arg2[%get3A_295, %get3A_296] : memref<8x2048xf32, #tpu.memory_space<vmem>>, vector<1x256xf32>
    %get3A_298 = arith.constant 0 : index
    %get3A_299 = arith.constant 0 : index
    %get3A_300 = vector.load %arg4[%get3A_298, %get3A_299] : memref<128x1xf32, #tpu.memory_space<vmem>>, vector<128x1xf32>
    %mul3A_301 = vector.broadcast %get3A_300 : vector<128x1xf32> to vector<128x256xf32>
    %mul3A_302 = vector.broadcast %get3A_294 : vector<1x256xf32> to vector<128x256xf32>
    %mul3A_303 = arith.mulf %mul3A_301, %mul3A_302 : vector<128x256xf32>
    %get3A_304 = arith.constant 0 : index
    %get3A_305 = arith.constant 0 : index
    %get3A_306 = vector.load %arg5[%get3A_304, %get3A_305] : memref<128x1xf32, #tpu.memory_space<vmem>>, vector<128x1xf32>
    %add3A_307 = vector.broadcast %get3A_306 : vector<128x1xf32> to vector<128x256xf32>
    %add3A_308 = arith.addf %mul3A_303, %add3A_307 : vector<128x256xf32>
    %cos3A_309 = math.cos %add3A_308 : vector<128x256xf32>
    %dot_general3A_310 = arith.constant dense<0.000000e+00> : vector<1x128xf32>
    %dot_general3A_311 = tpu.matmul %get3A_297, %cos3A_309, %dot_general3A_310 {dimension_numbers = #tpu.dot_dimension_numbers<[1], [1], [0], [0], [0, 0, 1, 0], [], []>, precision = #tpu.contract_precision<fp32>, transpose_lhs_hint = false} : vector<1x256xf32>, vector<128x256xf32>, vector<1x128xf32> -> vector<1x128xf32>
    %add3A_312 = arith.addf %add3A_291, %dot_general3A_311 : vector<1x128xf32>
    %get3A_313 = arith.constant 1 : index
    %get3A_314 = arith.constant 1792 : index
    %get3A_315 = vector.load %arg1[%get3A_313, %get3A_314] : memref<8x2048xf32, #tpu.memory_space<vmem>>, vector<1x256xf32>
    %get3A_316 = arith.constant 1 : index
    %get3A_317 = arith.constant 1792 : index
    %get3A_318 = vector.load %arg2[%get3A_316, %get3A_317] : memref<8x2048xf32, #tpu.memory_space<vmem>>, vector<1x256xf32>
    %get3A_319 = arith.constant 0 : index
    %get3A_320 = arith.constant 0 : index
    %get3A_321 = vector.load %arg4[%get3A_319, %get3A_320] : memref<128x1xf32, #tpu.memory_space<vmem>>, vector<128x1xf32>
    %mul3A_322 = vector.broadcast %get3A_321 : vector<128x1xf32> to vector<128x256xf32>
    %mul3A_323 = vector.broadcast %get3A_315 : vector<1x256xf32> to vector<128x256xf32>
    %mul3A_324 = arith.mulf %mul3A_322, %mul3A_323 : vector<128x256xf32>
    %get3A_325 = arith.constant 0 : index
    %get3A_326 = arith.constant 0 : index
    %get3A_327 = vector.load %arg5[%get3A_325, %get3A_326] : memref<128x1xf32, #tpu.memory_space<vmem>>, vector<128x1xf32>
    %add3A_328 = vector.broadcast %get3A_327 : vector<128x1xf32> to vector<128x256xf32>
    %add3A_329 = arith.addf %mul3A_324, %add3A_328 : vector<128x256xf32>
    %cos3A_330 = math.cos %add3A_329 : vector<128x256xf32>
    %dot_general3A_331 = arith.constant dense<0.000000e+00> : vector<1x128xf32>
    %dot_general3A_332 = tpu.matmul %get3A_318, %cos3A_330, %dot_general3A_331 {dimension_numbers = #tpu.dot_dimension_numbers<[1], [1], [0], [0], [0, 0, 1, 0], [], []>, precision = #tpu.contract_precision<fp32>, transpose_lhs_hint = false} : vector<1x256xf32>, vector<128x256xf32>, vector<1x128xf32> -> vector<1x128xf32>
    %add3A_333 = arith.addf %add3A_312, %dot_general3A_332 : vector<1x128xf32>
    %broadcast_in_dim3A_334 = arith.constant 0.000000e+00 : f32
    %broadcast_in_dim3A_335 = vector.broadcast %broadcast_in_dim3A_334 : f32 to vector<1x128xf32>
    %get3A_336 = arith.constant 2 : index
    %get3A_337 = arith.constant 0 : index
    %get3A_338 = vector.load %arg1[%get3A_336, %get3A_337] : memref<8x2048xf32, #tpu.memory_space<vmem>>, vector<1x256xf32>
    %get3A_339 = arith.constant 2 : index
    %get3A_340 = arith.constant 0 : index
    %get3A_341 = vector.load %arg2[%get3A_339, %get3A_340] : memref<8x2048xf32, #tpu.memory_space<vmem>>, vector<1x256xf32>
    %get3A_342 = arith.constant 0 : index
    %get3A_343 = arith.constant 0 : index
    %get3A_344 = vector.load %arg4[%get3A_342, %get3A_343] : memref<128x1xf32, #tpu.memory_space<vmem>>, vector<128x1xf32>
    %mul3A_345 = vector.broadcast %get3A_344 : vector<128x1xf32> to vector<128x256xf32>
    %mul3A_346 = vector.broadcast %get3A_338 : vector<1x256xf32> to vector<128x256xf32>
    %mul3A_347 = arith.mulf %mul3A_345, %mul3A_346 : vector<128x256xf32>
    %get3A_348 = arith.constant 0 : index
    %get3A_349 = arith.constant 0 : index
    %get3A_350 = vector.load %arg5[%get3A_348, %get3A_349] : memref<128x1xf32, #tpu.memory_space<vmem>>, vector<128x1xf32>
    %add3A_351 = vector.broadcast %get3A_350 : vector<128x1xf32> to vector<128x256xf32>
    %add3A_352 = arith.addf %mul3A_347, %add3A_351 : vector<128x256xf32>
    %cos3A_353 = math.cos %add3A_352 : vector<128x256xf32>
    %dot_general3A_354 = arith.constant dense<0.000000e+00> : vector<1x128xf32>
    %dot_general3A_355 = tpu.matmul %get3A_341, %cos3A_353, %dot_general3A_354 {dimension_numbers = #tpu.dot_dimension_numbers<[1], [1], [0], [0], [0, 0, 1, 0], [], []>, precision = #tpu.contract_precision<fp32>, transpose_lhs_hint = false} : vector<1x256xf32>, vector<128x256xf32>, vector<1x128xf32> -> vector<1x128xf32>
    %add3A_356 = arith.addf %broadcast_in_dim3A_335, %dot_general3A_355 : vector<1x128xf32>
    %get3A_357 = arith.constant 2 : index
    %get3A_358 = arith.constant 256 : index
    %get3A_359 = vector.load %arg1[%get3A_357, %get3A_358] : memref<8x2048xf32, #tpu.memory_space<vmem>>, vector<1x256xf32>
    %get3A_360 = arith.constant 2 : index
    %get3A_361 = arith.constant 256 : index
    %get3A_362 = vector.load %arg2[%get3A_360, %get3A_361] : memref<8x2048xf32, #tpu.memory_space<vmem>>, vector<1x256xf32>
    %get3A_363 = arith.constant 0 : index
    %get3A_364 = arith.constant 0 : index
    %get3A_365 = vector.load %arg4[%get3A_363, %get3A_364] : memref<128x1xf32, #tpu.memory_space<vmem>>, vector<128x1xf32>
    %mul3A_366 = vector.broadcast %get3A_365 : vector<128x1xf32> to vector<128x256xf32>
    %mul3A_367 = vector.broadcast %get3A_359 : vector<1x256xf32> to vector<128x256xf32>
    %mul3A_368 = arith.mulf %mul3A_366, %mul3A_367 : vector<128x256xf32>
    %get3A_369 = arith.constant 0 : index
    %get3A_370 = arith.constant 0 : index
    %get3A_371 = vector.load %arg5[%get3A_369, %get3A_370] : memref<128x1xf32, #tpu.memory_space<vmem>>, vector<128x1xf32>
    %add3A_372 = vector.broadcast %get3A_371 : vector<128x1xf32> to vector<128x256xf32>
    %add3A_373 = arith.addf %mul3A_368, %add3A_372 : vector<128x256xf32>
    %cos3A_374 = math.cos %add3A_373 : vector<128x256xf32>
    %dot_general3A_375 = arith.constant dense<0.000000e+00> : vector<1x128xf32>
    %dot_general3A_376 = tpu.matmul %get3A_362, %cos3A_374, %dot_general3A_375 {dimension_numbers = #tpu.dot_dimension_numbers<[1], [1], [0], [0], [0, 0, 1, 0], [], []>, precision = #tpu.contract_precision<fp32>, transpose_lhs_hint = false} : vector<1x256xf32>, vector<128x256xf32>, vector<1x128xf32> -> vector<1x128xf32>
    %add3A_377 = arith.addf %add3A_356, %dot_general3A_376 : vector<1x128xf32>
    %get3A_378 = arith.constant 2 : index
    %get3A_379 = arith.constant 512 : index
    %get3A_380 = vector.load %arg1[%get3A_378, %get3A_379] : memref<8x2048xf32, #tpu.memory_space<vmem>>, vector<1x256xf32>
    %get3A_381 = arith.constant 2 : index
    %get3A_382 = arith.constant 512 : index
    %get3A_383 = vector.load %arg2[%get3A_381, %get3A_382] : memref<8x2048xf32, #tpu.memory_space<vmem>>, vector<1x256xf32>
    %get3A_384 = arith.constant 0 : index
    %get3A_385 = arith.constant 0 : index
    %get3A_386 = vector.load %arg4[%get3A_384, %get3A_385] : memref<128x1xf32, #tpu.memory_space<vmem>>, vector<128x1xf32>
    %mul3A_387 = vector.broadcast %get3A_386 : vector<128x1xf32> to vector<128x256xf32>
    %mul3A_388 = vector.broadcast %get3A_380 : vector<1x256xf32> to vector<128x256xf32>
    %mul3A_389 = arith.mulf %mul3A_387, %mul3A_388 : vector<128x256xf32>
    %get3A_390 = arith.constant 0 : index
    %get3A_391 = arith.constant 0 : index
    %get3A_392 = vector.load %arg5[%get3A_390, %get3A_391] : memref<128x1xf32, #tpu.memory_space<vmem>>, vector<128x1xf32>
    %add3A_393 = vector.broadcast %get3A_392 : vector<128x1xf32> to vector<128x256xf32>
    %add3A_394 = arith.addf %mul3A_389, %add3A_393 : vector<128x256xf32>
    %cos3A_395 = math.cos %add3A_394 : vector<128x256xf32>
    %dot_general3A_396 = arith.constant dense<0.000000e+00> : vector<1x128xf32>
    %dot_general3A_397 = tpu.matmul %get3A_383, %cos3A_395, %dot_general3A_396 {dimension_numbers = #tpu.dot_dimension_numbers<[1], [1], [0], [0], [0, 0, 1, 0], [], []>, precision = #tpu.contract_precision<fp32>, transpose_lhs_hint = false} : vector<1x256xf32>, vector<128x256xf32>, vector<1x128xf32> -> vector<1x128xf32>
    %add3A_398 = arith.addf %add3A_377, %dot_general3A_397 : vector<1x128xf32>
    %get3A_399 = arith.constant 2 : index
    %get3A_400 = arith.constant 768 : index
    %get3A_401 = vector.load %arg1[%get3A_399, %get3A_400] : memref<8x2048xf32, #tpu.memory_space<vmem>>, vector<1x256xf32>
    %get3A_402 = arith.constant 2 : index
    %get3A_403 = arith.constant 768 : index
    %get3A_404 = vector.load %arg2[%get3A_402, %get3A_403] : memref<8x2048xf32, #tpu.memory_space<vmem>>, vector<1x256xf32>
    %get3A_405 = arith.constant 0 : index
    %get3A_406 = arith.constant 0 : index
    %get3A_407 = vector.load %arg4[%get3A_405, %get3A_406] : memref<128x1xf32, #tpu.memory_space<vmem>>, vector<128x1xf32>
    %mul3A_408 = vector.broadcast %get3A_407 : vector<128x1xf32> to vector<128x256xf32>
    %mul3A_409 = vector.broadcast %get3A_401 : vector<1x256xf32> to vector<128x256xf32>
    %mul3A_410 = arith.mulf %mul3A_408, %mul3A_409 : vector<128x256xf32>
    %get3A_411 = arith.constant 0 : index
    %get3A_412 = arith.constant 0 : index
    %get3A_413 = vector.load %arg5[%get3A_411, %get3A_412] : memref<128x1xf32, #tpu.memory_space<vmem>>, vector<128x1xf32>
    %add3A_414 = vector.broadcast %get3A_413 : vector<128x1xf32> to vector<128x256xf32>
    %add3A_415 = arith.addf %mul3A_410, %add3A_414 : vector<128x256xf32>
    %cos3A_416 = math.cos %add3A_415 : vector<128x256xf32>
    %dot_general3A_417 = arith.constant dense<0.000000e+00> : vector<1x128xf32>
    %dot_general3A_418 = tpu.matmul %get3A_404, %cos3A_416, %dot_general3A_417 {dimension_numbers = #tpu.dot_dimension_numbers<[1], [1], [0], [0], [0, 0, 1, 0], [], []>, precision = #tpu.contract_precision<fp32>, transpose_lhs_hint = false} : vector<1x256xf32>, vector<128x256xf32>, vector<1x128xf32> -> vector<1x128xf32>
    %add3A_419 = arith.addf %add3A_398, %dot_general3A_418 : vector<1x128xf32>
    %get3A_420 = arith.constant 2 : index
    %get3A_421 = arith.constant 1024 : index
    %get3A_422 = vector.load %arg1[%get3A_420, %get3A_421] : memref<8x2048xf32, #tpu.memory_space<vmem>>, vector<1x256xf32>
    %get3A_423 = arith.constant 2 : index
    %get3A_424 = arith.constant 1024 : index
    %get3A_425 = vector.load %arg2[%get3A_423, %get3A_424] : memref<8x2048xf32, #tpu.memory_space<vmem>>, vector<1x256xf32>
    %get3A_426 = arith.constant 0 : index
    %get3A_427 = arith.constant 0 : index
    %get3A_428 = vector.load %arg4[%get3A_426, %get3A_427] : memref<128x1xf32, #tpu.memory_space<vmem>>, vector<128x1xf32>
    %mul3A_429 = vector.broadcast %get3A_428 : vector<128x1xf32> to vector<128x256xf32>
    %mul3A_430 = vector.broadcast %get3A_422 : vector<1x256xf32> to vector<128x256xf32>
    %mul3A_431 = arith.mulf %mul3A_429, %mul3A_430 : vector<128x256xf32>
    %get3A_432 = arith.constant 0 : index
    %get3A_433 = arith.constant 0 : index
    %get3A_434 = vector.load %arg5[%get3A_432, %get3A_433] : memref<128x1xf32, #tpu.memory_space<vmem>>, vector<128x1xf32>
    %add3A_435 = vector.broadcast %get3A_434 : vector<128x1xf32> to vector<128x256xf32>
    %add3A_436 = arith.addf %mul3A_431, %add3A_435 : vector<128x256xf32>
    %cos3A_437 = math.cos %add3A_436 : vector<128x256xf32>
    %dot_general3A_438 = arith.constant dense<0.000000e+00> : vector<1x128xf32>
    %dot_general3A_439 = tpu.matmul %get3A_425, %cos3A_437, %dot_general3A_438 {dimension_numbers = #tpu.dot_dimension_numbers<[1], [1], [0], [0], [0, 0, 1, 0], [], []>, precision = #tpu.contract_precision<fp32>, transpose_lhs_hint = false} : vector<1x256xf32>, vector<128x256xf32>, vector<1x128xf32> -> vector<1x128xf32>
    %add3A_440 = arith.addf %add3A_419, %dot_general3A_439 : vector<1x128xf32>
    %get3A_441 = arith.constant 2 : index
    %get3A_442 = arith.constant 1280 : index
    %get3A_443 = vector.load %arg1[%get3A_441, %get3A_442] : memref<8x2048xf32, #tpu.memory_space<vmem>>, vector<1x256xf32>
    %get3A_444 = arith.constant 2 : index
    %get3A_445 = arith.constant 1280 : index
    %get3A_446 = vector.load %arg2[%get3A_444, %get3A_445] : memref<8x2048xf32, #tpu.memory_space<vmem>>, vector<1x256xf32>
    %get3A_447 = arith.constant 0 : index
    %get3A_448 = arith.constant 0 : index
    %get3A_449 = vector.load %arg4[%get3A_447, %get3A_448] : memref<128x1xf32, #tpu.memory_space<vmem>>, vector<128x1xf32>
    %mul3A_450 = vector.broadcast %get3A_449 : vector<128x1xf32> to vector<128x256xf32>
    %mul3A_451 = vector.broadcast %get3A_443 : vector<1x256xf32> to vector<128x256xf32>
    %mul3A_452 = arith.mulf %mul3A_450, %mul3A_451 : vector<128x256xf32>
    %get3A_453 = arith.constant 0 : index
    %get3A_454 = arith.constant 0 : index
    %get3A_455 = vector.load %arg5[%get3A_453, %get3A_454] : memref<128x1xf32, #tpu.memory_space<vmem>>, vector<128x1xf32>
    %add3A_456 = vector.broadcast %get3A_455 : vector<128x1xf32> to vector<128x256xf32>
    %add3A_457 = arith.addf %mul3A_452, %add3A_456 : vector<128x256xf32>
    %cos3A_458 = math.cos %add3A_457 : vector<128x256xf32>
    %dot_general3A_459 = arith.constant dense<0.000000e+00> : vector<1x128xf32>
    %dot_general3A_460 = tpu.matmul %get3A_446, %cos3A_458, %dot_general3A_459 {dimension_numbers = #tpu.dot_dimension_numbers<[1], [1], [0], [0], [0, 0, 1, 0], [], []>, precision = #tpu.contract_precision<fp32>, transpose_lhs_hint = false} : vector<1x256xf32>, vector<128x256xf32>, vector<1x128xf32> -> vector<1x128xf32>
    %add3A_461 = arith.addf %add3A_440, %dot_general3A_460 : vector<1x128xf32>
    %get3A_462 = arith.constant 2 : index
    %get3A_463 = arith.constant 1536 : index
    %get3A_464 = vector.load %arg1[%get3A_462, %get3A_463] : memref<8x2048xf32, #tpu.memory_space<vmem>>, vector<1x256xf32>
    %get3A_465 = arith.constant 2 : index
    %get3A_466 = arith.constant 1536 : index
    %get3A_467 = vector.load %arg2[%get3A_465, %get3A_466] : memref<8x2048xf32, #tpu.memory_space<vmem>>, vector<1x256xf32>
    %get3A_468 = arith.constant 0 : index
    %get3A_469 = arith.constant 0 : index
    %get3A_470 = vector.load %arg4[%get3A_468, %get3A_469] : memref<128x1xf32, #tpu.memory_space<vmem>>, vector<128x1xf32>
    %mul3A_471 = vector.broadcast %get3A_470 : vector<128x1xf32> to vector<128x256xf32>
    %mul3A_472 = vector.broadcast %get3A_464 : vector<1x256xf32> to vector<128x256xf32>
    %mul3A_473 = arith.mulf %mul3A_471, %mul3A_472 : vector<128x256xf32>
    %get3A_474 = arith.constant 0 : index
    %get3A_475 = arith.constant 0 : index
    %get3A_476 = vector.load %arg5[%get3A_474, %get3A_475] : memref<128x1xf32, #tpu.memory_space<vmem>>, vector<128x1xf32>
    %add3A_477 = vector.broadcast %get3A_476 : vector<128x1xf32> to vector<128x256xf32>
    %add3A_478 = arith.addf %mul3A_473, %add3A_477 : vector<128x256xf32>
    %cos3A_479 = math.cos %add3A_478 : vector<128x256xf32>
    %dot_general3A_480 = arith.constant dense<0.000000e+00> : vector<1x128xf32>
    %dot_general3A_481 = tpu.matmul %get3A_467, %cos3A_479, %dot_general3A_480 {dimension_numbers = #tpu.dot_dimension_numbers<[1], [1], [0], [0], [0, 0, 1, 0], [], []>, precision = #tpu.contract_precision<fp32>, transpose_lhs_hint = false} : vector<1x256xf32>, vector<128x256xf32>, vector<1x128xf32> -> vector<1x128xf32>
    %add3A_482 = arith.addf %add3A_461, %dot_general3A_481 : vector<1x128xf32>
    %get3A_483 = arith.constant 2 : index
    %get3A_484 = arith.constant 1792 : index
    %get3A_485 = vector.load %arg1[%get3A_483, %get3A_484] : memref<8x2048xf32, #tpu.memory_space<vmem>>, vector<1x256xf32>
    %get3A_486 = arith.constant 2 : index
    %get3A_487 = arith.constant 1792 : index
    %get3A_488 = vector.load %arg2[%get3A_486, %get3A_487] : memref<8x2048xf32, #tpu.memory_space<vmem>>, vector<1x256xf32>
    %get3A_489 = arith.constant 0 : index
    %get3A_490 = arith.constant 0 : index
    %get3A_491 = vector.load %arg4[%get3A_489, %get3A_490] : memref<128x1xf32, #tpu.memory_space<vmem>>, vector<128x1xf32>
    %mul3A_492 = vector.broadcast %get3A_491 : vector<128x1xf32> to vector<128x256xf32>
    %mul3A_493 = vector.broadcast %get3A_485 : vector<1x256xf32> to vector<128x256xf32>
    %mul3A_494 = arith.mulf %mul3A_492, %mul3A_493 : vector<128x256xf32>
    %get3A_495 = arith.constant 0 : index
    %get3A_496 = arith.constant 0 : index
    %get3A_497 = vector.load %arg5[%get3A_495, %get3A_496] : memref<128x1xf32, #tpu.memory_space<vmem>>, vector<128x1xf32>
    %add3A_498 = vector.broadcast %get3A_497 : vector<128x1xf32> to vector<128x256xf32>
    %add3A_499 = arith.addf %mul3A_494, %add3A_498 : vector<128x256xf32>
    %cos3A_500 = math.cos %add3A_499 : vector<128x256xf32>
    %dot_general3A_501 = arith.constant dense<0.000000e+00> : vector<1x128xf32>
    %dot_general3A_502 = tpu.matmul %get3A_488, %cos3A_500, %dot_general3A_501 {dimension_numbers = #tpu.dot_dimension_numbers<[1], [1], [0], [0], [0, 0, 1, 0], [], []>, precision = #tpu.contract_precision<fp32>, transpose_lhs_hint = false} : vector<1x256xf32>, vector<128x256xf32>, vector<1x128xf32> -> vector<1x128xf32>
    %add3A_503 = arith.addf %add3A_482, %dot_general3A_502 : vector<1x128xf32>
    %broadcast_in_dim3A_504 = arith.constant 0.000000e+00 : f32
    %broadcast_in_dim3A_505 = vector.broadcast %broadcast_in_dim3A_504 : f32 to vector<1x128xf32>
    %get3A_506 = arith.constant 3 : index
    %get3A_507 = arith.constant 0 : index
    %get3A_508 = vector.load %arg1[%get3A_506, %get3A_507] : memref<8x2048xf32, #tpu.memory_space<vmem>>, vector<1x256xf32>
    %get3A_509 = arith.constant 3 : index
    %get3A_510 = arith.constant 0 : index
    %get3A_511 = vector.load %arg2[%get3A_509, %get3A_510] : memref<8x2048xf32, #tpu.memory_space<vmem>>, vector<1x256xf32>
    %get3A_512 = arith.constant 0 : index
    %get3A_513 = arith.constant 0 : index
    %get3A_514 = vector.load %arg4[%get3A_512, %get3A_513] : memref<128x1xf32, #tpu.memory_space<vmem>>, vector<128x1xf32>
    %mul3A_515 = vector.broadcast %get3A_514 : vector<128x1xf32> to vector<128x256xf32>
    %mul3A_516 = vector.broadcast %get3A_508 : vector<1x256xf32> to vector<128x256xf32>
    %mul3A_517 = arith.mulf %mul3A_515, %mul3A_516 : vector<128x256xf32>
    %get3A_518 = arith.constant 0 : index
    %get3A_519 = arith.constant 0 : index
    %get3A_520 = vector.load %arg5[%get3A_518, %get3A_519] : memref<128x1xf32, #tpu.memory_space<vmem>>, vector<128x1xf32>
    %add3A_521 = vector.broadcast %get3A_520 : vector<128x1xf32> to vector<128x256xf32>
    %add3A_522 = arith.addf %mul3A_517, %add3A_521 : vector<128x256xf32>
    %cos3A_523 = math.cos %add3A_522 : vector<128x256xf32>
    %dot_general3A_524 = arith.constant dense<0.000000e+00> : vector<1x128xf32>
    %dot_general3A_525 = tpu.matmul %get3A_511, %cos3A_523, %dot_general3A_524 {dimension_numbers = #tpu.dot_dimension_numbers<[1], [1], [0], [0], [0, 0, 1, 0], [], []>, precision = #tpu.contract_precision<fp32>, transpose_lhs_hint = false} : vector<1x256xf32>, vector<128x256xf32>, vector<1x128xf32> -> vector<1x128xf32>
    %add3A_526 = arith.addf %broadcast_in_dim3A_505, %dot_general3A_525 : vector<1x128xf32>
    %get3A_527 = arith.constant 3 : index
    %get3A_528 = arith.constant 256 : index
    %get3A_529 = vector.load %arg1[%get3A_527, %get3A_528] : memref<8x2048xf32, #tpu.memory_space<vmem>>, vector<1x256xf32>
    %get3A_530 = arith.constant 3 : index
    %get3A_531 = arith.constant 256 : index
    %get3A_532 = vector.load %arg2[%get3A_530, %get3A_531] : memref<8x2048xf32, #tpu.memory_space<vmem>>, vector<1x256xf32>
    %get3A_533 = arith.constant 0 : index
    %get3A_534 = arith.constant 0 : index
    %get3A_535 = vector.load %arg4[%get3A_533, %get3A_534] : memref<128x1xf32, #tpu.memory_space<vmem>>, vector<128x1xf32>
    %mul3A_536 = vector.broadcast %get3A_535 : vector<128x1xf32> to vector<128x256xf32>
    %mul3A_537 = vector.broadcast %get3A_529 : vector<1x256xf32> to vector<128x256xf32>
    %mul3A_538 = arith.mulf %mul3A_536, %mul3A_537 : vector<128x256xf32>
    %get3A_539 = arith.constant 0 : index
    %get3A_540 = arith.constant 0 : index
    %get3A_541 = vector.load %arg5[%get3A_539, %get3A_540] : memref<128x1xf32, #tpu.memory_space<vmem>>, vector<128x1xf32>
    %add3A_542 = vector.broadcast %get3A_541 : vector<128x1xf32> to vector<128x256xf32>
    %add3A_543 = arith.addf %mul3A_538, %add3A_542 : vector<128x256xf32>
    %cos3A_544 = math.cos %add3A_543 : vector<128x256xf32>
    %dot_general3A_545 = arith.constant dense<0.000000e+00> : vector<1x128xf32>
    %dot_general3A_546 = tpu.matmul %get3A_532, %cos3A_544, %dot_general3A_545 {dimension_numbers = #tpu.dot_dimension_numbers<[1], [1], [0], [0], [0, 0, 1, 0], [], []>, precision = #tpu.contract_precision<fp32>, transpose_lhs_hint = false} : vector<1x256xf32>, vector<128x256xf32>, vector<1x128xf32> -> vector<1x128xf32>
    %add3A_547 = arith.addf %add3A_526, %dot_general3A_546 : vector<1x128xf32>
    %get3A_548 = arith.constant 3 : index
    %get3A_549 = arith.constant 512 : index
    %get3A_550 = vector.load %arg1[%get3A_548, %get3A_549] : memref<8x2048xf32, #tpu.memory_space<vmem>>, vector<1x256xf32>
    %get3A_551 = arith.constant 3 : index
    %get3A_552 = arith.constant 512 : index
    %get3A_553 = vector.load %arg2[%get3A_551, %get3A_552] : memref<8x2048xf32, #tpu.memory_space<vmem>>, vector<1x256xf32>
    %get3A_554 = arith.constant 0 : index
    %get3A_555 = arith.constant 0 : index
    %get3A_556 = vector.load %arg4[%get3A_554, %get3A_555] : memref<128x1xf32, #tpu.memory_space<vmem>>, vector<128x1xf32>
    %mul3A_557 = vector.broadcast %get3A_556 : vector<128x1xf32> to vector<128x256xf32>
    %mul3A_558 = vector.broadcast %get3A_550 : vector<1x256xf32> to vector<128x256xf32>
    %mul3A_559 = arith.mulf %mul3A_557, %mul3A_558 : vector<128x256xf32>
    %get3A_560 = arith.constant 0 : index
    %get3A_561 = arith.constant 0 : index
    %get3A_562 = vector.load %arg5[%get3A_560, %get3A_561] : memref<128x1xf32, #tpu.memory_space<vmem>>, vector<128x1xf32>
    %add3A_563 = vector.broadcast %get3A_562 : vector<128x1xf32> to vector<128x256xf32>
    %add3A_564 = arith.addf %mul3A_559, %add3A_563 : vector<128x256xf32>
    %cos3A_565 = math.cos %add3A_564 : vector<128x256xf32>
    %dot_general3A_566 = arith.constant dense<0.000000e+00> : vector<1x128xf32>
    %dot_general3A_567 = tpu.matmul %get3A_553, %cos3A_565, %dot_general3A_566 {dimension_numbers = #tpu.dot_dimension_numbers<[1], [1], [0], [0], [0, 0, 1, 0], [], []>, precision = #tpu.contract_precision<fp32>, transpose_lhs_hint = false} : vector<1x256xf32>, vector<128x256xf32>, vector<1x128xf32> -> vector<1x128xf32>
    %add3A_568 = arith.addf %add3A_547, %dot_general3A_567 : vector<1x128xf32>
    %get3A_569 = arith.constant 3 : index
    %get3A_570 = arith.constant 768 : index
    %get3A_571 = vector.load %arg1[%get3A_569, %get3A_570] : memref<8x2048xf32, #tpu.memory_space<vmem>>, vector<1x256xf32>
    %get3A_572 = arith.constant 3 : index
    %get3A_573 = arith.constant 768 : index
    %get3A_574 = vector.load %arg2[%get3A_572, %get3A_573] : memref<8x2048xf32, #tpu.memory_space<vmem>>, vector<1x256xf32>
    %get3A_575 = arith.constant 0 : index
    %get3A_576 = arith.constant 0 : index
    %get3A_577 = vector.load %arg4[%get3A_575, %get3A_576] : memref<128x1xf32, #tpu.memory_space<vmem>>, vector<128x1xf32>
    %mul3A_578 = vector.broadcast %get3A_577 : vector<128x1xf32> to vector<128x256xf32>
    %mul3A_579 = vector.broadcast %get3A_571 : vector<1x256xf32> to vector<128x256xf32>
    %mul3A_580 = arith.mulf %mul3A_578, %mul3A_579 : vector<128x256xf32>
    %get3A_581 = arith.constant 0 : index
    %get3A_582 = arith.constant 0 : index
    %get3A_583 = vector.load %arg5[%get3A_581, %get3A_582] : memref<128x1xf32, #tpu.memory_space<vmem>>, vector<128x1xf32>
    %add3A_584 = vector.broadcast %get3A_583 : vector<128x1xf32> to vector<128x256xf32>
    %add3A_585 = arith.addf %mul3A_580, %add3A_584 : vector<128x256xf32>
    %cos3A_586 = math.cos %add3A_585 : vector<128x256xf32>
    %dot_general3A_587 = arith.constant dense<0.000000e+00> : vector<1x128xf32>
    %dot_general3A_588 = tpu.matmul %get3A_574, %cos3A_586, %dot_general3A_587 {dimension_numbers = #tpu.dot_dimension_numbers<[1], [1], [0], [0], [0, 0, 1, 0], [], []>, precision = #tpu.contract_precision<fp32>, transpose_lhs_hint = false} : vector<1x256xf32>, vector<128x256xf32>, vector<1x128xf32> -> vector<1x128xf32>
    %add3A_589 = arith.addf %add3A_568, %dot_general3A_588 : vector<1x128xf32>
    %get3A_590 = arith.constant 3 : index
    %get3A_591 = arith.constant 1024 : index
    %get3A_592 = vector.load %arg1[%get3A_590, %get3A_591] : memref<8x2048xf32, #tpu.memory_space<vmem>>, vector<1x256xf32>
    %get3A_593 = arith.constant 3 : index
    %get3A_594 = arith.constant 1024 : index
    %get3A_595 = vector.load %arg2[%get3A_593, %get3A_594] : memref<8x2048xf32, #tpu.memory_space<vmem>>, vector<1x256xf32>
    %get3A_596 = arith.constant 0 : index
    %get3A_597 = arith.constant 0 : index
    %get3A_598 = vector.load %arg4[%get3A_596, %get3A_597] : memref<128x1xf32, #tpu.memory_space<vmem>>, vector<128x1xf32>
    %mul3A_599 = vector.broadcast %get3A_598 : vector<128x1xf32> to vector<128x256xf32>
    %mul3A_600 = vector.broadcast %get3A_592 : vector<1x256xf32> to vector<128x256xf32>
    %mul3A_601 = arith.mulf %mul3A_599, %mul3A_600 : vector<128x256xf32>
    %get3A_602 = arith.constant 0 : index
    %get3A_603 = arith.constant 0 : index
    %get3A_604 = vector.load %arg5[%get3A_602, %get3A_603] : memref<128x1xf32, #tpu.memory_space<vmem>>, vector<128x1xf32>
    %add3A_605 = vector.broadcast %get3A_604 : vector<128x1xf32> to vector<128x256xf32>
    %add3A_606 = arith.addf %mul3A_601, %add3A_605 : vector<128x256xf32>
    %cos3A_607 = math.cos %add3A_606 : vector<128x256xf32>
    %dot_general3A_608 = arith.constant dense<0.000000e+00> : vector<1x128xf32>
    %dot_general3A_609 = tpu.matmul %get3A_595, %cos3A_607, %dot_general3A_608 {dimension_numbers = #tpu.dot_dimension_numbers<[1], [1], [0], [0], [0, 0, 1, 0], [], []>, precision = #tpu.contract_precision<fp32>, transpose_lhs_hint = false} : vector<1x256xf32>, vector<128x256xf32>, vector<1x128xf32> -> vector<1x128xf32>
    %add3A_610 = arith.addf %add3A_589, %dot_general3A_609 : vector<1x128xf32>
    %get3A_611 = arith.constant 3 : index
    %get3A_612 = arith.constant 1280 : index
    %get3A_613 = vector.load %arg1[%get3A_611, %get3A_612] : memref<8x2048xf32, #tpu.memory_space<vmem>>, vector<1x256xf32>
    %get3A_614 = arith.constant 3 : index
    %get3A_615 = arith.constant 1280 : index
    %get3A_616 = vector.load %arg2[%get3A_614, %get3A_615] : memref<8x2048xf32, #tpu.memory_space<vmem>>, vector<1x256xf32>
    %get3A_617 = arith.constant 0 : index
    %get3A_618 = arith.constant 0 : index
    %get3A_619 = vector.load %arg4[%get3A_617, %get3A_618] : memref<128x1xf32, #tpu.memory_space<vmem>>, vector<128x1xf32>
    %mul3A_620 = vector.broadcast %get3A_619 : vector<128x1xf32> to vector<128x256xf32>
    %mul3A_621 = vector.broadcast %get3A_613 : vector<1x256xf32> to vector<128x256xf32>
    %mul3A_622 = arith.mulf %mul3A_620, %mul3A_621 : vector<128x256xf32>
    %get3A_623 = arith.constant 0 : index
    %get3A_624 = arith.constant 0 : index
    %get3A_625 = vector.load %arg5[%get3A_623, %get3A_624] : memref<128x1xf32, #tpu.memory_space<vmem>>, vector<128x1xf32>
    %add3A_626 = vector.broadcast %get3A_625 : vector<128x1xf32> to vector<128x256xf32>
    %add3A_627 = arith.addf %mul3A_622, %add3A_626 : vector<128x256xf32>
    %cos3A_628 = math.cos %add3A_627 : vector<128x256xf32>
    %dot_general3A_629 = arith.constant dense<0.000000e+00> : vector<1x128xf32>
    %dot_general3A_630 = tpu.matmul %get3A_616, %cos3A_628, %dot_general3A_629 {dimension_numbers = #tpu.dot_dimension_numbers<[1], [1], [0], [0], [0, 0, 1, 0], [], []>, precision = #tpu.contract_precision<fp32>, transpose_lhs_hint = false} : vector<1x256xf32>, vector<128x256xf32>, vector<1x128xf32> -> vector<1x128xf32>
    %add3A_631 = arith.addf %add3A_610, %dot_general3A_630 : vector<1x128xf32>
    %get3A_632 = arith.constant 3 : index
    %get3A_633 = arith.constant 1536 : index
    %get3A_634 = vector.load %arg1[%get3A_632, %get3A_633] : memref<8x2048xf32, #tpu.memory_space<vmem>>, vector<1x256xf32>
    %get3A_635 = arith.constant 3 : index
    %get3A_636 = arith.constant 1536 : index
    %get3A_637 = vector.load %arg2[%get3A_635, %get3A_636] : memref<8x2048xf32, #tpu.memory_space<vmem>>, vector<1x256xf32>
    %get3A_638 = arith.constant 0 : index
    %get3A_639 = arith.constant 0 : index
    %get3A_640 = vector.load %arg4[%get3A_638, %get3A_639] : memref<128x1xf32, #tpu.memory_space<vmem>>, vector<128x1xf32>
    %mul3A_641 = vector.broadcast %get3A_640 : vector<128x1xf32> to vector<128x256xf32>
    %mul3A_642 = vector.broadcast %get3A_634 : vector<1x256xf32> to vector<128x256xf32>
    %mul3A_643 = arith.mulf %mul3A_641, %mul3A_642 : vector<128x256xf32>
    %get3A_644 = arith.constant 0 : index
    %get3A_645 = arith.constant 0 : index
    %get3A_646 = vector.load %arg5[%get3A_644, %get3A_645] : memref<128x1xf32, #tpu.memory_space<vmem>>, vector<128x1xf32>
    %add3A_647 = vector.broadcast %get3A_646 : vector<128x1xf32> to vector<128x256xf32>
    %add3A_648 = arith.addf %mul3A_643, %add3A_647 : vector<128x256xf32>
    %cos3A_649 = math.cos %add3A_648 : vector<128x256xf32>
    %dot_general3A_650 = arith.constant dense<0.000000e+00> : vector<1x128xf32>
    %dot_general3A_651 = tpu.matmul %get3A_637, %cos3A_649, %dot_general3A_650 {dimension_numbers = #tpu.dot_dimension_numbers<[1], [1], [0], [0], [0, 0, 1, 0], [], []>, precision = #tpu.contract_precision<fp32>, transpose_lhs_hint = false} : vector<1x256xf32>, vector<128x256xf32>, vector<1x128xf32> -> vector<1x128xf32>
    %add3A_652 = arith.addf %add3A_631, %dot_general3A_651 : vector<1x128xf32>
    %get3A_653 = arith.constant 3 : index
    %get3A_654 = arith.constant 1792 : index
    %get3A_655 = vector.load %arg1[%get3A_653, %get3A_654] : memref<8x2048xf32, #tpu.memory_space<vmem>>, vector<1x256xf32>
    %get3A_656 = arith.constant 3 : index
    %get3A_657 = arith.constant 1792 : index
    %get3A_658 = vector.load %arg2[%get3A_656, %get3A_657] : memref<8x2048xf32, #tpu.memory_space<vmem>>, vector<1x256xf32>
    %get3A_659 = arith.constant 0 : index
    %get3A_660 = arith.constant 0 : index
    %get3A_661 = vector.load %arg4[%get3A_659, %get3A_660] : memref<128x1xf32, #tpu.memory_space<vmem>>, vector<128x1xf32>
    %mul3A_662 = vector.broadcast %get3A_661 : vector<128x1xf32> to vector<128x256xf32>
    %mul3A_663 = vector.broadcast %get3A_655 : vector<1x256xf32> to vector<128x256xf32>
    %mul3A_664 = arith.mulf %mul3A_662, %mul3A_663 : vector<128x256xf32>
    %get3A_665 = arith.constant 0 : index
    %get3A_666 = arith.constant 0 : index
    %get3A_667 = vector.load %arg5[%get3A_665, %get3A_666] : memref<128x1xf32, #tpu.memory_space<vmem>>, vector<128x1xf32>
    %add3A_668 = vector.broadcast %get3A_667 : vector<128x1xf32> to vector<128x256xf32>
    %add3A_669 = arith.addf %mul3A_664, %add3A_668 : vector<128x256xf32>
    %cos3A_670 = math.cos %add3A_669 : vector<128x256xf32>
    %dot_general3A_671 = arith.constant dense<0.000000e+00> : vector<1x128xf32>
    %dot_general3A_672 = tpu.matmul %get3A_658, %cos3A_670, %dot_general3A_671 {dimension_numbers = #tpu.dot_dimension_numbers<[1], [1], [0], [0], [0, 0, 1, 0], [], []>, precision = #tpu.contract_precision<fp32>, transpose_lhs_hint = false} : vector<1x256xf32>, vector<128x256xf32>, vector<1x128xf32> -> vector<1x128xf32>
    %add3A_673 = arith.addf %add3A_652, %dot_general3A_672 : vector<1x128xf32>
    %broadcast_in_dim3A_674 = arith.constant 0.000000e+00 : f32
    %broadcast_in_dim3A_675 = vector.broadcast %broadcast_in_dim3A_674 : f32 to vector<1x128xf32>
    %get3A_676 = arith.constant 4 : index
    %get3A_677 = arith.constant 0 : index
    %get3A_678 = vector.load %arg1[%get3A_676, %get3A_677] : memref<8x2048xf32, #tpu.memory_space<vmem>>, vector<1x256xf32>
    %get3A_679 = arith.constant 4 : index
    %get3A_680 = arith.constant 0 : index
    %get3A_681 = vector.load %arg2[%get3A_679, %get3A_680] : memref<8x2048xf32, #tpu.memory_space<vmem>>, vector<1x256xf32>
    %get3A_682 = arith.constant 0 : index
    %get3A_683 = arith.constant 0 : index
    %get3A_684 = vector.load %arg4[%get3A_682, %get3A_683] : memref<128x1xf32, #tpu.memory_space<vmem>>, vector<128x1xf32>
    %mul3A_685 = vector.broadcast %get3A_684 : vector<128x1xf32> to vector<128x256xf32>
    %mul3A_686 = vector.broadcast %get3A_678 : vector<1x256xf32> to vector<128x256xf32>
    %mul3A_687 = arith.mulf %mul3A_685, %mul3A_686 : vector<128x256xf32>
    %get3A_688 = arith.constant 0 : index
    %get3A_689 = arith.constant 0 : index
    %get3A_690 = vector.load %arg5[%get3A_688, %get3A_689] : memref<128x1xf32, #tpu.memory_space<vmem>>, vector<128x1xf32>
    %add3A_691 = vector.broadcast %get3A_690 : vector<128x1xf32> to vector<128x256xf32>
    %add3A_692 = arith.addf %mul3A_687, %add3A_691 : vector<128x256xf32>
    %cos3A_693 = math.cos %add3A_692 : vector<128x256xf32>
    %dot_general3A_694 = arith.constant dense<0.000000e+00> : vector<1x128xf32>
    %dot_general3A_695 = tpu.matmul %get3A_681, %cos3A_693, %dot_general3A_694 {dimension_numbers = #tpu.dot_dimension_numbers<[1], [1], [0], [0], [0, 0, 1, 0], [], []>, precision = #tpu.contract_precision<fp32>, transpose_lhs_hint = false} : vector<1x256xf32>, vector<128x256xf32>, vector<1x128xf32> -> vector<1x128xf32>
    %add3A_696 = arith.addf %broadcast_in_dim3A_675, %dot_general3A_695 : vector<1x128xf32>
    %get3A_697 = arith.constant 4 : index
    %get3A_698 = arith.constant 256 : index
    %get3A_699 = vector.load %arg1[%get3A_697, %get3A_698] : memref<8x2048xf32, #tpu.memory_space<vmem>>, vector<1x256xf32>
    %get3A_700 = arith.constant 4 : index
    %get3A_701 = arith.constant 256 : index
    %get3A_702 = vector.load %arg2[%get3A_700, %get3A_701] : memref<8x2048xf32, #tpu.memory_space<vmem>>, vector<1x256xf32>
    %get3A_703 = arith.constant 0 : index
    %get3A_704 = arith.constant 0 : index
    %get3A_705 = vector.load %arg4[%get3A_703, %get3A_704] : memref<128x1xf32, #tpu.memory_space<vmem>>, vector<128x1xf32>
    %mul3A_706 = vector.broadcast %get3A_705 : vector<128x1xf32> to vector<128x256xf32>
    %mul3A_707 = vector.broadcast %get3A_699 : vector<1x256xf32> to vector<128x256xf32>
    %mul3A_708 = arith.mulf %mul3A_706, %mul3A_707 : vector<128x256xf32>
    %get3A_709 = arith.constant 0 : index
    %get3A_710 = arith.constant 0 : index
    %get3A_711 = vector.load %arg5[%get3A_709, %get3A_710] : memref<128x1xf32, #tpu.memory_space<vmem>>, vector<128x1xf32>
    %add3A_712 = vector.broadcast %get3A_711 : vector<128x1xf32> to vector<128x256xf32>
    %add3A_713 = arith.addf %mul3A_708, %add3A_712 : vector<128x256xf32>
    %cos3A_714 = math.cos %add3A_713 : vector<128x256xf32>
    %dot_general3A_715 = arith.constant dense<0.000000e+00> : vector<1x128xf32>
    %dot_general3A_716 = tpu.matmul %get3A_702, %cos3A_714, %dot_general3A_715 {dimension_numbers = #tpu.dot_dimension_numbers<[1], [1], [0], [0], [0, 0, 1, 0], [], []>, precision = #tpu.contract_precision<fp32>, transpose_lhs_hint = false} : vector<1x256xf32>, vector<128x256xf32>, vector<1x128xf32> -> vector<1x128xf32>
    %add3A_717 = arith.addf %add3A_696, %dot_general3A_716 : vector<1x128xf32>
    %get3A_718 = arith.constant 4 : index
    %get3A_719 = arith.constant 512 : index
    %get3A_720 = vector.load %arg1[%get3A_718, %get3A_719] : memref<8x2048xf32, #tpu.memory_space<vmem>>, vector<1x256xf32>
    %get3A_721 = arith.constant 4 : index
    %get3A_722 = arith.constant 512 : index
    %get3A_723 = vector.load %arg2[%get3A_721, %get3A_722] : memref<8x2048xf32, #tpu.memory_space<vmem>>, vector<1x256xf32>
    %get3A_724 = arith.constant 0 : index
    %get3A_725 = arith.constant 0 : index
    %get3A_726 = vector.load %arg4[%get3A_724, %get3A_725] : memref<128x1xf32, #tpu.memory_space<vmem>>, vector<128x1xf32>
    %mul3A_727 = vector.broadcast %get3A_726 : vector<128x1xf32> to vector<128x256xf32>
    %mul3A_728 = vector.broadcast %get3A_720 : vector<1x256xf32> to vector<128x256xf32>
    %mul3A_729 = arith.mulf %mul3A_727, %mul3A_728 : vector<128x256xf32>
    %get3A_730 = arith.constant 0 : index
    %get3A_731 = arith.constant 0 : index
    %get3A_732 = vector.load %arg5[%get3A_730, %get3A_731] : memref<128x1xf32, #tpu.memory_space<vmem>>, vector<128x1xf32>
    %add3A_733 = vector.broadcast %get3A_732 : vector<128x1xf32> to vector<128x256xf32>
    %add3A_734 = arith.addf %mul3A_729, %add3A_733 : vector<128x256xf32>
    %cos3A_735 = math.cos %add3A_734 : vector<128x256xf32>
    %dot_general3A_736 = arith.constant dense<0.000000e+00> : vector<1x128xf32>
    %dot_general3A_737 = tpu.matmul %get3A_723, %cos3A_735, %dot_general3A_736 {dimension_numbers = #tpu.dot_dimension_numbers<[1], [1], [0], [0], [0, 0, 1, 0], [], []>, precision = #tpu.contract_precision<fp32>, transpose_lhs_hint = false} : vector<1x256xf32>, vector<128x256xf32>, vector<1x128xf32> -> vector<1x128xf32>
    %add3A_738 = arith.addf %add3A_717, %dot_general3A_737 : vector<1x128xf32>
    %get3A_739 = arith.constant 4 : index
    %get3A_740 = arith.constant 768 : index
    %get3A_741 = vector.load %arg1[%get3A_739, %get3A_740] : memref<8x2048xf32, #tpu.memory_space<vmem>>, vector<1x256xf32>
    %get3A_742 = arith.constant 4 : index
    %get3A_743 = arith.constant 768 : index
    %get3A_744 = vector.load %arg2[%get3A_742, %get3A_743] : memref<8x2048xf32, #tpu.memory_space<vmem>>, vector<1x256xf32>
    %get3A_745 = arith.constant 0 : index
    %get3A_746 = arith.constant 0 : index
    %get3A_747 = vector.load %arg4[%get3A_745, %get3A_746] : memref<128x1xf32, #tpu.memory_space<vmem>>, vector<128x1xf32>
    %mul3A_748 = vector.broadcast %get3A_747 : vector<128x1xf32> to vector<128x256xf32>
    %mul3A_749 = vector.broadcast %get3A_741 : vector<1x256xf32> to vector<128x256xf32>
    %mul3A_750 = arith.mulf %mul3A_748, %mul3A_749 : vector<128x256xf32>
    %get3A_751 = arith.constant 0 : index
    %get3A_752 = arith.constant 0 : index
    %get3A_753 = vector.load %arg5[%get3A_751, %get3A_752] : memref<128x1xf32, #tpu.memory_space<vmem>>, vector<128x1xf32>
    %add3A_754 = vector.broadcast %get3A_753 : vector<128x1xf32> to vector<128x256xf32>
    %add3A_755 = arith.addf %mul3A_750, %add3A_754 : vector<128x256xf32>
    %cos3A_756 = math.cos %add3A_755 : vector<128x256xf32>
    %dot_general3A_757 = arith.constant dense<0.000000e+00> : vector<1x128xf32>
    %dot_general3A_758 = tpu.matmul %get3A_744, %cos3A_756, %dot_general3A_757 {dimension_numbers = #tpu.dot_dimension_numbers<[1], [1], [0], [0], [0, 0, 1, 0], [], []>, precision = #tpu.contract_precision<fp32>, transpose_lhs_hint = false} : vector<1x256xf32>, vector<128x256xf32>, vector<1x128xf32> -> vector<1x128xf32>
    %add3A_759 = arith.addf %add3A_738, %dot_general3A_758 : vector<1x128xf32>
    %get3A_760 = arith.constant 4 : index
    %get3A_761 = arith.constant 1024 : index
    %get3A_762 = vector.load %arg1[%get3A_760, %get3A_761] : memref<8x2048xf32, #tpu.memory_space<vmem>>, vector<1x256xf32>
    %get3A_763 = arith.constant 4 : index
    %get3A_764 = arith.constant 1024 : index
    %get3A_765 = vector.load %arg2[%get3A_763, %get3A_764] : memref<8x2048xf32, #tpu.memory_space<vmem>>, vector<1x256xf32>
    %get3A_766 = arith.constant 0 : index
    %get3A_767 = arith.constant 0 : index
    %get3A_768 = vector.load %arg4[%get3A_766, %get3A_767] : memref<128x1xf32, #tpu.memory_space<vmem>>, vector<128x1xf32>
    %mul3A_769 = vector.broadcast %get3A_768 : vector<128x1xf32> to vector<128x256xf32>
    %mul3A_770 = vector.broadcast %get3A_762 : vector<1x256xf32> to vector<128x256xf32>
    %mul3A_771 = arith.mulf %mul3A_769, %mul3A_770 : vector<128x256xf32>
    %get3A_772 = arith.constant 0 : index
    %get3A_773 = arith.constant 0 : index
    %get3A_774 = vector.load %arg5[%get3A_772, %get3A_773] : memref<128x1xf32, #tpu.memory_space<vmem>>, vector<128x1xf32>
    %add3A_775 = vector.broadcast %get3A_774 : vector<128x1xf32> to vector<128x256xf32>
    %add3A_776 = arith.addf %mul3A_771, %add3A_775 : vector<128x256xf32>
    %cos3A_777 = math.cos %add3A_776 : vector<128x256xf32>
    %dot_general3A_778 = arith.constant dense<0.000000e+00> : vector<1x128xf32>
    %dot_general3A_779 = tpu.matmul %get3A_765, %cos3A_777, %dot_general3A_778 {dimension_numbers = #tpu.dot_dimension_numbers<[1], [1], [0], [0], [0, 0, 1, 0], [], []>, precision = #tpu.contract_precision<fp32>, transpose_lhs_hint = false} : vector<1x256xf32>, vector<128x256xf32>, vector<1x128xf32> -> vector<1x128xf32>
    %add3A_780 = arith.addf %add3A_759, %dot_general3A_779 : vector<1x128xf32>
    %get3A_781 = arith.constant 4 : index
    %get3A_782 = arith.constant 1280 : index
    %get3A_783 = vector.load %arg1[%get3A_781, %get3A_782] : memref<8x2048xf32, #tpu.memory_space<vmem>>, vector<1x256xf32>
    %get3A_784 = arith.constant 4 : index
    %get3A_785 = arith.constant 1280 : index
    %get3A_786 = vector.load %arg2[%get3A_784, %get3A_785] : memref<8x2048xf32, #tpu.memory_space<vmem>>, vector<1x256xf32>
    %get3A_787 = arith.constant 0 : index
    %get3A_788 = arith.constant 0 : index
    %get3A_789 = vector.load %arg4[%get3A_787, %get3A_788] : memref<128x1xf32, #tpu.memory_space<vmem>>, vector<128x1xf32>
    %mul3A_790 = vector.broadcast %get3A_789 : vector<128x1xf32> to vector<128x256xf32>
    %mul3A_791 = vector.broadcast %get3A_783 : vector<1x256xf32> to vector<128x256xf32>
    %mul3A_792 = arith.mulf %mul3A_790, %mul3A_791 : vector<128x256xf32>
    %get3A_793 = arith.constant 0 : index
    %get3A_794 = arith.constant 0 : index
    %get3A_795 = vector.load %arg5[%get3A_793, %get3A_794] : memref<128x1xf32, #tpu.memory_space<vmem>>, vector<128x1xf32>
    %add3A_796 = vector.broadcast %get3A_795 : vector<128x1xf32> to vector<128x256xf32>
    %add3A_797 = arith.addf %mul3A_792, %add3A_796 : vector<128x256xf32>
    %cos3A_798 = math.cos %add3A_797 : vector<128x256xf32>
    %dot_general3A_799 = arith.constant dense<0.000000e+00> : vector<1x128xf32>
    %dot_general3A_800 = tpu.matmul %get3A_786, %cos3A_798, %dot_general3A_799 {dimension_numbers = #tpu.dot_dimension_numbers<[1], [1], [0], [0], [0, 0, 1, 0], [], []>, precision = #tpu.contract_precision<fp32>, transpose_lhs_hint = false} : vector<1x256xf32>, vector<128x256xf32>, vector<1x128xf32> -> vector<1x128xf32>
    %add3A_801 = arith.addf %add3A_780, %dot_general3A_800 : vector<1x128xf32>
    %get3A_802 = arith.constant 4 : index
    %get3A_803 = arith.constant 1536 : index
    %get3A_804 = vector.load %arg1[%get3A_802, %get3A_803] : memref<8x2048xf32, #tpu.memory_space<vmem>>, vector<1x256xf32>
    %get3A_805 = arith.constant 4 : index
    %get3A_806 = arith.constant 1536 : index
    %get3A_807 = vector.load %arg2[%get3A_805, %get3A_806] : memref<8x2048xf32, #tpu.memory_space<vmem>>, vector<1x256xf32>
    %get3A_808 = arith.constant 0 : index
    %get3A_809 = arith.constant 0 : index
    %get3A_810 = vector.load %arg4[%get3A_808, %get3A_809] : memref<128x1xf32, #tpu.memory_space<vmem>>, vector<128x1xf32>
    %mul3A_811 = vector.broadcast %get3A_810 : vector<128x1xf32> to vector<128x256xf32>
    %mul3A_812 = vector.broadcast %get3A_804 : vector<1x256xf32> to vector<128x256xf32>
    %mul3A_813 = arith.mulf %mul3A_811, %mul3A_812 : vector<128x256xf32>
    %get3A_814 = arith.constant 0 : index
    %get3A_815 = arith.constant 0 : index
    %get3A_816 = vector.load %arg5[%get3A_814, %get3A_815] : memref<128x1xf32, #tpu.memory_space<vmem>>, vector<128x1xf32>
    %add3A_817 = vector.broadcast %get3A_816 : vector<128x1xf32> to vector<128x256xf32>
    %add3A_818 = arith.addf %mul3A_813, %add3A_817 : vector<128x256xf32>
    %cos3A_819 = math.cos %add3A_818 : vector<128x256xf32>
    %dot_general3A_820 = arith.constant dense<0.000000e+00> : vector<1x128xf32>
    %dot_general3A_821 = tpu.matmul %get3A_807, %cos3A_819, %dot_general3A_820 {dimension_numbers = #tpu.dot_dimension_numbers<[1], [1], [0], [0], [0, 0, 1, 0], [], []>, precision = #tpu.contract_precision<fp32>, transpose_lhs_hint = false} : vector<1x256xf32>, vector<128x256xf32>, vector<1x128xf32> -> vector<1x128xf32>
    %add3A_822 = arith.addf %add3A_801, %dot_general3A_821 : vector<1x128xf32>
    %get3A_823 = arith.constant 4 : index
    %get3A_824 = arith.constant 1792 : index
    %get3A_825 = vector.load %arg1[%get3A_823, %get3A_824] : memref<8x2048xf32, #tpu.memory_space<vmem>>, vector<1x256xf32>
    %get3A_826 = arith.constant 4 : index
    %get3A_827 = arith.constant 1792 : index
    %get3A_828 = vector.load %arg2[%get3A_826, %get3A_827] : memref<8x2048xf32, #tpu.memory_space<vmem>>, vector<1x256xf32>
    %get3A_829 = arith.constant 0 : index
    %get3A_830 = arith.constant 0 : index
    %get3A_831 = vector.load %arg4[%get3A_829, %get3A_830] : memref<128x1xf32, #tpu.memory_space<vmem>>, vector<128x1xf32>
    %mul3A_832 = vector.broadcast %get3A_831 : vector<128x1xf32> to vector<128x256xf32>
    %mul3A_833 = vector.broadcast %get3A_825 : vector<1x256xf32> to vector<128x256xf32>
    %mul3A_834 = arith.mulf %mul3A_832, %mul3A_833 : vector<128x256xf32>
    %get3A_835 = arith.constant 0 : index
    %get3A_836 = arith.constant 0 : index
    %get3A_837 = vector.load %arg5[%get3A_835, %get3A_836] : memref<128x1xf32, #tpu.memory_space<vmem>>, vector<128x1xf32>
    %add3A_838 = vector.broadcast %get3A_837 : vector<128x1xf32> to vector<128x256xf32>
    %add3A_839 = arith.addf %mul3A_834, %add3A_838 : vector<128x256xf32>
    %cos3A_840 = math.cos %add3A_839 : vector<128x256xf32>
    %dot_general3A_841 = arith.constant dense<0.000000e+00> : vector<1x128xf32>
    %dot_general3A_842 = tpu.matmul %get3A_828, %cos3A_840, %dot_general3A_841 {dimension_numbers = #tpu.dot_dimension_numbers<[1], [1], [0], [0], [0, 0, 1, 0], [], []>, precision = #tpu.contract_precision<fp32>, transpose_lhs_hint = false} : vector<1x256xf32>, vector<128x256xf32>, vector<1x128xf32> -> vector<1x128xf32>
    %add3A_843 = arith.addf %add3A_822, %dot_general3A_842 : vector<1x128xf32>
    %broadcast_in_dim3A_844 = arith.constant 0.000000e+00 : f32
    %broadcast_in_dim3A_845 = vector.broadcast %broadcast_in_dim3A_844 : f32 to vector<1x128xf32>
    %get3A_846 = arith.constant 5 : index
    %get3A_847 = arith.constant 0 : index
    %get3A_848 = vector.load %arg1[%get3A_846, %get3A_847] : memref<8x2048xf32, #tpu.memory_space<vmem>>, vector<1x256xf32>
    %get3A_849 = arith.constant 5 : index
    %get3A_850 = arith.constant 0 : index
    %get3A_851 = vector.load %arg2[%get3A_849, %get3A_850] : memref<8x2048xf32, #tpu.memory_space<vmem>>, vector<1x256xf32>
    %get3A_852 = arith.constant 0 : index
    %get3A_853 = arith.constant 0 : index
    %get3A_854 = vector.load %arg4[%get3A_852, %get3A_853] : memref<128x1xf32, #tpu.memory_space<vmem>>, vector<128x1xf32>
    %mul3A_855 = vector.broadcast %get3A_854 : vector<128x1xf32> to vector<128x256xf32>
    %mul3A_856 = vector.broadcast %get3A_848 : vector<1x256xf32> to vector<128x256xf32>
    %mul3A_857 = arith.mulf %mul3A_855, %mul3A_856 : vector<128x256xf32>
    %get3A_858 = arith.constant 0 : index
    %get3A_859 = arith.constant 0 : index
    %get3A_860 = vector.load %arg5[%get3A_858, %get3A_859] : memref<128x1xf32, #tpu.memory_space<vmem>>, vector<128x1xf32>
    %add3A_861 = vector.broadcast %get3A_860 : vector<128x1xf32> to vector<128x256xf32>
    %add3A_862 = arith.addf %mul3A_857, %add3A_861 : vector<128x256xf32>
    %cos3A_863 = math.cos %add3A_862 : vector<128x256xf32>
    %dot_general3A_864 = arith.constant dense<0.000000e+00> : vector<1x128xf32>
    %dot_general3A_865 = tpu.matmul %get3A_851, %cos3A_863, %dot_general3A_864 {dimension_numbers = #tpu.dot_dimension_numbers<[1], [1], [0], [0], [0, 0, 1, 0], [], []>, precision = #tpu.contract_precision<fp32>, transpose_lhs_hint = false} : vector<1x256xf32>, vector<128x256xf32>, vector<1x128xf32> -> vector<1x128xf32>
    %add3A_866 = arith.addf %broadcast_in_dim3A_845, %dot_general3A_865 : vector<1x128xf32>
    %get3A_867 = arith.constant 5 : index
    %get3A_868 = arith.constant 256 : index
    %get3A_869 = vector.load %arg1[%get3A_867, %get3A_868] : memref<8x2048xf32, #tpu.memory_space<vmem>>, vector<1x256xf32>
    %get3A_870 = arith.constant 5 : index
    %get3A_871 = arith.constant 256 : index
    %get3A_872 = vector.load %arg2[%get3A_870, %get3A_871] : memref<8x2048xf32, #tpu.memory_space<vmem>>, vector<1x256xf32>
    %get3A_873 = arith.constant 0 : index
    %get3A_874 = arith.constant 0 : index
    %get3A_875 = vector.load %arg4[%get3A_873, %get3A_874] : memref<128x1xf32, #tpu.memory_space<vmem>>, vector<128x1xf32>
    %mul3A_876 = vector.broadcast %get3A_875 : vector<128x1xf32> to vector<128x256xf32>
    %mul3A_877 = vector.broadcast %get3A_869 : vector<1x256xf32> to vector<128x256xf32>
    %mul3A_878 = arith.mulf %mul3A_876, %mul3A_877 : vector<128x256xf32>
    %get3A_879 = arith.constant 0 : index
    %get3A_880 = arith.constant 0 : index
    %get3A_881 = vector.load %arg5[%get3A_879, %get3A_880] : memref<128x1xf32, #tpu.memory_space<vmem>>, vector<128x1xf32>
    %add3A_882 = vector.broadcast %get3A_881 : vector<128x1xf32> to vector<128x256xf32>
    %add3A_883 = arith.addf %mul3A_878, %add3A_882 : vector<128x256xf32>
    %cos3A_884 = math.cos %add3A_883 : vector<128x256xf32>
    %dot_general3A_885 = arith.constant dense<0.000000e+00> : vector<1x128xf32>
    %dot_general3A_886 = tpu.matmul %get3A_872, %cos3A_884, %dot_general3A_885 {dimension_numbers = #tpu.dot_dimension_numbers<[1], [1], [0], [0], [0, 0, 1, 0], [], []>, precision = #tpu.contract_precision<fp32>, transpose_lhs_hint = false} : vector<1x256xf32>, vector<128x256xf32>, vector<1x128xf32> -> vector<1x128xf32>
    %add3A_887 = arith.addf %add3A_866, %dot_general3A_886 : vector<1x128xf32>
    %get3A_888 = arith.constant 5 : index
    %get3A_889 = arith.constant 512 : index
    %get3A_890 = vector.load %arg1[%get3A_888, %get3A_889] : memref<8x2048xf32, #tpu.memory_space<vmem>>, vector<1x256xf32>
    %get3A_891 = arith.constant 5 : index
    %get3A_892 = arith.constant 512 : index
    %get3A_893 = vector.load %arg2[%get3A_891, %get3A_892] : memref<8x2048xf32, #tpu.memory_space<vmem>>, vector<1x256xf32>
    %get3A_894 = arith.constant 0 : index
    %get3A_895 = arith.constant 0 : index
    %get3A_896 = vector.load %arg4[%get3A_894, %get3A_895] : memref<128x1xf32, #tpu.memory_space<vmem>>, vector<128x1xf32>
    %mul3A_897 = vector.broadcast %get3A_896 : vector<128x1xf32> to vector<128x256xf32>
    %mul3A_898 = vector.broadcast %get3A_890 : vector<1x256xf32> to vector<128x256xf32>
    %mul3A_899 = arith.mulf %mul3A_897, %mul3A_898 : vector<128x256xf32>
    %get3A_900 = arith.constant 0 : index
    %get3A_901 = arith.constant 0 : index
    %get3A_902 = vector.load %arg5[%get3A_900, %get3A_901] : memref<128x1xf32, #tpu.memory_space<vmem>>, vector<128x1xf32>
    %add3A_903 = vector.broadcast %get3A_902 : vector<128x1xf32> to vector<128x256xf32>
    %add3A_904 = arith.addf %mul3A_899, %add3A_903 : vector<128x256xf32>
    %cos3A_905 = math.cos %add3A_904 : vector<128x256xf32>
    %dot_general3A_906 = arith.constant dense<0.000000e+00> : vector<1x128xf32>
    %dot_general3A_907 = tpu.matmul %get3A_893, %cos3A_905, %dot_general3A_906 {dimension_numbers = #tpu.dot_dimension_numbers<[1], [1], [0], [0], [0, 0, 1, 0], [], []>, precision = #tpu.contract_precision<fp32>, transpose_lhs_hint = false} : vector<1x256xf32>, vector<128x256xf32>, vector<1x128xf32> -> vector<1x128xf32>
    %add3A_908 = arith.addf %add3A_887, %dot_general3A_907 : vector<1x128xf32>
    %get3A_909 = arith.constant 5 : index
    %get3A_910 = arith.constant 768 : index
    %get3A_911 = vector.load %arg1[%get3A_909, %get3A_910] : memref<8x2048xf32, #tpu.memory_space<vmem>>, vector<1x256xf32>
    %get3A_912 = arith.constant 5 : index
    %get3A_913 = arith.constant 768 : index
    %get3A_914 = vector.load %arg2[%get3A_912, %get3A_913] : memref<8x2048xf32, #tpu.memory_space<vmem>>, vector<1x256xf32>
    %get3A_915 = arith.constant 0 : index
    %get3A_916 = arith.constant 0 : index
    %get3A_917 = vector.load %arg4[%get3A_915, %get3A_916] : memref<128x1xf32, #tpu.memory_space<vmem>>, vector<128x1xf32>
    %mul3A_918 = vector.broadcast %get3A_917 : vector<128x1xf32> to vector<128x256xf32>
    %mul3A_919 = vector.broadcast %get3A_911 : vector<1x256xf32> to vector<128x256xf32>
    %mul3A_920 = arith.mulf %mul3A_918, %mul3A_919 : vector<128x256xf32>
    %get3A_921 = arith.constant 0 : index
    %get3A_922 = arith.constant 0 : index
    %get3A_923 = vector.load %arg5[%get3A_921, %get3A_922] : memref<128x1xf32, #tpu.memory_space<vmem>>, vector<128x1xf32>
    %add3A_924 = vector.broadcast %get3A_923 : vector<128x1xf32> to vector<128x256xf32>
    %add3A_925 = arith.addf %mul3A_920, %add3A_924 : vector<128x256xf32>
    %cos3A_926 = math.cos %add3A_925 : vector<128x256xf32>
    %dot_general3A_927 = arith.constant dense<0.000000e+00> : vector<1x128xf32>
    %dot_general3A_928 = tpu.matmul %get3A_914, %cos3A_926, %dot_general3A_927 {dimension_numbers = #tpu.dot_dimension_numbers<[1], [1], [0], [0], [0, 0, 1, 0], [], []>, precision = #tpu.contract_precision<fp32>, transpose_lhs_hint = false} : vector<1x256xf32>, vector<128x256xf32>, vector<1x128xf32> -> vector<1x128xf32>
    %add3A_929 = arith.addf %add3A_908, %dot_general3A_928 : vector<1x128xf32>
    %get3A_930 = arith.constant 5 : index
    %get3A_931 = arith.constant 1024 : index
    %get3A_932 = vector.load %arg1[%get3A_930, %get3A_931] : memref<8x2048xf32, #tpu.memory_space<vmem>>, vector<1x256xf32>
    %get3A_933 = arith.constant 5 : index
    %get3A_934 = arith.constant 1024 : index
    %get3A_935 = vector.load %arg2[%get3A_933, %get3A_934] : memref<8x2048xf32, #tpu.memory_space<vmem>>, vector<1x256xf32>
    %get3A_936 = arith.constant 0 : index
    %get3A_937 = arith.constant 0 : index
    %get3A_938 = vector.load %arg4[%get3A_936, %get3A_937] : memref<128x1xf32, #tpu.memory_space<vmem>>, vector<128x1xf32>
    %mul3A_939 = vector.broadcast %get3A_938 : vector<128x1xf32> to vector<128x256xf32>
    %mul3A_940 = vector.broadcast %get3A_932 : vector<1x256xf32> to vector<128x256xf32>
    %mul3A_941 = arith.mulf %mul3A_939, %mul3A_940 : vector<128x256xf32>
    %get3A_942 = arith.constant 0 : index
    %get3A_943 = arith.constant 0 : index
    %get3A_944 = vector.load %arg5[%get3A_942, %get3A_943] : memref<128x1xf32, #tpu.memory_space<vmem>>, vector<128x1xf32>
    %add3A_945 = vector.broadcast %get3A_944 : vector<128x1xf32> to vector<128x256xf32>
    %add3A_946 = arith.addf %mul3A_941, %add3A_945 : vector<128x256xf32>
    %cos3A_947 = math.cos %add3A_946 : vector<128x256xf32>
    %dot_general3A_948 = arith.constant dense<0.000000e+00> : vector<1x128xf32>
    %dot_general3A_949 = tpu.matmul %get3A_935, %cos3A_947, %dot_general3A_948 {dimension_numbers = #tpu.dot_dimension_numbers<[1], [1], [0], [0], [0, 0, 1, 0], [], []>, precision = #tpu.contract_precision<fp32>, transpose_lhs_hint = false} : vector<1x256xf32>, vector<128x256xf32>, vector<1x128xf32> -> vector<1x128xf32>
    %add3A_950 = arith.addf %add3A_929, %dot_general3A_949 : vector<1x128xf32>
    %get3A_951 = arith.constant 5 : index
    %get3A_952 = arith.constant 1280 : index
    %get3A_953 = vector.load %arg1[%get3A_951, %get3A_952] : memref<8x2048xf32, #tpu.memory_space<vmem>>, vector<1x256xf32>
    %get3A_954 = arith.constant 5 : index
    %get3A_955 = arith.constant 1280 : index
    %get3A_956 = vector.load %arg2[%get3A_954, %get3A_955] : memref<8x2048xf32, #tpu.memory_space<vmem>>, vector<1x256xf32>
    %get3A_957 = arith.constant 0 : index
    %get3A_958 = arith.constant 0 : index
    %get3A_959 = vector.load %arg4[%get3A_957, %get3A_958] : memref<128x1xf32, #tpu.memory_space<vmem>>, vector<128x1xf32>
    %mul3A_960 = vector.broadcast %get3A_959 : vector<128x1xf32> to vector<128x256xf32>
    %mul3A_961 = vector.broadcast %get3A_953 : vector<1x256xf32> to vector<128x256xf32>
    %mul3A_962 = arith.mulf %mul3A_960, %mul3A_961 : vector<128x256xf32>
    %get3A_963 = arith.constant 0 : index
    %get3A_964 = arith.constant 0 : index
    %get3A_965 = vector.load %arg5[%get3A_963, %get3A_964] : memref<128x1xf32, #tpu.memory_space<vmem>>, vector<128x1xf32>
    %add3A_966 = vector.broadcast %get3A_965 : vector<128x1xf32> to vector<128x256xf32>
    %add3A_967 = arith.addf %mul3A_962, %add3A_966 : vector<128x256xf32>
    %cos3A_968 = math.cos %add3A_967 : vector<128x256xf32>
    %dot_general3A_969 = arith.constant dense<0.000000e+00> : vector<1x128xf32>
    %dot_general3A_970 = tpu.matmul %get3A_956, %cos3A_968, %dot_general3A_969 {dimension_numbers = #tpu.dot_dimension_numbers<[1], [1], [0], [0], [0, 0, 1, 0], [], []>, precision = #tpu.contract_precision<fp32>, transpose_lhs_hint = false} : vector<1x256xf32>, vector<128x256xf32>, vector<1x128xf32> -> vector<1x128xf32>
    %add3A_971 = arith.addf %add3A_950, %dot_general3A_970 : vector<1x128xf32>
    %get3A_972 = arith.constant 5 : index
    %get3A_973 = arith.constant 1536 : index
    %get3A_974 = vector.load %arg1[%get3A_972, %get3A_973] : memref<8x2048xf32, #tpu.memory_space<vmem>>, vector<1x256xf32>
    %get3A_975 = arith.constant 5 : index
    %get3A_976 = arith.constant 1536 : index
    %get3A_977 = vector.load %arg2[%get3A_975, %get3A_976] : memref<8x2048xf32, #tpu.memory_space<vmem>>, vector<1x256xf32>
    %get3A_978 = arith.constant 0 : index
    %get3A_979 = arith.constant 0 : index
    %get3A_980 = vector.load %arg4[%get3A_978, %get3A_979] : memref<128x1xf32, #tpu.memory_space<vmem>>, vector<128x1xf32>
    %mul3A_981 = vector.broadcast %get3A_980 : vector<128x1xf32> to vector<128x256xf32>
    %mul3A_982 = vector.broadcast %get3A_974 : vector<1x256xf32> to vector<128x256xf32>
    %mul3A_983 = arith.mulf %mul3A_981, %mul3A_982 : vector<128x256xf32>
    %get3A_984 = arith.constant 0 : index
    %get3A_985 = arith.constant 0 : index
    %get3A_986 = vector.load %arg5[%get3A_984, %get3A_985] : memref<128x1xf32, #tpu.memory_space<vmem>>, vector<128x1xf32>
    %add3A_987 = vector.broadcast %get3A_986 : vector<128x1xf32> to vector<128x256xf32>
    %add3A_988 = arith.addf %mul3A_983, %add3A_987 : vector<128x256xf32>
    %cos3A_989 = math.cos %add3A_988 : vector<128x256xf32>
    %dot_general3A_990 = arith.constant dense<0.000000e+00> : vector<1x128xf32>
    %dot_general3A_991 = tpu.matmul %get3A_977, %cos3A_989, %dot_general3A_990 {dimension_numbers = #tpu.dot_dimension_numbers<[1], [1], [0], [0], [0, 0, 1, 0], [], []>, precision = #tpu.contract_precision<fp32>, transpose_lhs_hint = false} : vector<1x256xf32>, vector<128x256xf32>, vector<1x128xf32> -> vector<1x128xf32>
    %add3A_992 = arith.addf %add3A_971, %dot_general3A_991 : vector<1x128xf32>
    %get3A_993 = arith.constant 5 : index
    %get3A_994 = arith.constant 1792 : index
    %get3A_995 = vector.load %arg1[%get3A_993, %get3A_994] : memref<8x2048xf32, #tpu.memory_space<vmem>>, vector<1x256xf32>
    %get3A_996 = arith.constant 5 : index
    %get3A_997 = arith.constant 1792 : index
    %get3A_998 = vector.load %arg2[%get3A_996, %get3A_997] : memref<8x2048xf32, #tpu.memory_space<vmem>>, vector<1x256xf32>
    %get3A_999 = arith.constant 0 : index
    %get3A_1000 = arith.constant 0 : index
    %get3A_1001 = vector.load %arg4[%get3A_999, %get3A_1000] : memref<128x1xf32, #tpu.memory_space<vmem>>, vector<128x1xf32>
    %mul3A_1002 = vector.broadcast %get3A_1001 : vector<128x1xf32> to vector<128x256xf32>
    %mul3A_1003 = vector.broadcast %get3A_995 : vector<1x256xf32> to vector<128x256xf32>
    %mul3A_1004 = arith.mulf %mul3A_1002, %mul3A_1003 : vector<128x256xf32>
    %get3A_1005 = arith.constant 0 : index
    %get3A_1006 = arith.constant 0 : index
    %get3A_1007 = vector.load %arg5[%get3A_1005, %get3A_1006] : memref<128x1xf32, #tpu.memory_space<vmem>>, vector<128x1xf32>
    %add3A_1008 = vector.broadcast %get3A_1007 : vector<128x1xf32> to vector<128x256xf32>
    %add3A_1009 = arith.addf %mul3A_1004, %add3A_1008 : vector<128x256xf32>
    %cos3A_1010 = math.cos %add3A_1009 : vector<128x256xf32>
    %dot_general3A_1011 = arith.constant dense<0.000000e+00> : vector<1x128xf32>
    %dot_general3A_1012 = tpu.matmul %get3A_998, %cos3A_1010, %dot_general3A_1011 {dimension_numbers = #tpu.dot_dimension_numbers<[1], [1], [0], [0], [0, 0, 1, 0], [], []>, precision = #tpu.contract_precision<fp32>, transpose_lhs_hint = false} : vector<1x256xf32>, vector<128x256xf32>, vector<1x128xf32> -> vector<1x128xf32>
    %add3A_1013 = arith.addf %add3A_992, %dot_general3A_1012 : vector<1x128xf32>
    %broadcast_in_dim3A_1014 = arith.constant 0.000000e+00 : f32
    %broadcast_in_dim3A_1015 = vector.broadcast %broadcast_in_dim3A_1014 : f32 to vector<1x128xf32>
    %get3A_1016 = arith.constant 6 : index
    %get3A_1017 = arith.constant 0 : index
    %get3A_1018 = vector.load %arg1[%get3A_1016, %get3A_1017] : memref<8x2048xf32, #tpu.memory_space<vmem>>, vector<1x256xf32>
    %get3A_1019 = arith.constant 6 : index
    %get3A_1020 = arith.constant 0 : index
    %get3A_1021 = vector.load %arg2[%get3A_1019, %get3A_1020] : memref<8x2048xf32, #tpu.memory_space<vmem>>, vector<1x256xf32>
    %get3A_1022 = arith.constant 0 : index
    %get3A_1023 = arith.constant 0 : index
    %get3A_1024 = vector.load %arg4[%get3A_1022, %get3A_1023] : memref<128x1xf32, #tpu.memory_space<vmem>>, vector<128x1xf32>
    %mul3A_1025 = vector.broadcast %get3A_1024 : vector<128x1xf32> to vector<128x256xf32>
    %mul3A_1026 = vector.broadcast %get3A_1018 : vector<1x256xf32> to vector<128x256xf32>
    %mul3A_1027 = arith.mulf %mul3A_1025, %mul3A_1026 : vector<128x256xf32>
    %get3A_1028 = arith.constant 0 : index
    %get3A_1029 = arith.constant 0 : index
    %get3A_1030 = vector.load %arg5[%get3A_1028, %get3A_1029] : memref<128x1xf32, #tpu.memory_space<vmem>>, vector<128x1xf32>
    %add3A_1031 = vector.broadcast %get3A_1030 : vector<128x1xf32> to vector<128x256xf32>
    %add3A_1032 = arith.addf %mul3A_1027, %add3A_1031 : vector<128x256xf32>
    %cos3A_1033 = math.cos %add3A_1032 : vector<128x256xf32>
    %dot_general3A_1034 = arith.constant dense<0.000000e+00> : vector<1x128xf32>
    %dot_general3A_1035 = tpu.matmul %get3A_1021, %cos3A_1033, %dot_general3A_1034 {dimension_numbers = #tpu.dot_dimension_numbers<[1], [1], [0], [0], [0, 0, 1, 0], [], []>, precision = #tpu.contract_precision<fp32>, transpose_lhs_hint = false} : vector<1x256xf32>, vector<128x256xf32>, vector<1x128xf32> -> vector<1x128xf32>
    %add3A_1036 = arith.addf %broadcast_in_dim3A_1015, %dot_general3A_1035 : vector<1x128xf32>
    %get3A_1037 = arith.constant 6 : index
    %get3A_1038 = arith.constant 256 : index
    %get3A_1039 = vector.load %arg1[%get3A_1037, %get3A_1038] : memref<8x2048xf32, #tpu.memory_space<vmem>>, vector<1x256xf32>
    %get3A_1040 = arith.constant 6 : index
    %get3A_1041 = arith.constant 256 : index
    %get3A_1042 = vector.load %arg2[%get3A_1040, %get3A_1041] : memref<8x2048xf32, #tpu.memory_space<vmem>>, vector<1x256xf32>
    %get3A_1043 = arith.constant 0 : index
    %get3A_1044 = arith.constant 0 : index
    %get3A_1045 = vector.load %arg4[%get3A_1043, %get3A_1044] : memref<128x1xf32, #tpu.memory_space<vmem>>, vector<128x1xf32>
    %mul3A_1046 = vector.broadcast %get3A_1045 : vector<128x1xf32> to vector<128x256xf32>
    %mul3A_1047 = vector.broadcast %get3A_1039 : vector<1x256xf32> to vector<128x256xf32>
    %mul3A_1048 = arith.mulf %mul3A_1046, %mul3A_1047 : vector<128x256xf32>
    %get3A_1049 = arith.constant 0 : index
    %get3A_1050 = arith.constant 0 : index
    %get3A_1051 = vector.load %arg5[%get3A_1049, %get3A_1050] : memref<128x1xf32, #tpu.memory_space<vmem>>, vector<128x1xf32>
    %add3A_1052 = vector.broadcast %get3A_1051 : vector<128x1xf32> to vector<128x256xf32>
    %add3A_1053 = arith.addf %mul3A_1048, %add3A_1052 : vector<128x256xf32>
    %cos3A_1054 = math.cos %add3A_1053 : vector<128x256xf32>
    %dot_general3A_1055 = arith.constant dense<0.000000e+00> : vector<1x128xf32>
    %dot_general3A_1056 = tpu.matmul %get3A_1042, %cos3A_1054, %dot_general3A_1055 {dimension_numbers = #tpu.dot_dimension_numbers<[1], [1], [0], [0], [0, 0, 1, 0], [], []>, precision = #tpu.contract_precision<fp32>, transpose_lhs_hint = false} : vector<1x256xf32>, vector<128x256xf32>, vector<1x128xf32> -> vector<1x128xf32>
    %add3A_1057 = arith.addf %add3A_1036, %dot_general3A_1056 : vector<1x128xf32>
    %get3A_1058 = arith.constant 6 : index
    %get3A_1059 = arith.constant 512 : index
    %get3A_1060 = vector.load %arg1[%get3A_1058, %get3A_1059] : memref<8x2048xf32, #tpu.memory_space<vmem>>, vector<1x256xf32>
    %get3A_1061 = arith.constant 6 : index
    %get3A_1062 = arith.constant 512 : index
    %get3A_1063 = vector.load %arg2[%get3A_1061, %get3A_1062] : memref<8x2048xf32, #tpu.memory_space<vmem>>, vector<1x256xf32>
    %get3A_1064 = arith.constant 0 : index
    %get3A_1065 = arith.constant 0 : index
    %get3A_1066 = vector.load %arg4[%get3A_1064, %get3A_1065] : memref<128x1xf32, #tpu.memory_space<vmem>>, vector<128x1xf32>
    %mul3A_1067 = vector.broadcast %get3A_1066 : vector<128x1xf32> to vector<128x256xf32>
    %mul3A_1068 = vector.broadcast %get3A_1060 : vector<1x256xf32> to vector<128x256xf32>
    %mul3A_1069 = arith.mulf %mul3A_1067, %mul3A_1068 : vector<128x256xf32>
    %get3A_1070 = arith.constant 0 : index
    %get3A_1071 = arith.constant 0 : index
    %get3A_1072 = vector.load %arg5[%get3A_1070, %get3A_1071] : memref<128x1xf32, #tpu.memory_space<vmem>>, vector<128x1xf32>
    %add3A_1073 = vector.broadcast %get3A_1072 : vector<128x1xf32> to vector<128x256xf32>
    %add3A_1074 = arith.addf %mul3A_1069, %add3A_1073 : vector<128x256xf32>
    %cos3A_1075 = math.cos %add3A_1074 : vector<128x256xf32>
    %dot_general3A_1076 = arith.constant dense<0.000000e+00> : vector<1x128xf32>
    %dot_general3A_1077 = tpu.matmul %get3A_1063, %cos3A_1075, %dot_general3A_1076 {dimension_numbers = #tpu.dot_dimension_numbers<[1], [1], [0], [0], [0, 0, 1, 0], [], []>, precision = #tpu.contract_precision<fp32>, transpose_lhs_hint = false} : vector<1x256xf32>, vector<128x256xf32>, vector<1x128xf32> -> vector<1x128xf32>
    %add3A_1078 = arith.addf %add3A_1057, %dot_general3A_1077 : vector<1x128xf32>
    %get3A_1079 = arith.constant 6 : index
    %get3A_1080 = arith.constant 768 : index
    %get3A_1081 = vector.load %arg1[%get3A_1079, %get3A_1080] : memref<8x2048xf32, #tpu.memory_space<vmem>>, vector<1x256xf32>
    %get3A_1082 = arith.constant 6 : index
    %get3A_1083 = arith.constant 768 : index
    %get3A_1084 = vector.load %arg2[%get3A_1082, %get3A_1083] : memref<8x2048xf32, #tpu.memory_space<vmem>>, vector<1x256xf32>
    %get3A_1085 = arith.constant 0 : index
    %get3A_1086 = arith.constant 0 : index
    %get3A_1087 = vector.load %arg4[%get3A_1085, %get3A_1086] : memref<128x1xf32, #tpu.memory_space<vmem>>, vector<128x1xf32>
    %mul3A_1088 = vector.broadcast %get3A_1087 : vector<128x1xf32> to vector<128x256xf32>
    %mul3A_1089 = vector.broadcast %get3A_1081 : vector<1x256xf32> to vector<128x256xf32>
    %mul3A_1090 = arith.mulf %mul3A_1088, %mul3A_1089 : vector<128x256xf32>
    %get3A_1091 = arith.constant 0 : index
    %get3A_1092 = arith.constant 0 : index
    %get3A_1093 = vector.load %arg5[%get3A_1091, %get3A_1092] : memref<128x1xf32, #tpu.memory_space<vmem>>, vector<128x1xf32>
    %add3A_1094 = vector.broadcast %get3A_1093 : vector<128x1xf32> to vector<128x256xf32>
    %add3A_1095 = arith.addf %mul3A_1090, %add3A_1094 : vector<128x256xf32>
    %cos3A_1096 = math.cos %add3A_1095 : vector<128x256xf32>
    %dot_general3A_1097 = arith.constant dense<0.000000e+00> : vector<1x128xf32>
    %dot_general3A_1098 = tpu.matmul %get3A_1084, %cos3A_1096, %dot_general3A_1097 {dimension_numbers = #tpu.dot_dimension_numbers<[1], [1], [0], [0], [0, 0, 1, 0], [], []>, precision = #tpu.contract_precision<fp32>, transpose_lhs_hint = false} : vector<1x256xf32>, vector<128x256xf32>, vector<1x128xf32> -> vector<1x128xf32>
    %add3A_1099 = arith.addf %add3A_1078, %dot_general3A_1098 : vector<1x128xf32>
    %get3A_1100 = arith.constant 6 : index
    %get3A_1101 = arith.constant 1024 : index
    %get3A_1102 = vector.load %arg1[%get3A_1100, %get3A_1101] : memref<8x2048xf32, #tpu.memory_space<vmem>>, vector<1x256xf32>
    %get3A_1103 = arith.constant 6 : index
    %get3A_1104 = arith.constant 1024 : index
    %get3A_1105 = vector.load %arg2[%get3A_1103, %get3A_1104] : memref<8x2048xf32, #tpu.memory_space<vmem>>, vector<1x256xf32>
    %get3A_1106 = arith.constant 0 : index
    %get3A_1107 = arith.constant 0 : index
    %get3A_1108 = vector.load %arg4[%get3A_1106, %get3A_1107] : memref<128x1xf32, #tpu.memory_space<vmem>>, vector<128x1xf32>
    %mul3A_1109 = vector.broadcast %get3A_1108 : vector<128x1xf32> to vector<128x256xf32>
    %mul3A_1110 = vector.broadcast %get3A_1102 : vector<1x256xf32> to vector<128x256xf32>
    %mul3A_1111 = arith.mulf %mul3A_1109, %mul3A_1110 : vector<128x256xf32>
    %get3A_1112 = arith.constant 0 : index
    %get3A_1113 = arith.constant 0 : index
    %get3A_1114 = vector.load %arg5[%get3A_1112, %get3A_1113] : memref<128x1xf32, #tpu.memory_space<vmem>>, vector<128x1xf32>
    %add3A_1115 = vector.broadcast %get3A_1114 : vector<128x1xf32> to vector<128x256xf32>
    %add3A_1116 = arith.addf %mul3A_1111, %add3A_1115 : vector<128x256xf32>
    %cos3A_1117 = math.cos %add3A_1116 : vector<128x256xf32>
    %dot_general3A_1118 = arith.constant dense<0.000000e+00> : vector<1x128xf32>
    %dot_general3A_1119 = tpu.matmul %get3A_1105, %cos3A_1117, %dot_general3A_1118 {dimension_numbers = #tpu.dot_dimension_numbers<[1], [1], [0], [0], [0, 0, 1, 0], [], []>, precision = #tpu.contract_precision<fp32>, transpose_lhs_hint = false} : vector<1x256xf32>, vector<128x256xf32>, vector<1x128xf32> -> vector<1x128xf32>
    %add3A_1120 = arith.addf %add3A_1099, %dot_general3A_1119 : vector<1x128xf32>
    %get3A_1121 = arith.constant 6 : index
    %get3A_1122 = arith.constant 1280 : index
    %get3A_1123 = vector.load %arg1[%get3A_1121, %get3A_1122] : memref<8x2048xf32, #tpu.memory_space<vmem>>, vector<1x256xf32>
    %get3A_1124 = arith.constant 6 : index
    %get3A_1125 = arith.constant 1280 : index
    %get3A_1126 = vector.load %arg2[%get3A_1124, %get3A_1125] : memref<8x2048xf32, #tpu.memory_space<vmem>>, vector<1x256xf32>
    %get3A_1127 = arith.constant 0 : index
    %get3A_1128 = arith.constant 0 : index
    %get3A_1129 = vector.load %arg4[%get3A_1127, %get3A_1128] : memref<128x1xf32, #tpu.memory_space<vmem>>, vector<128x1xf32>
    %mul3A_1130 = vector.broadcast %get3A_1129 : vector<128x1xf32> to vector<128x256xf32>
    %mul3A_1131 = vector.broadcast %get3A_1123 : vector<1x256xf32> to vector<128x256xf32>
    %mul3A_1132 = arith.mulf %mul3A_1130, %mul3A_1131 : vector<128x256xf32>
    %get3A_1133 = arith.constant 0 : index
    %get3A_1134 = arith.constant 0 : index
    %get3A_1135 = vector.load %arg5[%get3A_1133, %get3A_1134] : memref<128x1xf32, #tpu.memory_space<vmem>>, vector<128x1xf32>
    %add3A_1136 = vector.broadcast %get3A_1135 : vector<128x1xf32> to vector<128x256xf32>
    %add3A_1137 = arith.addf %mul3A_1132, %add3A_1136 : vector<128x256xf32>
    %cos3A_1138 = math.cos %add3A_1137 : vector<128x256xf32>
    %dot_general3A_1139 = arith.constant dense<0.000000e+00> : vector<1x128xf32>
    %dot_general3A_1140 = tpu.matmul %get3A_1126, %cos3A_1138, %dot_general3A_1139 {dimension_numbers = #tpu.dot_dimension_numbers<[1], [1], [0], [0], [0, 0, 1, 0], [], []>, precision = #tpu.contract_precision<fp32>, transpose_lhs_hint = false} : vector<1x256xf32>, vector<128x256xf32>, vector<1x128xf32> -> vector<1x128xf32>
    %add3A_1141 = arith.addf %add3A_1120, %dot_general3A_1140 : vector<1x128xf32>
    %get3A_1142 = arith.constant 6 : index
    %get3A_1143 = arith.constant 1536 : index
    %get3A_1144 = vector.load %arg1[%get3A_1142, %get3A_1143] : memref<8x2048xf32, #tpu.memory_space<vmem>>, vector<1x256xf32>
    %get3A_1145 = arith.constant 6 : index
    %get3A_1146 = arith.constant 1536 : index
    %get3A_1147 = vector.load %arg2[%get3A_1145, %get3A_1146] : memref<8x2048xf32, #tpu.memory_space<vmem>>, vector<1x256xf32>
    %get3A_1148 = arith.constant 0 : index
    %get3A_1149 = arith.constant 0 : index
    %get3A_1150 = vector.load %arg4[%get3A_1148, %get3A_1149] : memref<128x1xf32, #tpu.memory_space<vmem>>, vector<128x1xf32>
    %mul3A_1151 = vector.broadcast %get3A_1150 : vector<128x1xf32> to vector<128x256xf32>
    %mul3A_1152 = vector.broadcast %get3A_1144 : vector<1x256xf32> to vector<128x256xf32>
    %mul3A_1153 = arith.mulf %mul3A_1151, %mul3A_1152 : vector<128x256xf32>
    %get3A_1154 = arith.constant 0 : index
    %get3A_1155 = arith.constant 0 : index
    %get3A_1156 = vector.load %arg5[%get3A_1154, %get3A_1155] : memref<128x1xf32, #tpu.memory_space<vmem>>, vector<128x1xf32>
    %add3A_1157 = vector.broadcast %get3A_1156 : vector<128x1xf32> to vector<128x256xf32>
    %add3A_1158 = arith.addf %mul3A_1153, %add3A_1157 : vector<128x256xf32>
    %cos3A_1159 = math.cos %add3A_1158 : vector<128x256xf32>
    %dot_general3A_1160 = arith.constant dense<0.000000e+00> : vector<1x128xf32>
    %dot_general3A_1161 = tpu.matmul %get3A_1147, %cos3A_1159, %dot_general3A_1160 {dimension_numbers = #tpu.dot_dimension_numbers<[1], [1], [0], [0], [0, 0, 1, 0], [], []>, precision = #tpu.contract_precision<fp32>, transpose_lhs_hint = false} : vector<1x256xf32>, vector<128x256xf32>, vector<1x128xf32> -> vector<1x128xf32>
    %add3A_1162 = arith.addf %add3A_1141, %dot_general3A_1161 : vector<1x128xf32>
    %get3A_1163 = arith.constant 6 : index
    %get3A_1164 = arith.constant 1792 : index
    %get3A_1165 = vector.load %arg1[%get3A_1163, %get3A_1164] : memref<8x2048xf32, #tpu.memory_space<vmem>>, vector<1x256xf32>
    %get3A_1166 = arith.constant 6 : index
    %get3A_1167 = arith.constant 1792 : index
    %get3A_1168 = vector.load %arg2[%get3A_1166, %get3A_1167] : memref<8x2048xf32, #tpu.memory_space<vmem>>, vector<1x256xf32>
    %get3A_1169 = arith.constant 0 : index
    %get3A_1170 = arith.constant 0 : index
    %get3A_1171 = vector.load %arg4[%get3A_1169, %get3A_1170] : memref<128x1xf32, #tpu.memory_space<vmem>>, vector<128x1xf32>
    %mul3A_1172 = vector.broadcast %get3A_1171 : vector<128x1xf32> to vector<128x256xf32>
    %mul3A_1173 = vector.broadcast %get3A_1165 : vector<1x256xf32> to vector<128x256xf32>
    %mul3A_1174 = arith.mulf %mul3A_1172, %mul3A_1173 : vector<128x256xf32>
    %get3A_1175 = arith.constant 0 : index
    %get3A_1176 = arith.constant 0 : index
    %get3A_1177 = vector.load %arg5[%get3A_1175, %get3A_1176] : memref<128x1xf32, #tpu.memory_space<vmem>>, vector<128x1xf32>
    %add3A_1178 = vector.broadcast %get3A_1177 : vector<128x1xf32> to vector<128x256xf32>
    %add3A_1179 = arith.addf %mul3A_1174, %add3A_1178 : vector<128x256xf32>
    %cos3A_1180 = math.cos %add3A_1179 : vector<128x256xf32>
    %dot_general3A_1181 = arith.constant dense<0.000000e+00> : vector<1x128xf32>
    %dot_general3A_1182 = tpu.matmul %get3A_1168, %cos3A_1180, %dot_general3A_1181 {dimension_numbers = #tpu.dot_dimension_numbers<[1], [1], [0], [0], [0, 0, 1, 0], [], []>, precision = #tpu.contract_precision<fp32>, transpose_lhs_hint = false} : vector<1x256xf32>, vector<128x256xf32>, vector<1x128xf32> -> vector<1x128xf32>
    %add3A_1183 = arith.addf %add3A_1162, %dot_general3A_1182 : vector<1x128xf32>
    %broadcast_in_dim3A_1184 = arith.constant 0.000000e+00 : f32
    %broadcast_in_dim3A_1185 = vector.broadcast %broadcast_in_dim3A_1184 : f32 to vector<1x128xf32>
    %get3A_1186 = arith.constant 7 : index
    %get3A_1187 = arith.constant 0 : index
    %get3A_1188 = vector.load %arg1[%get3A_1186, %get3A_1187] : memref<8x2048xf32, #tpu.memory_space<vmem>>, vector<1x256xf32>
    %get3A_1189 = arith.constant 7 : index
    %get3A_1190 = arith.constant 0 : index
    %get3A_1191 = vector.load %arg2[%get3A_1189, %get3A_1190] : memref<8x2048xf32, #tpu.memory_space<vmem>>, vector<1x256xf32>
    %get3A_1192 = arith.constant 0 : index
    %get3A_1193 = arith.constant 0 : index
    %get3A_1194 = vector.load %arg4[%get3A_1192, %get3A_1193] : memref<128x1xf32, #tpu.memory_space<vmem>>, vector<128x1xf32>
    %mul3A_1195 = vector.broadcast %get3A_1194 : vector<128x1xf32> to vector<128x256xf32>
    %mul3A_1196 = vector.broadcast %get3A_1188 : vector<1x256xf32> to vector<128x256xf32>
    %mul3A_1197 = arith.mulf %mul3A_1195, %mul3A_1196 : vector<128x256xf32>
    %get3A_1198 = arith.constant 0 : index
    %get3A_1199 = arith.constant 0 : index
    %get3A_1200 = vector.load %arg5[%get3A_1198, %get3A_1199] : memref<128x1xf32, #tpu.memory_space<vmem>>, vector<128x1xf32>
    %add3A_1201 = vector.broadcast %get3A_1200 : vector<128x1xf32> to vector<128x256xf32>
    %add3A_1202 = arith.addf %mul3A_1197, %add3A_1201 : vector<128x256xf32>
    %cos3A_1203 = math.cos %add3A_1202 : vector<128x256xf32>
    %dot_general3A_1204 = arith.constant dense<0.000000e+00> : vector<1x128xf32>
    %dot_general3A_1205 = tpu.matmul %get3A_1191, %cos3A_1203, %dot_general3A_1204 {dimension_numbers = #tpu.dot_dimension_numbers<[1], [1], [0], [0], [0, 0, 1, 0], [], []>, precision = #tpu.contract_precision<fp32>, transpose_lhs_hint = false} : vector<1x256xf32>, vector<128x256xf32>, vector<1x128xf32> -> vector<1x128xf32>
    %add3A_1206 = arith.addf %broadcast_in_dim3A_1185, %dot_general3A_1205 : vector<1x128xf32>
    %get3A_1207 = arith.constant 7 : index
    %get3A_1208 = arith.constant 256 : index
    %get3A_1209 = vector.load %arg1[%get3A_1207, %get3A_1208] : memref<8x2048xf32, #tpu.memory_space<vmem>>, vector<1x256xf32>
    %get3A_1210 = arith.constant 7 : index
    %get3A_1211 = arith.constant 256 : index
    %get3A_1212 = vector.load %arg2[%get3A_1210, %get3A_1211] : memref<8x2048xf32, #tpu.memory_space<vmem>>, vector<1x256xf32>
    %get3A_1213 = arith.constant 0 : index
    %get3A_1214 = arith.constant 0 : index
    %get3A_1215 = vector.load %arg4[%get3A_1213, %get3A_1214] : memref<128x1xf32, #tpu.memory_space<vmem>>, vector<128x1xf32>
    %mul3A_1216 = vector.broadcast %get3A_1215 : vector<128x1xf32> to vector<128x256xf32>
    %mul3A_1217 = vector.broadcast %get3A_1209 : vector<1x256xf32> to vector<128x256xf32>
    %mul3A_1218 = arith.mulf %mul3A_1216, %mul3A_1217 : vector<128x256xf32>
    %get3A_1219 = arith.constant 0 : index
    %get3A_1220 = arith.constant 0 : index
    %get3A_1221 = vector.load %arg5[%get3A_1219, %get3A_1220] : memref<128x1xf32, #tpu.memory_space<vmem>>, vector<128x1xf32>
    %add3A_1222 = vector.broadcast %get3A_1221 : vector<128x1xf32> to vector<128x256xf32>
    %add3A_1223 = arith.addf %mul3A_1218, %add3A_1222 : vector<128x256xf32>
    %cos3A_1224 = math.cos %add3A_1223 : vector<128x256xf32>
    %dot_general3A_1225 = arith.constant dense<0.000000e+00> : vector<1x128xf32>
    %dot_general3A_1226 = tpu.matmul %get3A_1212, %cos3A_1224, %dot_general3A_1225 {dimension_numbers = #tpu.dot_dimension_numbers<[1], [1], [0], [0], [0, 0, 1, 0], [], []>, precision = #tpu.contract_precision<fp32>, transpose_lhs_hint = false} : vector<1x256xf32>, vector<128x256xf32>, vector<1x128xf32> -> vector<1x128xf32>
    %add3A_1227 = arith.addf %add3A_1206, %dot_general3A_1226 : vector<1x128xf32>
    %get3A_1228 = arith.constant 7 : index
    %get3A_1229 = arith.constant 512 : index
    %get3A_1230 = vector.load %arg1[%get3A_1228, %get3A_1229] : memref<8x2048xf32, #tpu.memory_space<vmem>>, vector<1x256xf32>
    %get3A_1231 = arith.constant 7 : index
    %get3A_1232 = arith.constant 512 : index
    %get3A_1233 = vector.load %arg2[%get3A_1231, %get3A_1232] : memref<8x2048xf32, #tpu.memory_space<vmem>>, vector<1x256xf32>
    %get3A_1234 = arith.constant 0 : index
    %get3A_1235 = arith.constant 0 : index
    %get3A_1236 = vector.load %arg4[%get3A_1234, %get3A_1235] : memref<128x1xf32, #tpu.memory_space<vmem>>, vector<128x1xf32>
    %mul3A_1237 = vector.broadcast %get3A_1236 : vector<128x1xf32> to vector<128x256xf32>
    %mul3A_1238 = vector.broadcast %get3A_1230 : vector<1x256xf32> to vector<128x256xf32>
    %mul3A_1239 = arith.mulf %mul3A_1237, %mul3A_1238 : vector<128x256xf32>
    %get3A_1240 = arith.constant 0 : index
    %get3A_1241 = arith.constant 0 : index
    %get3A_1242 = vector.load %arg5[%get3A_1240, %get3A_1241] : memref<128x1xf32, #tpu.memory_space<vmem>>, vector<128x1xf32>
    %add3A_1243 = vector.broadcast %get3A_1242 : vector<128x1xf32> to vector<128x256xf32>
    %add3A_1244 = arith.addf %mul3A_1239, %add3A_1243 : vector<128x256xf32>
    %cos3A_1245 = math.cos %add3A_1244 : vector<128x256xf32>
    %dot_general3A_1246 = arith.constant dense<0.000000e+00> : vector<1x128xf32>
    %dot_general3A_1247 = tpu.matmul %get3A_1233, %cos3A_1245, %dot_general3A_1246 {dimension_numbers = #tpu.dot_dimension_numbers<[1], [1], [0], [0], [0, 0, 1, 0], [], []>, precision = #tpu.contract_precision<fp32>, transpose_lhs_hint = false} : vector<1x256xf32>, vector<128x256xf32>, vector<1x128xf32> -> vector<1x128xf32>
    %add3A_1248 = arith.addf %add3A_1227, %dot_general3A_1247 : vector<1x128xf32>
    %get3A_1249 = arith.constant 7 : index
    %get3A_1250 = arith.constant 768 : index
    %get3A_1251 = vector.load %arg1[%get3A_1249, %get3A_1250] : memref<8x2048xf32, #tpu.memory_space<vmem>>, vector<1x256xf32>
    %get3A_1252 = arith.constant 7 : index
    %get3A_1253 = arith.constant 768 : index
    %get3A_1254 = vector.load %arg2[%get3A_1252, %get3A_1253] : memref<8x2048xf32, #tpu.memory_space<vmem>>, vector<1x256xf32>
    %get3A_1255 = arith.constant 0 : index
    %get3A_1256 = arith.constant 0 : index
    %get3A_1257 = vector.load %arg4[%get3A_1255, %get3A_1256] : memref<128x1xf32, #tpu.memory_space<vmem>>, vector<128x1xf32>
    %mul3A_1258 = vector.broadcast %get3A_1257 : vector<128x1xf32> to vector<128x256xf32>
    %mul3A_1259 = vector.broadcast %get3A_1251 : vector<1x256xf32> to vector<128x256xf32>
    %mul3A_1260 = arith.mulf %mul3A_1258, %mul3A_1259 : vector<128x256xf32>
    %get3A_1261 = arith.constant 0 : index
    %get3A_1262 = arith.constant 0 : index
    %get3A_1263 = vector.load %arg5[%get3A_1261, %get3A_1262] : memref<128x1xf32, #tpu.memory_space<vmem>>, vector<128x1xf32>
    %add3A_1264 = vector.broadcast %get3A_1263 : vector<128x1xf32> to vector<128x256xf32>
    %add3A_1265 = arith.addf %mul3A_1260, %add3A_1264 : vector<128x256xf32>
    %cos3A_1266 = math.cos %add3A_1265 : vector<128x256xf32>
    %dot_general3A_1267 = arith.constant dense<0.000000e+00> : vector<1x128xf32>
    %dot_general3A_1268 = tpu.matmul %get3A_1254, %cos3A_1266, %dot_general3A_1267 {dimension_numbers = #tpu.dot_dimension_numbers<[1], [1], [0], [0], [0, 0, 1, 0], [], []>, precision = #tpu.contract_precision<fp32>, transpose_lhs_hint = false} : vector<1x256xf32>, vector<128x256xf32>, vector<1x128xf32> -> vector<1x128xf32>
    %add3A_1269 = arith.addf %add3A_1248, %dot_general3A_1268 : vector<1x128xf32>
    %get3A_1270 = arith.constant 7 : index
    %get3A_1271 = arith.constant 1024 : index
    %get3A_1272 = vector.load %arg1[%get3A_1270, %get3A_1271] : memref<8x2048xf32, #tpu.memory_space<vmem>>, vector<1x256xf32>
    %get3A_1273 = arith.constant 7 : index
    %get3A_1274 = arith.constant 1024 : index
    %get3A_1275 = vector.load %arg2[%get3A_1273, %get3A_1274] : memref<8x2048xf32, #tpu.memory_space<vmem>>, vector<1x256xf32>
    %get3A_1276 = arith.constant 0 : index
    %get3A_1277 = arith.constant 0 : index
    %get3A_1278 = vector.load %arg4[%get3A_1276, %get3A_1277] : memref<128x1xf32, #tpu.memory_space<vmem>>, vector<128x1xf32>
    %mul3A_1279 = vector.broadcast %get3A_1278 : vector<128x1xf32> to vector<128x256xf32>
    %mul3A_1280 = vector.broadcast %get3A_1272 : vector<1x256xf32> to vector<128x256xf32>
    %mul3A_1281 = arith.mulf %mul3A_1279, %mul3A_1280 : vector<128x256xf32>
    %get3A_1282 = arith.constant 0 : index
    %get3A_1283 = arith.constant 0 : index
    %get3A_1284 = vector.load %arg5[%get3A_1282, %get3A_1283] : memref<128x1xf32, #tpu.memory_space<vmem>>, vector<128x1xf32>
    %add3A_1285 = vector.broadcast %get3A_1284 : vector<128x1xf32> to vector<128x256xf32>
    %add3A_1286 = arith.addf %mul3A_1281, %add3A_1285 : vector<128x256xf32>
    %cos3A_1287 = math.cos %add3A_1286 : vector<128x256xf32>
    %dot_general3A_1288 = arith.constant dense<0.000000e+00> : vector<1x128xf32>
    %dot_general3A_1289 = tpu.matmul %get3A_1275, %cos3A_1287, %dot_general3A_1288 {dimension_numbers = #tpu.dot_dimension_numbers<[1], [1], [0], [0], [0, 0, 1, 0], [], []>, precision = #tpu.contract_precision<fp32>, transpose_lhs_hint = false} : vector<1x256xf32>, vector<128x256xf32>, vector<1x128xf32> -> vector<1x128xf32>
    %add3A_1290 = arith.addf %add3A_1269, %dot_general3A_1289 : vector<1x128xf32>
    %get3A_1291 = arith.constant 7 : index
    %get3A_1292 = arith.constant 1280 : index
    %get3A_1293 = vector.load %arg1[%get3A_1291, %get3A_1292] : memref<8x2048xf32, #tpu.memory_space<vmem>>, vector<1x256xf32>
    %get3A_1294 = arith.constant 7 : index
    %get3A_1295 = arith.constant 1280 : index
    %get3A_1296 = vector.load %arg2[%get3A_1294, %get3A_1295] : memref<8x2048xf32, #tpu.memory_space<vmem>>, vector<1x256xf32>
    %get3A_1297 = arith.constant 0 : index
    %get3A_1298 = arith.constant 0 : index
    %get3A_1299 = vector.load %arg4[%get3A_1297, %get3A_1298] : memref<128x1xf32, #tpu.memory_space<vmem>>, vector<128x1xf32>
    %mul3A_1300 = vector.broadcast %get3A_1299 : vector<128x1xf32> to vector<128x256xf32>
    %mul3A_1301 = vector.broadcast %get3A_1293 : vector<1x256xf32> to vector<128x256xf32>
    %mul3A_1302 = arith.mulf %mul3A_1300, %mul3A_1301 : vector<128x256xf32>
    %get3A_1303 = arith.constant 0 : index
    %get3A_1304 = arith.constant 0 : index
    %get3A_1305 = vector.load %arg5[%get3A_1303, %get3A_1304] : memref<128x1xf32, #tpu.memory_space<vmem>>, vector<128x1xf32>
    %add3A_1306 = vector.broadcast %get3A_1305 : vector<128x1xf32> to vector<128x256xf32>
    %add3A_1307 = arith.addf %mul3A_1302, %add3A_1306 : vector<128x256xf32>
    %cos3A_1308 = math.cos %add3A_1307 : vector<128x256xf32>
    %dot_general3A_1309 = arith.constant dense<0.000000e+00> : vector<1x128xf32>
    %dot_general3A_1310 = tpu.matmul %get3A_1296, %cos3A_1308, %dot_general3A_1309 {dimension_numbers = #tpu.dot_dimension_numbers<[1], [1], [0], [0], [0, 0, 1, 0], [], []>, precision = #tpu.contract_precision<fp32>, transpose_lhs_hint = false} : vector<1x256xf32>, vector<128x256xf32>, vector<1x128xf32> -> vector<1x128xf32>
    %add3A_1311 = arith.addf %add3A_1290, %dot_general3A_1310 : vector<1x128xf32>
    %get3A_1312 = arith.constant 7 : index
    %get3A_1313 = arith.constant 1536 : index
    %get3A_1314 = vector.load %arg1[%get3A_1312, %get3A_1313] : memref<8x2048xf32, #tpu.memory_space<vmem>>, vector<1x256xf32>
    %get3A_1315 = arith.constant 7 : index
    %get3A_1316 = arith.constant 1536 : index
    %get3A_1317 = vector.load %arg2[%get3A_1315, %get3A_1316] : memref<8x2048xf32, #tpu.memory_space<vmem>>, vector<1x256xf32>
    %get3A_1318 = arith.constant 0 : index
    %get3A_1319 = arith.constant 0 : index
    %get3A_1320 = vector.load %arg4[%get3A_1318, %get3A_1319] : memref<128x1xf32, #tpu.memory_space<vmem>>, vector<128x1xf32>
    %mul3A_1321 = vector.broadcast %get3A_1320 : vector<128x1xf32> to vector<128x256xf32>
    %mul3A_1322 = vector.broadcast %get3A_1314 : vector<1x256xf32> to vector<128x256xf32>
    %mul3A_1323 = arith.mulf %mul3A_1321, %mul3A_1322 : vector<128x256xf32>
    %get3A_1324 = arith.constant 0 : index
    %get3A_1325 = arith.constant 0 : index
    %get3A_1326 = vector.load %arg5[%get3A_1324, %get3A_1325] : memref<128x1xf32, #tpu.memory_space<vmem>>, vector<128x1xf32>
    %add3A_1327 = vector.broadcast %get3A_1326 : vector<128x1xf32> to vector<128x256xf32>
    %add3A_1328 = arith.addf %mul3A_1323, %add3A_1327 : vector<128x256xf32>
    %cos3A_1329 = math.cos %add3A_1328 : vector<128x256xf32>
    %dot_general3A_1330 = arith.constant dense<0.000000e+00> : vector<1x128xf32>
    %dot_general3A_1331 = tpu.matmul %get3A_1317, %cos3A_1329, %dot_general3A_1330 {dimension_numbers = #tpu.dot_dimension_numbers<[1], [1], [0], [0], [0, 0, 1, 0], [], []>, precision = #tpu.contract_precision<fp32>, transpose_lhs_hint = false} : vector<1x256xf32>, vector<128x256xf32>, vector<1x128xf32> -> vector<1x128xf32>
    %add3A_1332 = arith.addf %add3A_1311, %dot_general3A_1331 : vector<1x128xf32>
    %get3A_1333 = arith.constant 7 : index
    %get3A_1334 = arith.constant 1792 : index
    %get3A_1335 = vector.load %arg1[%get3A_1333, %get3A_1334] : memref<8x2048xf32, #tpu.memory_space<vmem>>, vector<1x256xf32>
    %get3A_1336 = arith.constant 7 : index
    %get3A_1337 = arith.constant 1792 : index
    %get3A_1338 = vector.load %arg2[%get3A_1336, %get3A_1337] : memref<8x2048xf32, #tpu.memory_space<vmem>>, vector<1x256xf32>
    %get3A_1339 = arith.constant 0 : index
    %get3A_1340 = arith.constant 0 : index
    %get3A_1341 = vector.load %arg4[%get3A_1339, %get3A_1340] : memref<128x1xf32, #tpu.memory_space<vmem>>, vector<128x1xf32>
    %mul3A_1342 = vector.broadcast %get3A_1341 : vector<128x1xf32> to vector<128x256xf32>
    %mul3A_1343 = vector.broadcast %get3A_1335 : vector<1x256xf32> to vector<128x256xf32>
    %mul3A_1344 = arith.mulf %mul3A_1342, %mul3A_1343 : vector<128x256xf32>
    %get3A_1345 = arith.constant 0 : index
    %get3A_1346 = arith.constant 0 : index
    %get3A_1347 = vector.load %arg5[%get3A_1345, %get3A_1346] : memref<128x1xf32, #tpu.memory_space<vmem>>, vector<128x1xf32>
    %add3A_1348 = vector.broadcast %get3A_1347 : vector<128x1xf32> to vector<128x256xf32>
    %add3A_1349 = arith.addf %mul3A_1344, %add3A_1348 : vector<128x256xf32>
    %cos3A_1350 = math.cos %add3A_1349 : vector<128x256xf32>
    %dot_general3A_1351 = arith.constant dense<0.000000e+00> : vector<1x128xf32>
    %dot_general3A_1352 = tpu.matmul %get3A_1338, %cos3A_1350, %dot_general3A_1351 {dimension_numbers = #tpu.dot_dimension_numbers<[1], [1], [0], [0], [0, 0, 1, 0], [], []>, precision = #tpu.contract_precision<fp32>, transpose_lhs_hint = false} : vector<1x256xf32>, vector<128x256xf32>, vector<1x128xf32> -> vector<1x128xf32>
    %add3A_1353 = arith.addf %add3A_1332, %dot_general3A_1352 : vector<1x128xf32>
    %concatenate3A = tpu.concatenate %add3A_163, %add3A_333, %add3A_503, %add3A_673, %add3A_843, %add3A_1013, %add3A_1183, %add3A_1353 in 0 : vector<1x128xf32>, vector<1x128xf32>, vector<1x128xf32>, vector<1x128xf32>, vector<1x128xf32>, vector<1x128xf32>, vector<1x128xf32>, vector<1x128xf32> -> vector<8x128xf32>
    %swap3A = arith.constant 0 : index
    %swap3A_1354 = arith.constant 0 : index
    %swap3A_1355 = vector.load %arg6[%swap3A, %swap3A_1354] : memref<8x128xf32, #tpu.memory_space<vmem>>, vector<8x128xf32>
    tpu.vector_store %arg6[%swap3A, %swap3A_1354], %concatenate3A {strides = array<i32>} : memref<8x128xf32, #tpu.memory_space<vmem>>, vector<8x128xf32>,
    %get3A_1356 = arith.constant 0 : index
    %get3A_1357 = arith.constant 0 : index
    %get3A_1358 = vector.load %arg2[%get3A_1356, %get3A_1357] : memref<8x2048xf32, #tpu.memory_space<vmem>>, vector<8x2048xf32>
    %get3A_1359 = arith.constant 0 : index
    %get3A_1360 = arith.constant 0 : index
    %get3A_1361 = vector.load %arg3[%get3A_1359, %get3A_1360] : memref<8x2048xf32, #tpu.memory_space<vmem>>, vector<8x2048xf32>
    %mul3A_1362 = arith.mulf %get3A_1358, %get3A_1361 : vector<8x2048xf32>
    %reduce_sum3A = arith.constant dense<0.000000e+00> : vector<8xf32>
    %reduce_sum3A_1363 = vector.multi_reduction <add>, %mul3A_1362, %reduce_sum3A [1] : vector<8x2048xf32> to vector<8xf32>
    %broadcast_in_dim3A_1364 = vector.shape_cast %reduce_sum3A_1363 : vector<8xf32> to vector<8x1xf32>
    %get3A_1365 = arith.constant 0 : index
    %get3A_1366 = arith.constant 0 : index
    %get3A_1367 = vector.load %arg2[%get3A_1365, %get3A_1366] : memref<8x2048xf32, #tpu.memory_space<vmem>>, vector<8x2048xf32>
    %reduce_sum3A_1368 = arith.constant dense<0.000000e+00> : vector<8xf32>
    %reduce_sum3A_1369 = vector.multi_reduction <add>, %get3A_1367, %reduce_sum3A_1368 [1] : vector<8x2048xf32> to vector<8xf32>
    %broadcast_in_dim3A_1370 = vector.shape_cast %reduce_sum3A_1369 : vector<8xf32> to vector<8x1xf32>
    %iota3A = tpu.iota {dimensions = array<i32: 1>} : vector<8x128xi32>
    %eq3A = arith.constant 0 : i32
    %eq3A_1371 = vector.broadcast %eq3A : i32 to vector<8x128xi32>
    %eq3A_1372 = arith.cmpi eq, %iota3A, %eq3A_1371 : vector<8x128xi32>
    %jit3A = arith.constant 0.000000e+00 : f32
    %broadcast_in_dim3A_1373 = vector.shape_cast %broadcast_in_dim3A_1364 : vector<8x1xf32> to vector<8x1xf32>
    %broadcast_in_dim3A_1374 = vector.broadcast %broadcast_in_dim3A_1373 : vector<8x1xf32> to vector<8x128xf32>
    %broadcast_in_dim3A_1375 = vector.broadcast %jit3A : f32 to vector<8x128xf32>
    %select_n3A = arith.select %eq3A_1372, %broadcast_in_dim3A_1374, %broadcast_in_dim3A_1375 : vector<8x128xi1>, vector<8x128xf32>
    %eq3A_1376 = arith.constant 1 : i32
    %eq3A_1377 = vector.broadcast %eq3A_1376 : i32 to vector<8x128xi32>
    %eq3A_1378 = arith.cmpi eq, %iota3A, %eq3A_1377 : vector<8x128xi32>
    %jit3A_1379 = arith.constant 0.000000e+00 : f32
    %broadcast_in_dim3A_1380 = vector.shape_cast %broadcast_in_dim3A_1370 : vector<8x1xf32> to vector<8x1xf32>
    %broadcast_in_dim3A_1381 = vector.broadcast %broadcast_in_dim3A_1380 : vector<8x1xf32> to vector<8x128xf32>
    %broadcast_in_dim3A_1382 = vector.broadcast %jit3A_1379 : f32 to vector<8x128xf32>
    %select_n3A_1383 = arith.select %eq3A_1378, %broadcast_in_dim3A_1381, %broadcast_in_dim3A_1382 : vector<8x128xi1>, vector<8x128xf32>
    %add3A_1384 = arith.addf %select_n3A, %select_n3A_1383 : vector<8x128xf32>
    %swap3A_1385 = arith.constant 0 : index
    %swap3A_1386 = arith.constant 0 : index
    %swap3A_1387 = vector.load %arg7[%swap3A_1385, %swap3A_1386] : memref<8x128xf32, #tpu.memory_space<vmem>>, vector<8x128xf32>
    tpu.vector_store %arg7[%swap3A_1385, %swap3A_1386], %add3A_1384 {strides = array<i32>} : memref<8x128xf32, #tpu.memory_space<vmem>>, vector<8x128xf32>,
    return
  }
  func.func @transform_0(%arg0: i32) -> (i32, i32) {
    %c0_i32 = arith.constant 0 : i32
    %c0_i32_0 = arith.constant 0 : i32
    return %arg0, %c0_i32 : i32, i32
  }
  func.func @transform_1(%arg0: i32) -> (i32, i32) {
    %c0_i32 = arith.constant 0 : i32
    %c0_i32_0 = arith.constant 0 : i32
    return %arg0, %c0_i32 : i32, i32
  }
  func.func @transform_2(%arg0: i32) -> (i32, i32) {
    %c0_i32 = arith.constant 0 : i32
    %c0_i32_0 = arith.constant 0 : i32
    return %arg0, %c0_i32 : i32, i32
  }
  func.func @transform_3(%arg0: i32) -> (i32, i32) {
    %c0_i32 = arith.constant 0 : i32
    %c0_i32_0 = arith.constant 0 : i32
    %c0_i32_1 = arith.constant 0 : i32
    return %c0_i32, %c0_i32_0 : i32, i32
  }
  func.func @transform_4(%arg0: i32) -> (i32, i32) {
    %c0_i32 = arith.constant 0 : i32
    %c0_i32_0 = arith.constant 0 : i32
    %c0_i32_1 = arith.constant 0 : i32
    return %c0_i32, %c0_i32_0 : i32, i32
  }
  func.func @transform_5(%arg0: i32) -> (i32, i32) {
    %c0_i32 = arith.constant 0 : i32
    %c0_i32_0 = arith.constant 0 : i32
    return %arg0, %c0_i32 : i32, i32
  }
  func.func @transform_6(%arg0: i32) -> (i32, i32) {
    %c0_i32 = arith.constant 0 : i32
    %c0_i32_0 = arith.constant 0 : i32
    return %arg0, %c0_i32 : i32, i32
  }
}

module attributes {stable_mosaic.version = 14 : i64} {
  func.func @_k2b_body(%arg0: memref<32x128xf32, #tpu.memory_space<vmem>>, %arg1: memref<160x128xf32, #tpu.memory_space<vmem>>, %arg2: memref<160x128xf32, #tpu.memory_space<vmem>>, %arg3: memref<257x128xf32, #tpu.memory_space<vmem>>, %arg4: memref<1x128xf32, #tpu.memory_space<vmem>>, %arg5: memref<128x1xf32, #tpu.memory_space<vmem>>, %arg6: memref<1x1xf32, #tpu.memory_space<vmem>>, %arg7: memref<32x1xf32, #tpu.memory_space<vmem>>) attributes {dimension_semantics = [], scalar_prefetch = 0 : i64, scratch_operands = 0 : i64, tpu.core_type = #tpu.core_type<tc>} {
    %get3A = arith.constant 0 : index
    %get3A_0 = arith.constant 0 : index
    %get3A_1 = vector.load %arg1[%get3A, %get3A_0] : memref<160x128xf32, #tpu.memory_space<vmem>>, vector<32x128xf32>
    %get3A_2 = arith.constant 0 : index
    %get3A_3 = arith.constant 0 : index
    %get3A_4 = vector.load %arg2[%get3A_2, %get3A_3] : memref<160x128xf32, #tpu.memory_space<vmem>>, vector<32x128xf32>
    %get3A_5 = arith.constant 32 : index
    %get3A_6 = arith.constant 0 : index
    %get3A_7 = vector.load %arg1[%get3A_5, %get3A_6] : memref<160x128xf32, #tpu.memory_space<vmem>>, vector<32x128xf32>
    %add3A = arith.addf %get3A_1, %get3A_7 : vector<32x128xf32>
    %get3A_8 = arith.constant 32 : index
    %get3A_9 = arith.constant 0 : index
    %get3A_10 = vector.load %arg2[%get3A_8, %get3A_9] : memref<160x128xf32, #tpu.memory_space<vmem>>, vector<32x128xf32>
    %add3A_11 = arith.addf %get3A_4, %get3A_10 : vector<32x128xf32>
    %get3A_12 = arith.constant 64 : index
    %get3A_13 = arith.constant 0 : index
    %get3A_14 = vector.load %arg1[%get3A_12, %get3A_13] : memref<160x128xf32, #tpu.memory_space<vmem>>, vector<32x128xf32>
    %add3A_15 = arith.addf %add3A, %get3A_14 : vector<32x128xf32>
    %get3A_16 = arith.constant 64 : index
    %get3A_17 = arith.constant 0 : index
    %get3A_18 = vector.load %arg2[%get3A_16, %get3A_17] : memref<160x128xf32, #tpu.memory_space<vmem>>, vector<32x128xf32>
    %add3A_19 = arith.addf %add3A_11, %get3A_18 : vector<32x128xf32>
    %get3A_20 = arith.constant 96 : index
    %get3A_21 = arith.constant 0 : index
    %get3A_22 = vector.load %arg1[%get3A_20, %get3A_21] : memref<160x128xf32, #tpu.memory_space<vmem>>, vector<32x128xf32>
    %add3A_23 = arith.addf %add3A_15, %get3A_22 : vector<32x128xf32>
    %get3A_24 = arith.constant 96 : index
    %get3A_25 = arith.constant 0 : index
    %get3A_26 = vector.load %arg2[%get3A_24, %get3A_25] : memref<160x128xf32, #tpu.memory_space<vmem>>, vector<32x128xf32>
    %add3A_27 = arith.addf %add3A_19, %get3A_26 : vector<32x128xf32>
    %get3A_28 = arith.constant 128 : index
    %get3A_29 = arith.constant 0 : index
    %get3A_30 = vector.load %arg1[%get3A_28, %get3A_29] : memref<160x128xf32, #tpu.memory_space<vmem>>, vector<32x128xf32>
    %add3A_31 = arith.addf %add3A_23, %get3A_30 : vector<32x128xf32>
    %get3A_32 = arith.constant 128 : index
    %get3A_33 = arith.constant 0 : index
    %get3A_34 = vector.load %arg2[%get3A_32, %get3A_33] : memref<160x128xf32, #tpu.memory_space<vmem>>, vector<32x128xf32>
    %add3A_35 = arith.addf %add3A_27, %get3A_34 : vector<32x128xf32>
    %slice3A = vector.extract_strided_slice %add3A_35 {offsets = [0, 0], sizes = [32, 1], strides = [1, 1]} : vector<32x128xf32> to vector<32x1xf32>
    %slice3A_36 = vector.extract_strided_slice %add3A_35 {offsets = [0, 1], sizes = [32, 1], strides = [1, 1]} : vector<32x128xf32> to vector<32x1xf32>
    %get3A_37 = arith.constant 0 : index
    %get3A_38 = arith.constant 0 : index
    %get3A_39 = vector.load %arg3[%get3A_37, %get3A_38] : memref<257x128xf32, #tpu.memory_space<vmem>>, vector<1x128xf32>
    %get3A_40 = vector.shape_cast %get3A_39 : vector<1x128xf32> to vector<128xf32>
    %reshape3A = vector.shape_cast %get3A_40 : vector<128xf32> to vector<1x128xf32>
    %get3A_41 = arith.constant 129 : index
    %get3A_42 = arith.constant 0 : index
    %get3A_43 = vector.load %arg3[%get3A_41, %get3A_42] : memref<257x128xf32, #tpu.memory_space<vmem>>, vector<128x128xf32>
    %mul3A = vector.broadcast %slice3A : vector<32x1xf32> to vector<32x128xf32>
    %mul3A_44 = vector.broadcast %reshape3A : vector<1x128xf32> to vector<32x128xf32>
    %mul3A_45 = arith.mulf %mul3A, %mul3A_44 : vector<32x128xf32>
    %dot_general3A = arith.constant dense<0.000000e+00> : vector<32x128xf32>
    %dot_general3A_46 = tpu.matmul %add3A_31, %get3A_43, %dot_general3A {dimension_numbers = #tpu.dot_dimension_numbers<[1], [0], [0], [1], [0, 0, 1, 1], [], []>, precision = #tpu.contract_precision<fp32>, transpose_lhs_hint = false} : vector<32x128xf32>, vector<128x128xf32>, vector<32x128xf32> -> vector<32x128xf32>
    %add3A_47 = arith.addf %mul3A_45, %dot_general3A_46 : vector<32x128xf32>
    %get3A_48 = arith.constant 0 : index
    %get3A_49 = arith.constant 0 : index
    %get3A_50 = vector.load %arg4[%get3A_48, %get3A_49] : memref<1x128xf32, #tpu.memory_space<vmem>>, vector<1x128xf32>
    %get3A_51 = vector.shape_cast %get3A_50 : vector<1x128xf32> to vector<128xf32>
    %reshape3A_52 = vector.shape_cast %get3A_51 : vector<128xf32> to vector<1x128xf32>
    %mul3A_53 = vector.broadcast %slice3A_36 : vector<32x1xf32> to vector<32x128xf32>
    %mul3A_54 = vector.broadcast %reshape3A_52 : vector<1x128xf32> to vector<32x128xf32>
    %mul3A_55 = arith.mulf %mul3A_53, %mul3A_54 : vector<32x128xf32>
    %add3A_56 = arith.addf %add3A_47, %mul3A_55 : vector<32x128xf32>
    %get3A_57 = arith.constant 0 : index
    %get3A_58 = arith.constant 0 : index
    %get3A_59 = vector.load %arg0[%get3A_57, %get3A_58] : memref<32x128xf32, #tpu.memory_space<vmem>>, vector<32x128xf32>
    %add3A_60 = arith.addf %get3A_59, %add3A_56 : vector<32x128xf32>
    %max3A = arith.constant 0.000000e+00 : f32
    %max3A_61 = vector.broadcast %max3A : f32 to vector<32x128xf32>
    %max3A_62 = arith.maximumf %add3A_60, %max3A_61 : vector<32x128xf32>
    %get3A_63 = arith.constant 0 : index
    %get3A_64 = arith.constant 0 : index
    %get3A_65 = vector.load %arg5[%get3A_63, %get3A_64] : memref<128x1xf32, #tpu.memory_space<vmem>>, vector<128x1xf32>
    %dot_general3A_66 = arith.constant dense<0.000000e+00> : vector<32x1xf32>
    %dot_general3A_67 = tpu.matmul %max3A_62, %get3A_65, %dot_general3A_66 {dimension_numbers = #tpu.dot_dimension_numbers<[1], [0], [0], [1], [0, 0, 1, 1], [], []>, transpose_lhs_hint = false} : vector<32x128xf32>, vector<128x1xf32>, vector<32x1xf32> -> vector<32x1xf32>
    %get3A_68 = arith.constant 0 : index
    %get3A_69 = arith.constant 0 : index
    %get3A_70 = vector.load %arg6[%get3A_68, %get3A_69] : memref<1x1xf32, #tpu.memory_space<vmem>>, vector<1x1xf32>
    %get3A_71 = vector.extract %get3A_70[0, 0] : f32 from vector<1x1xf32>
    %add3A_72 = vector.broadcast %get3A_71 : f32 to vector<32x1xf32>
    %add3A_73 = arith.addf %dot_general3A_67, %add3A_72 : vector<32x1xf32>
    %swap3A = arith.constant 0 : index
    %swap3A_74 = arith.constant 0 : index
    %swap3A_75 = vector.load %arg7[%swap3A, %swap3A_74] : memref<32x1xf32, #tpu.memory_space<vmem>>, vector<32x1xf32>
    tpu.vector_store %arg7[%swap3A, %swap3A_74], %add3A_73 {strides = array<i32>} : memref<32x1xf32, #tpu.memory_space<vmem>>, vector<32x1xf32>,
    return
  }
}

module attributes {stable_mosaic.version = 14 : i64} {
  func.func @_k5_body(%arg0: i32, %arg1: memref<1000x128xf32, #tpu.memory_space<vmem>>, %arg2: memref<1000x1xf32, #tpu.memory_space<vmem>>, %arg3: memref<257x128xf32, #tpu.memory_space<vmem>>, %arg4: memref<1x128xf32, #tpu.memory_space<vmem>>, %arg5: memref<64x128xf32, #tpu.memory_space<vmem>>, %arg6: memref<8x64xi32, #tpu.memory_space<vmem>>, %arg7: memref<128x1xf32, #tpu.memory_space<vmem>>, %arg8: memref<1x1xf32, #tpu.memory_space<vmem>>, %arg9: memref<1000x1xf32, #tpu.memory_space<vmem>>) attributes {dimension_semantics = [#tpu.dimension_semantics<arbitrary>], iteration_bounds = array<i64: 10>, scalar_prefetch = 0 : i64, scratch_operands = 0 : i64, tpu.core_type = #tpu.core_type<tc>, window_params = [{transform_indices = @transform_0, window_bounds = array<i64: 1000, 128>}, {transform_indices = @transform_1, window_bounds = array<i64: 1000, 1>}, {pipeline_mode = #tpu.pipeline_mode<synchronous>, transform_indices = @transform_2, window_bounds = array<i64: 257, 128>}, {pipeline_mode = #tpu.pipeline_mode<synchronous>, transform_indices = @transform_3, window_bounds = array<i64: 1, 128>}, {pipeline_mode = #tpu.pipeline_mode<synchronous>, transform_indices = @transform_4, window_bounds = array<i64: 64, 128>}, {pipeline_mode = #tpu.pipeline_mode<synchronous>, transform_indices = @transform_5, window_bounds = array<i64: 8, 64>}, {pipeline_mode = #tpu.pipeline_mode<synchronous>, transform_indices = @transform_6, window_bounds = array<i64: 128, 1>}, {pipeline_mode = #tpu.pipeline_mode<synchronous>, transform_indices = @transform_7, window_bounds = array<i64: 1, 1>}, {transform_indices = @transform_8, window_bounds = array<i64: 1000, 1>}]} {
    %mul3A = arith.constant 1000 : i32
    %mul3A_0 = arith.muli %arg0, %mul3A : i32
    %iota3A = tpu.iota {dimensions = array<i32: 0>} : vector<1000x64xi32>
    %add3A = vector.broadcast %mul3A_0 : i32 to vector<1000x64xi32>
    %add3A_1 = arith.addi %add3A, %iota3A : vector<1000x64xi32>
    %get3A = arith.constant 0 : index
    %get3A_2 = arith.constant 0 : index
    %get3A_3 = vector.load %arg6[%get3A, %get3A_2] : memref<8x64xi32, #tpu.memory_space<vmem>>, vector<1x64xi32>
    %get3A_4 = vector.shape_cast %get3A_3 : vector<1x64xi32> to vector<64xi32>
    %broadcast_in_dim3A = vector.shape_cast %get3A_4 : vector<64xi32> to vector<1x64xi32>
    %eq3A = vector.broadcast %broadcast_in_dim3A : vector<1x64xi32> to vector<1000x64xi32>
    %eq3A_5 = arith.cmpi eq, %add3A_1, %eq3A : vector<1000x64xi32>
    %convert_element_type3A = arith.extui %eq3A_5 : vector<1000x64xi1> to vector<1000x64xi32>
    %convert_element_type3A_6 = arith.sitofp %convert_element_type3A : vector<1000x64xi32> to vector<1000x64xf32>
    %get3A_7 = arith.constant 0 : index
    %get3A_8 = arith.constant 0 : index
    %get3A_9 = vector.load %arg1[%get3A_7, %get3A_8] : memref<1000x128xf32, #tpu.memory_space<vmem>>, vector<1000x128xf32>
    %get3A_10 = arith.constant 0 : index
    %get3A_11 = arith.constant 0 : index
    %get3A_12 = vector.load %arg2[%get3A_10, %get3A_11] : memref<1000x1xf32, #tpu.memory_space<vmem>>, vector<1000x1xf32>
    %get3A_13 = arith.constant 0 : index
    %get3A_14 = arith.constant 0 : index
    %get3A_15 = vector.load %arg3[%get3A_13, %get3A_14] : memref<257x128xf32, #tpu.memory_space<vmem>>, vector<1x128xf32>
    %get3A_16 = vector.shape_cast %get3A_15 : vector<1x128xf32> to vector<128xf32>
    %reshape3A = vector.shape_cast %get3A_16 : vector<128xf32> to vector<1x128xf32>
    %mul3A_17 = vector.broadcast %get3A_12 : vector<1000x1xf32> to vector<1000x128xf32>
    %mul3A_18 = vector.broadcast %reshape3A : vector<1x128xf32> to vector<1000x128xf32>
    %mul3A_19 = arith.mulf %mul3A_17, %mul3A_18 : vector<1000x128xf32>
    %add3A_20 = arith.addf %get3A_9, %mul3A_19 : vector<1000x128xf32>
    %get3A_21 = arith.constant 0 : index
    %get3A_22 = arith.constant 0 : index
    %get3A_23 = vector.load %arg4[%get3A_21, %get3A_22] : memref<1x128xf32, #tpu.memory_space<vmem>>, vector<1x128xf32>
    %add3A_24 = vector.broadcast %get3A_23 : vector<1x128xf32> to vector<1000x128xf32>
    %add3A_25 = arith.addf %add3A_20, %add3A_24 : vector<1000x128xf32>
    %get3A_26 = arith.constant 0 : index
    %get3A_27 = arith.constant 0 : index
    %get3A_28 = vector.load %arg5[%get3A_26, %get3A_27] : memref<64x128xf32, #tpu.memory_space<vmem>>, vector<64x128xf32>
    %dot_general3A = arith.constant dense<0.000000e+00> : vector<1000x128xf32>
    %dot_general3A_29 = tpu.matmul %convert_element_type3A_6, %get3A_28, %dot_general3A {dimension_numbers = #tpu.dot_dimension_numbers<[1], [0], [0], [1], [0, 0, 1, 1], [], []>, transpose_lhs_hint = false} : vector<1000x64xf32>, vector<64x128xf32>, vector<1000x128xf32> -> vector<1000x128xf32>
    %add3A_30 = arith.addf %add3A_25, %dot_general3A_29 : vector<1000x128xf32>
    %max3A = arith.constant 0.000000e+00 : f32
    %max3A_31 = vector.broadcast %max3A : f32 to vector<1000x128xf32>
    %max3A_32 = arith.maximumf %add3A_30, %max3A_31 : vector<1000x128xf32>
    %get3A_33 = arith.constant 0 : index
    %get3A_34 = arith.constant 0 : index
    %get3A_35 = vector.load %arg7[%get3A_33, %get3A_34] : memref<128x1xf32, #tpu.memory_space<vmem>>, vector<128x1xf32>
    %dot_general3A_36 = arith.constant dense<0.000000e+00> : vector<1000x1xf32>
    %dot_general3A_37 = tpu.matmul %max3A_32, %get3A_35, %dot_general3A_36 {dimension_numbers = #tpu.dot_dimension_numbers<[1], [0], [0], [1], [0, 0, 1, 1], [], []>, transpose_lhs_hint = false} : vector<1000x128xf32>, vector<128x1xf32>, vector<1000x1xf32> -> vector<1000x1xf32>
    %get3A_38 = arith.constant 0 : index
    %get3A_39 = arith.constant 0 : index
    %get3A_40 = vector.load %arg8[%get3A_38, %get3A_39] : memref<1x1xf32, #tpu.memory_space<vmem>>, vector<1x1xf32>
    %get3A_41 = vector.extract %get3A_40[0, 0] : f32 from vector<1x1xf32>
    %add3A_42 = vector.broadcast %get3A_41 : f32 to vector<1000x1xf32>
    %add3A_43 = arith.addf %dot_general3A_37, %add3A_42 : vector<1000x1xf32>
    %swap3A = arith.constant 0 : index
    %swap3A_44 = arith.constant 0 : index
    %swap3A_45 = vector.load %arg9[%swap3A, %swap3A_44] : memref<1000x1xf32, #tpu.memory_space<vmem>>, vector<1000x1xf32>
    tpu.vector_store %arg9[%swap3A, %swap3A_44], %add3A_43 {strides = array<i32>} : memref<1000x1xf32, #tpu.memory_space<vmem>>, vector<1000x1xf32>,
    return
  }
  func.func @transform_0(%arg0: i32) -> (i32, i32) {
    %c0_i32 = arith.constant 0 : i32
    %c0_i32_0 = arith.constant 0 : i32
    return %arg0, %c0_i32 : i32, i32
  }
  func.func @transform_1(%arg0: i32) -> (i32, i32) {
    %c0_i32 = arith.constant 0 : i32
    %c0_i32_0 = arith.constant 0 : i32
    return %arg0, %c0_i32 : i32, i32
  }
  func.func @transform_2(%arg0: i32) -> (i32, i32) {
    %c0_i32 = arith.constant 0 : i32
    %c0_i32_0 = arith.constant 0 : i32
    %c0_i32_1 = arith.constant 0 : i32
    return %c0_i32, %c0_i32_0 : i32, i32
  }
  func.func @transform_3(%arg0: i32) -> (i32, i32) {
    %c0_i32 = arith.constant 0 : i32
    %c0_i32_0 = arith.constant 0 : i32
    %c0_i32_1 = arith.constant 0 : i32
    return %c0_i32, %c0_i32_0 : i32, i32
  }
  func.func @transform_4(%arg0: i32) -> (i32, i32) {
    %c0_i32 = arith.constant 0 : i32
    %c0_i32_0 = arith.constant 0 : i32
    %c0_i32_1 = arith.constant 0 : i32
    return %c0_i32, %c0_i32_0 : i32, i32
  }
  func.func @transform_5(%arg0: i32) -> (i32, i32) {
    %c0_i32 = arith.constant 0 : i32
    %c0_i32_0 = arith.constant 0 : i32
    %c0_i32_1 = arith.constant 0 : i32
    return %c0_i32, %c0_i32_0 : i32, i32
  }
  func.func @transform_6(%arg0: i32) -> (i32, i32) {
    %c0_i32 = arith.constant 0 : i32
    %c0_i32_0 = arith.constant 0 : i32
    %c0_i32_1 = arith.constant 0 : i32
    return %c0_i32, %c0_i32_0 : i32, i32
  }
  func.func @transform_7(%arg0: i32) -> (i32, i32) {
    %c0_i32 = arith.constant 0 : i32
    %c0_i32_0 = arith.constant 0 : i32
    %c0_i32_1 = arith.constant 0 : i32
    return %c0_i32, %c0_i32_0 : i32, i32
  }
  func.func @transform_8(%arg0: i32) -> (i32, i32) {
    %c0_i32 = arith.constant 0 : i32
    %c0_i32_0 = arith.constant 0 : i32
    return %arg0, %c0_i32 : i32, i32
  }
}

</mosaic_0001>

<sc_bundles>
// kernel: kernel.8.cloned.1.call-start
scs
__scs_entry_jumppad:
0x0: {  	(pc) =	sbr.rel $0x88, $3  }
0x1: {  	(tag) =	ssettag $0x0;
	lr =	simm.s32 $0x1  }
0x2: {  	[smem:$0x3F90] =	sst lr;
	_ =	strace $0xD0000000  }
0x3: {  	_ = 	snop  }
0x4: {  	_ = 	snop  }
0x5: {  	_ = 	snop  }
0x6: {  	_ = 	snop  }
0x7: {  	_ = 	snop  }
__scs_overlays_trampoline_lowered:
0x8: {  	[smem:$0x3F9F] =	sst s0  }
0x9: {  	[smem:$0x3FA0] =	sst s1  }
0xa: {  	[smem:$0x3FA1] =	sst s2  }
0xb: {  	[smem:$0x3FA2] =	sst s3  }
0xc: {  	[smem:$0x3FA3] =	sst s4  }
0xd: {  	[smem:$0x3FA4] =	sst s5  }
0xe: {  	[smem:$0x3FA5] =	sst s6  }
0xf: {  	[smem:$0x3FA6] =	sst s7  }
0x10: {  	[smem:$0x3FA7] =	sst s8  }
0x11: {  	[smem:$0x3FA8] =	sst s9;
	s0 =	simm.s32 @!p0 $0x0  }
0x12: {  	s1 =	sld [smem:$0x3F8E];
	s0 =	simm.s32 @p0 $0x1  }
0x13: {  	[smem:$0x3FA9] =	sst s0;
	s0 =	simm.s32 @!p1 $0x0  }
0x14: {  	s2 =	sld [smem:$0x3F8D];
	s0 =	simm.s32 @p1 $0x1  }
0x15: {  	[smem:$0x3FAA] =	sst s0;
	s0 =	simm.s32 @!p2 $0x0  }
0x16: {  	s3 =	sld [smem:$0x3FDB];
	s0 =	simm.s32 @p2 $0x1  }
0x17: {  	s4 =	simm.s32 $0x1BF5;
	[smem:$0x3FAC] =	sst s0  }
0x18: {  	s0 =	sld [smem:$0x3F8F];
	_ =	swait.ge [sflag:s4], $0x0  }
0x19: {  	s7 =	sld [smem:$0x3F90]  }
0x1a: {  	s8 =	sadd.s32 $0xFFFFE003, lr  }
0x1b: {  	s9 =	sadd.s32 $0xFFFFFEF7, lr;
	s5 =	simm.s32 $0xFFFFFFFF;
	p2 =	slt.u32 s8, $0xFFFFF086  }
0x1c: {  	p1 =	slt.u32 s9, $0xF7A;
	s5 =	simm.s32 @!p2 $0x0  }
0x1d: {  	s5 =	simm.s32 @p1 $0x1;
	p0 =	seq.s32 s7, s2  }
0x1e: {  	s7 =	smul.u32 @!p0 $0xF7A, s2;
	p2 =	seq.s32 @!p0 s5, $0x0  }
0x1f: {  	s9 =	smul.u32 $0xF7A, s1;
	s8 =	simm.s32 @!p0 $0x1BF5;
	p2 =	por !p2, p0  }
0x20: {  	[sflag:s8] =	ssyncset.s32 @!p0 $0xFFFFF086;
	s6 =	sadd.s32 @!p0 s3, s7;
	s7 =	simm.s32 @!p0 $0x108  }
0x21: {  	s3 =	sadd.s32 s3, s9;
	s6 =	sadd.s32 @!p0 $0x88, s6;
	s7 =	simm.s32 @p2 $0x1082  }
0x22: {  	[simem:s7], [sflag:s8] =	dma.local @!p0 [hbm:s6], $0xF7A  }
0x23: {  	s9 =	sor.u32 $0xD0000000, s2;
	s6 =	simm.s32 $0x108;
	_ =	swait.ge @!p0 [sflag:s8], $0x0  }
0x24: {  	s3 =	sadd.s32 $0x88, s3;
	s6 =	simm.s32 @!p1 $0x1082;
	[sflag:s4] =	ssyncset.s32 $0xFFFFF086  }
0x25: {  	[simem:s6], [sflag:s4] =	dma.local [hbm:s3], $0xF7A  }
0x26: {  	[smem:$0x3F90] =	sst s1;
	(tag) =	ssettag s2;
	_ =	strace s9  }
0x27: {  	s1 =	sld [smem:$0x3FA0]  }
0x28: {  	s2 =	sld [smem:$0x3FA1]  }
0x29: {  	s4 =	sld [smem:$0x3FA3]  }
0x2a: {  	p0 =	seq.s32 s5, $0x0;
	s5 =	sld [smem:$0x3FA4]  }
0x2b: {  	s6 =	sld [smem:$0x3FA5]  }
0x2c: {  	s7 =	sld [smem:$0x3FA6]  }
0x2d: {  	s3 =	simm.s32 $0x108;
	s8 =	sld [smem:$0x3FA7]  }
0x2e: {  	s3 =	simm.s32 @!p0 $0x1082;
	s9 =	sld [smem:$0x3FA8]  }
0x2f: {  	lr =	sadd.s32 s0, s3;
	s0 =	sld [smem:$0x3F9F]  }
0x30: {  	s3 =	sld [smem:$0x3FA2]  }
0x31: {  	[smem:$0x3FAB] =	sst s10  }
0x32: {  	s10 =	sld [smem:$0x3FA9];
	_ =	sdelay $0x3  }
0x33: {  	p0 =	seq.s32 s10, $0x1;
	s10 =	sld [smem:$0x3FAB];
	_ =	sdelay $0x3  }
0x34: {  	[smem:$0x3FAB] =	sst s10  }
0x35: {  	s10 =	sld [smem:$0x3FAA];
	_ =	sdelay $0x3  }
0x36: {  	p1 =	seq.s32 s10, $0x1;
	s10 =	sld [smem:$0x3FAB];
	_ =	sdelay $0x3  }
0x37: {  	[smem:$0x3FAB] =	sst s10  }
0x38: {  	s10 =	sld [smem:$0x3FAC]  }
0x39: {  	_ = 	snop;
	(pc) =	sbr.ind lr, $3  }
0x3a: {  	_ = 	snop  }
0x3b: {  	_ = 	snop  }
0x3c: {  	p2 =	seq.s32 s10, $0x1;
	s10 =	sld [smem:$0x3FAB]  }
0x3d: {  	_ =	shalt  }
0x3e: {  	_ =	shalt  }
0x3f: {  	_ =	shalt  }
0x40: {  	_ =	shalt  }
0x41: {  	_ =	shalt  }
0x42: {  	_ =	shalt  }
0x43: {  	_ =	shalt  }
0x44: {  	_ =	shalt  }
0x45: {  	_ =	shalt  }
0x46: {  	_ =	shalt  }
0x47: {  	_ =	shalt  }
0x48: {  	_ =	shalt  }
0x49: {  	_ =	shalt  }
0x4a: {  	_ =	shalt  }
0x4b: {  	_ =	shalt  }
0x4c: {  	_ =	shalt  }
0x4d: {  	_ =	shalt  }
0x4e: {  	_ =	shalt  }
0x4f: {  	_ =	shalt  }
0x50: {  	_ =	shalt  }
0x51: {  	_ =	shalt  }
0x52: {  	_ =	shalt  }
0x53: {  	_ =	shalt  }
0x54: {  	_ =	shalt  }
0x55: {  	_ =	shalt  }
0x56: {  	_ =	shalt  }
0x57: {  	_ =	shalt  }
0x58: {  	_ =	shalt  }
0x59: {  	_ =	shalt  }
0x5a: {  	_ =	shalt  }
0x5b: {  	_ =	shalt  }
0x5c: {  	_ =	shalt  }
0x5d: {  	_ =	shalt  }
0x5e: {  	_ =	shalt  }
0x5f: {  	_ =	shalt  }
0x60: {  	_ =	shalt  }
0x61: {  	_ =	shalt  }
0x62: {  	_ =	shalt  }
0x63: {  	_ =	shalt  }
0x64: {  	_ =	shalt  }
0x65: {  	_ =	shalt  }
0x66: {  	_ =	shalt  }
0x67: {  	_ =	shalt  }
0x68: {  	_ =	shalt  }
0x69: {  	_ =	shalt  }
0x6a: {  	_ =	shalt  }
0x6b: {  	_ =	shalt  }
0x6c: {  	_ =	shalt  }
0x6d: {  	_ =	shalt  }
0x6e: {  	_ =	shalt  }
0x6f: {  	_ =	shalt  }
0x70: {  	_ =	shalt  }
0x71: {  	_ =	shalt  }
0x72: {  	_ =	shalt  }
0x73: {  	_ =	shalt  }
0x74: {  	_ =	shalt  }
0x75: {  	_ =	shalt  }
0x76: {  	_ =	shalt  }
0x77: {  	_ =	shalt  }
0x78: {  	_ =	shalt  }
0x79: {  	_ =	shalt  }
0x7a: {  	_ =	shalt  }
0x7b: {  	_ =	shalt  }
0x7c: {  	_ =	shalt  }
0x7d: {  	_ =	shalt  }
0x7e: {  	_ =	shalt  }
0x7f: {  	_ =	shalt  }
0x80: {  	_ =	shalt  }
0x81: {  	_ =	shalt  }
0x82: {  	_ =	shalt  }
0x83: {  	_ =	shalt  }
0x84: {  	_ =	shalt  }
0x85: {  	_ =	shalt  }
0x86: {  	_ =	shalt  }
0x87: {  	_ =	shalt  }
.Lfunc_end0:
.L_simem_size_0:
called_computation_lowered:
.L_overlay_start_0:
0x88: {  	s0 =	sld [smem:$0x3FD9]  }
0x89: {  	s1 =	sld [smem:$0x3FFE];
	_ =	sdelay $0x3  }
0x8a: {  	s0 =	sadd.s32 s1, s0  }
0x8b: {  	[smem:$0x3FB7] =	sst s0  }
0x8c: {  	_ = 	snop  }
0x8d: {  	(tm) =	ssettm $0x1  }
0x8e: {  	s15 =	sld [smem:$0x3FFB];
	_ =	sdelay $0x3  }
0x8f: {  	_ =	strace s15  }
0x90: {  	s0 =	sld [smem:$0x3FFC];
	_ =	sdelay $0x3  }
0x91: {  	_ =	strace s0  }
0x92: {  	s0 =	sld [smem:$0x3FFD];
	_ =	sdelay $0x3  }
0x93: {  	_ =	strace s0  }
0x94: {  	_ =	strace $0x8FFFFFFF  }
0x95: {  	s16 =	sld [smem:$0x3FDB];
	_ =	sdelay $0x1  }
0x96: {  	s17 =	simm.s32 $_scs_section_size  }
0x97: {  	s2 =	simm.s32 $_size__tile_overlayer_lowered;
	s3 =	simm.s32 $_tile_overlayer_lowered  }
0x98: {  	s20 =	simm.s32 $0x1BFF;
	s19 =	sshll.u32 s3, $0x1;
	s0 =	sadd.s32 s17, s16  }
0x99: {  	s4 =	simm.s32 $0x0;
	s18 =	sshll.u32 s2, $0x1;
	s2 =	sadd.s32 s19, s0  }
0x9a: {  	[timem:s4], [sflag:s20] =	dma.local [hbm:s2], s18  }
0x9b: {  	_ =	swait.ge [sflag:s20], s18  }
0x9c: {  	s1 =	ssub.s32 $0x0, s18;
	[sflag:s20] =	ssyncset.done $0x0  }
0x9d: {  	[sflag:s20] =	ssyncadd.s32 s1;
	_ =	sdelay $0x1  }
0x9e: {  	s21 =	simm.s32 $0x1B8B  }
0x9f: {  	_ =	swait.ge [sflag:s21], $0x1  }
0xa0: {  	[sflag:s21] =	ssyncset.done $0x0  }
0xa1: {  	s23 =	simm.s32 $0x1B8E;
	s22 =	sld [smem:$0x3FFE];
	[sflag:s21] =	ssyncadd.s32 $0xFFFFFFFF  }
0xa2: {  	s24 =	simm.s32 $execute0_lowered;
	[smem:$0x3FD2] =	sst s23  }
0xa3: {  	s2 =	sshll.u32 s24, $0x1;
	_ =	strace $0x80000046;
	[dreg:$0x1] =	wrdreg $0xFFFFFFFF  }
0xa4: {  	s25 =	simm.s32 $_size_execute0_lowered;
	s0 =	sadd.s32 s0, s2;
	[dreg:$0x0] =	wrdreg $0x0  }
0xa5: {  	s2 =	sshll.u32 s25, $0x1;
	[dreg:$0x2] =	wrdreg s0  }
0xa6: {  	[dreg:$0x3] =	wrdreg s2  }
0xa7: {  	[dreg:$0x4] =	wrdreg $0xC0  }
0xa8: {  	_ =	task [dreg:s4], $0x5FFFF  }
0xa9: {  	[dreg:$0x1] =	wrdreg $0xFFFFFFFF  }
0xaa: {  	[dreg:$0x0] =	wrdreg $0x60  }
0xab: {  	[dreg:$0x2] =	wrdreg s22  }
0xac: {  	[dreg:$0x3] =	wrdreg $0x82000  }
0xad: {  	[dreg:$0x4] =	wrdreg $0x9  }
0xae: {  	_ =	task.clear_ibuf [dreg:s4], $0x5FFFF;
	_ =	strace $0x90000046  }
0xaf: {  	s26 =	simm.s32 $0x9;
	_ =	strace $0x80000048  }
0xb0: {  	_ =	swait.ge [sflag:s26], $0x1  }
0xb1: {  	[sflag:s26] =	ssyncadd.s32 $0xFFFFFFFF  }
0xb2: {  	_ =	strace $0x90000048  }
0xb3: {  	_ =	sfence  }
0xb4: {  	s28 =	sld [smem:$0x0];
	_ =	sdelay $0x1  }
0xb5: {  	s29 =	srdreg.scid  }
0xb6: {  	s30 =	sshll.u32 s29, $0xD;
	s31 =	sshrl.u32 s29, $0x2  }
0xb7: {  	s1 =	sand.u32 $0x1, s29;
	s2 =	sand.u32 $0x4000, s30;
	s0 =	sadd.s32 s31, s28  }
0xb8: {  	s1 =	sor.u32 s2, s1;
	s0 =	sshll.u32 s0, $0x11  }
0xb9: {  	s0 =	sor.u32 s0, s1  }
0xba: {  	s0 =	sadd.s32 $0x8F2B, s0  }
0xbb: {  	[sflag:s0] =	ssyncadd.remote.s32 $0x1  }
0xbc: {  	_ =	sfence.sel $0xFFFF  }
0xbd: {  	[dreg:$0x0] =	wrdreg $0xFFFFFFFF;
	(pc) =	sbr.abs _section_cstart, $3  }
0xbe: {  	[dreg:$0x1] =	wrdreg $0xFFFFFFFF  }
0xbf: {  	_ =	task.clear_ibuf [dreg:s4], $0x2FFFF;
	_ =	strace $0x9FFFFFFF  }
0xc0: {  	(tm) =	ssettm $0x7FFFFFFF  }
0xc1: {  	_ =	shalt  }
tec
execute0_lowered:
.L_overlay_start_1:
0x0: {  	(tag) =	ssettag $0x1  }
0x1: {  	s14 =	rddreg [dreg:$0x0]  }
0x2: {  	s3 =	rddreg [dreg:$0x1];
	s1 =	stileid.u32  }
0x3: {  	s0 =	rddreg [dreg:$0x2];
	s4 =	smul.u32 $0x4F000, s1  }
0x4: {  	s9 =	simm.s32 $0x0;
	s11 =	simm.s32 $0x3;
	s2 =	smul.u32 $0x2780, s1  }
0x5: {  	[smem:$0x7FF] =	sst s9;
	s30 =	sshll.u32 s1, $0x6;
	s4 =	sshrl.u32 s4, $0x2  }
0x6: {  	_ =	strace $0x80000047;
	s5 =	sadd.s32 s2, s14;
	s6 =	sadd.s32 s4, s3  }
0x7: {  	s7 =	sadd.s32 $0x32A00, s5;
	s4 =	sor.u32 $0x1C03, s30;
	s5 =	sshrl.u32 s6, $0x3  }
0x8: {  	[spmem:s5], [sflag:s4] =	dma.local [hbm:s7], $0x2780  }
0x9: {  	_ =	swait.ge [sflag:s11], $0x2780  }
0xa: {  	s12 =	smul.u32 $0x500, s1;
	[sflag:s11] =	ssyncset.done $0x0  }
0xb: {  	s13 =	sadd.s32 $0x6800, s14;
	[sflag:s11] =	ssyncadd.s32 $0xFFFFD880  }
0xc: {  	s6 =	sadd.s32 s13, s12;
	[bflag:$0x0] =	sbarrier.arrive $0xFFFF  }
0xd: {  	[tilespmem:s9], [sflag:$0x3] =	stream.linear.gather [hbm4b:s6+s9], $0x80, $0x38;
	[tilespmem:$0x1BE00] =	vst v63  }
0xe: {  	s16 =	simm.s32 $0x100;
	_ =	swait.ge [sflag:s11], $0x80  }
0xf: {  	s15 =	simm.s32 $0x80;
	s10 =	sadd.s32 $0x1800, s14;
	[sflag:s11] =	ssyncset.done $0x0  }
0x10: {  	s18 =	sadd.s32 $0x0, s12;
	s7 =	sadd.s32 s10, s12;
	[sflag:s11] =	ssyncadd.s32 $0xFFFFFF80  }
0x11: {  	[tilespmem:s16], [sflag:$0x3] =	stream.linear.gather [hbm4b:s7+s9], $0x80, $0x38;
	[tilespmem:$0x1BE00] =	vst v63  }
0x12: {  	s19 =	sand.u32 $0x60, s9;
	s18 =	sand.u32 $0xFF80, s18;
	_ =	swait.ge [sflag:s11], $0x80  }
0x13: {  	s17 =	simm.s32 $0x200;
	s18 =	sor.u32 s18, s19;
	[sflag:s11] =	ssyncset.done $0x0  }
0x14: {  	s8 =	sadd.s32 $0xB800, s14;
	s19 =	sor.u32 $0x10, s18;
	[sflag:s11] =	ssyncadd.s32 $0xFFFFFF80  }
0x15: {  	[tilespmem:s17], [sflag:$0x1] =	stream.indirect.gather [hbm4b:s8+s15], $0x80, s9, s15, $0xb8;
	[tilespmem:$0x1BE00] =	vst v63  }
0x16: {  	s18 =	sadd.s32 s13, s19  }
0x17: {  	[tilespmem:s15], [sflag:$0x3] =	stream.linear.gather [hbm4b:s18+s9], $0x80, $0x38;
	[tilespmem:$0x1BE00] =	vst v63  }
0x18: {  	_ =	swait.ge [sflag:s11], $0x80  }
0x19: {  	[sflag:s11] =	ssyncset.done $0x0  }
0x1a: {  	s19 =	sadd.s32 s10, s19;
	s18 =	simm.s32 $0x180;
	[sflag:s11] =	ssyncadd.s32 $0xFFFFFF80  }
0x1b: {  	[tilespmem:s18], [sflag:$0x3] =	stream.linear.gather [hbm4b:s19+s9], $0x80, $0x38;
	[tilespmem:$0x1BE00] =	vst v63  }
0x1c: {  	_ =	swait.ge [sflag:s11], $0x80  }
0x1d: {  	[sflag:s11] =	ssyncset.done $0x0  }
0x1e: {  	s20 =	simm.s32 $0x1;
	s19 =	simm.s32 $0x4200;
	[sflag:s11] =	ssyncadd.s32 $0xFFFFFF80  }
0x1f: {  	[tilespmem:s19], [sflag:$0x2] =	stream.indirect.gather [hbm4b:s8+s15], $0x80, s15, s15, $0xb8;
	[tilespmem:$0x1BE00] =	vst v63  }
0x20: {  	_ =	swait.ge [sflag:s20], $0x4000  }
0x21: {  	[sflag:s20] =	ssyncset.done $0x0  }
0x22: {  	[sflag:s20] =	ssyncadd.s32 $0xFFFFC000  }
0x23: {  	[spmem:s3] =	stream.indirect.scatter.add.f32 [tilespmem:s17], [sflag:$0x3], $0x80, s16, s15, $0xb8;
	[tilespmem:$0x1BE00] =	vst v63  }
0x24: {  	_ =	swait.ge [sflag:s11], $0x4000  }
0x25: {  	s21 =	sadd.s32 $0x20, s6;
	[sflag:s11] =	ssyncset.done $0x0  }
0x26: {  	s22 =	sadd.s32 $0x0, s21;
	[sflag:s11] =	ssyncadd.s32 $0xFFFFC000  }
0x27: {  	[tilespmem:s9], [sflag:$0x3] =	stream.linear.gather [hbm4b:s22+s9], $0x80, $0x38;
	[tilespmem:$0x1BE00] =	vst v63  }
0x28: {  	_ =	swait.ge [sflag:s11], $0x80  }
0x29: {  	[sflag:s11] =	ssyncset.done $0x0  }
0x2a: {  	s23 =	sadd.s32 $0x20, s7;
	[sflag:s11] =	ssyncadd.s32 $0xFFFFFF80  }
0x2b: {  	[tilespmem:s17], [sflag:$0x1] =	stream.indirect.gather [hbm4b:s8+s15], $0x80, s9, s15, $0xb8;
	[tilespmem:$0x1BE00] =	vst v63  }
0x2c: {  	s31 =	sadd.s32 $0x0, s23  }
0x2d: {  	[tilespmem:s16], [sflag:$0x3] =	stream.linear.gather [hbm4b:s31+s9], $0x80, $0x38;
	[tilespmem:$0x1BE00] =	vst v63  }
0x2e: {  	_ =	swait.ge [sflag:s11], $0x80  }
0x2f: {  	s24 =	simm.s32 $0x20;
	[sflag:s11] =	ssyncset.done $0x0  }
0x30: {  	s25 =	sadd.s32 $0x20, s12;
	s22 =	simm.s32 $0x2;
	[sflag:s11] =	ssyncadd.s32 $0xFFFFFF80  }
0x31: {  	s26 =	sand.u32 $0x60, s24;
	s25 =	sand.u32 $0xFF80, s25;
	_ =	swait.ge [sflag:s22], $0x4000  }
0x32: {  	s14 =	sadd.s32 $0x5A200, s14;
	s25 =	sor.u32 s25, s26;
	[sflag:s22] =	ssyncset.done $0x0  }
0x33: {  	s26 =	sor.u32 $0x10, s25;
	s25 =	simm.s32 $0x40;
	[sflag:s22] =	ssyncadd.s32 $0xFFFFC000  }
.LBB2_1:
0x34: {  	[spmem:s3] =	stream.indirect.scatter.add.f32 [tilespmem:s19], [sflag:$0x3], $0x80, s18, s15, $0xb8;
	[tilespmem:$0x1BE00] =	vst v63  }
0x35: {  	s28 =	smov.u32 s25  }
0x36: {  	p0 =	sne.s32 s25, $0x4C0;
	s25 =	sadd.s32 $0x20, s25;
	_ =	swait.ge [sflag:s11], $0x4000  }
0x37: {  	[sflag:s11] =	ssyncset.done $0x0  }
0x38: {  	s29 =	sadd.s32 s13, s26;
	[sflag:s11] =	ssyncadd.s32 $0xFFFFC000  }
0x39: {  	[tilespmem:s15], [sflag:$0x3] =	stream.linear.gather [hbm4b:s29+s9], $0x80, $0x38;
	[tilespmem:$0x1BE00] =	vst v63  }
0x3a: {  	_ =	swait.ge [sflag:s11], $0x80  }
0x3b: {  	[sflag:s11] =	ssyncset.done $0x0  }
0x3c: {  	s26 =	sadd.s32 s10, s26;
	[sflag:s11] =	ssyncadd.s32 $0xFFFFFF80  }
0x3d: {  	[tilespmem:s18], [sflag:$0x3] =	stream.linear.gather [hbm4b:s26+s9], $0x80, $0x38;
	[tilespmem:$0x1BE00] =	vst v63  }
0x3e: {  	_ =	swait.ge [sflag:s11], $0x80  }
0x3f: {  	[sflag:s11] =	ssyncset.done $0x0  }
0x40: {  	[sflag:s11] =	ssyncadd.s32 $0xFFFFFF80  }
0x41: {  	[tilespmem:s19], [sflag:$0x2] =	stream.indirect.gather [hbm4b:s8+s15], $0x80, s15, s15, $0xb8;
	[tilespmem:$0x1BE00] =	vst v63  }
0x42: {  	_ =	swait.ge [sflag:s20], $0x4000  }
0x43: {  	[sflag:s20] =	ssyncset.done $0x0  }
0x44: {  	[sflag:s20] =	ssyncadd.s32 $0xFFFFC000  }
0x45: {  	[spmem:s3] =	stream.indirect.scatter.add.f32 [tilespmem:s17], [sflag:$0x3], $0x80, s16, s15, $0xb8;
	[tilespmem:$0x1BE00] =	vst v63  }
0x46: {  	_ =	swait.ge [sflag:s11], $0x4000  }
0x47: {  	[sflag:s11] =	ssyncset.done $0x0  }
0x48: {  	s26 =	sadd.s32 s24, s21;
	[sflag:s11] =	ssyncadd.s32 $0xFFFFC000  }
0x49: {  	[tilespmem:s9], [sflag:$0x3] =	stream.linear.gather [hbm4b:s26+s9], $0x80, $0x38;
	[tilespmem:$0x1BE00] =	vst v63  }
0x4a: {  	_ =	swait.ge [sflag:s11], $0x80  }
0x4b: {  	[sflag:s11] =	ssyncset.done $0x0  }
0x4c: {  	[sflag:s11] =	ssyncadd.s32 $0xFFFFFF80  }
0x4d: {  	[tilespmem:s17], [sflag:$0x1] =	stream.indirect.gather [hbm4b:s8+s15], $0x80, s9, s15, $0xb8;
	[tilespmem:$0x1BE00] =	vst v63  }
0x4e: {  	s26 =	sadd.s32 s24, s23;
	s24 =	smov.u32 s28  }
0x4f: {  	[tilespmem:s16], [sflag:$0x3] =	stream.linear.gather [hbm4b:s26+s9], $0x80, $0x38;
	[tilespmem:$0x1BE00] =	vst v63  }
0x50: {  	_ =	swait.ge [sflag:s11], $0x80  }
.Ltmp0:
0x51: {  	[sflag:s11] =	ssyncset.done $0x0;
	(pc) =	sbr.rel @p0 .LBB2_1-.Ltmp0, $4  }
0x52: {  	s26 =	sadd.s32 s24, s12;
	[sflag:s11] =	ssyncadd.s32 $0xFFFFFF80  }
0x53: {  	s28 =	sand.u32 $0x60, s24;
	s26 =	sand.u32 $0xFF80, s26;
	_ =	swait.ge [sflag:s22], $0x4000  }
0x54: {  	s26 =	sor.u32 s26, s28;
	[sflag:s22] =	ssyncset.done $0x0  }
0x55: {  	s26 =	sor.u32 $0x10, s26;
	[sflag:s22] =	ssyncadd.s32 $0xFFFFC000  }
0x56: {  	[spmem:s3] =	stream.indirect.scatter.add.f32 [tilespmem:s19], [sflag:$0x3], $0x80, s18, s15, $0xb8;
	[tilespmem:$0x1BE00] =	vst v63  }
0x57: {  	_ =	swait.ge [sflag:s11], $0x4000  }
0x58: {  	[sflag:s11] =	ssyncset.done $0x0  }
0x59: {  	s25 =	sadd.s32 s13, s26;
	[sflag:s11] =	ssyncadd.s32 $0xFFFFC000  }
0x5a: {  	[tilespmem:s15], [sflag:$0x3] =	stream.linear.gather [hbm4b:s25+s9], $0x80, $0x38;
	[tilespmem:$0x1BE00] =	vst v63  }
0x5b: {  	_ =	swait.ge [sflag:s11], $0x80  }
0x5c: {  	[sflag:s11] =	ssyncset.done $0x0  }
0x5d: {  	s29 =	sadd.s32 s10, s26;
	[sflag:s11] =	ssyncadd.s32 $0xFFFFFF80  }
0x5e: {  	[tilespmem:s18], [sflag:$0x3] =	stream.linear.gather [hbm4b:s29+s9], $0x80, $0x38;
	[tilespmem:$0x1BE00] =	vst v63  }
0x5f: {  	_ =	swait.ge [sflag:s11], $0x80  }
0x60: {  	[sflag:s11] =	ssyncset.done $0x0  }
0x61: {  	[sflag:s11] =	ssyncadd.s32 $0xFFFFFF80  }
0x62: {  	[tilespmem:s19], [sflag:$0x2] =	stream.indirect.gather [hbm4b:s8+s15], $0x80, s15, s15, $0xb8;
	[tilespmem:$0x1BE00] =	vst v63  }
0x63: {  	_ =	swait.ge [sflag:s20], $0x4000  }
0x64: {  	[sflag:s20] =	ssyncset.done $0x0  }
0x65: {  	[sflag:s20] =	ssyncadd.s32 $0xFFFFC000  }
0x66: {  	[spmem:s3] =	stream.indirect.scatter.add.f32 [tilespmem:s17], [sflag:$0x3], $0x80, s16, s15, $0xb8;
	[tilespmem:$0x1BE00] =	vst v63  }
0x67: {  	_ =	swait.ge [sflag:s11], $0x4000  }
0x68: {  	[sflag:s11] =	ssyncset.done $0x0  }
0x69: {  	s30 =	sadd.s32 s24, s21;
	[sflag:s11] =	ssyncadd.s32 $0xFFFFC000  }
0x6a: {  	[tilespmem:s9], [sflag:$0x3] =	stream.linear.gather [hbm4b:s30+s9], $0x80, $0x38;
	[tilespmem:$0x1BE00] =	vst v63  }
0x6b: {  	_ =	swait.ge [sflag:s11], $0x80  }
0x6c: {  	[sflag:s11] =	ssyncset.done $0x0  }
0x6d: {  	[sflag:s11] =	ssyncadd.s32 $0xFFFFFF80  }
0x6e: {  	[tilespmem:s17], [sflag:$0x1] =	stream.indirect.gather [hbm4b:s8+s15], $0x80, s9, s15, $0xb8;
	[tilespmem:$0x1BE00] =	vst v63  }
0x6f: {  	s31 =	sadd.s32 s24, s23  }
0x70: {  	[tilespmem:s16], [sflag:$0x3] =	stream.linear.gather [hbm4b:s31+s9], $0x80, $0x38;
	[tilespmem:$0x1BE00] =	vst v63  }
0x71: {  	_ =	swait.ge [sflag:s11], $0x80  }
0x72: {  	[sflag:s11] =	ssyncset.done $0x0  }
0x73: {  	[sflag:s11] =	ssyncadd.s32 $0xFFFFFF80  }
0x74: {  	_ =	swait.ge [sflag:s22], $0x4000  }
0x75: {  	[sflag:s22] =	ssyncset.done $0x0  }
0x76: {  	[sflag:s22] =	ssyncadd.s32 $0xFFFFC000  }
0x77: {  	[spmem:s3] =	stream.indirect.scatter.add.f32 [tilespmem:s19], [sflag:$0x3], $0x80, s18, s15, $0xb8;
	[tilespmem:$0x1BE00] =	vst v63  }
0x78: {  	s23 =	simm.s32 $0x80;
	_ =	swait.ge [sflag:s11], $0x4000  }
0x79: {  	s24 =	simm.s32 $0x3;
	s20 =	sadd.s32 $0x4F0, s12;
	[sflag:s11] =	ssyncset.done $0x0  }
0x7a: {  	s21 =	sadd.s32 s13, s20;
	s22 =	simm.s32 $0x0;
	[sflag:s11] =	ssyncadd.s32 $0xFFFFC000  }
0x7b: {  	[tilespmem:s23], [sflag:$0x3] =	stream.linear.gather [hbm4b:s21+s22], $0x80, $0x38;
	[tilespmem:$0x1BE00] =	vst v63  }
0x7c: {  	_ =	swait.ge [sflag:s24], $0x80  }
0x7d: {  	[sflag:s24] =	ssyncset.done $0x0  }
0x7e: {  	s25 =	simm.s32 $0x180;
	s9 =	sadd.s32 s10, s20;
	[sflag:s24] =	ssyncadd.s32 $0xFFFFFF80  }
0x7f: {  	[tilespmem:s25], [sflag:$0x3] =	stream.linear.gather [hbm4b:s9+s22], $0x80, $0x38;
	[tilespmem:$0x1BE00] =	vst v63  }
0x80: {  	_ =	swait.ge [sflag:s24], $0x80  }
0x81: {  	[sflag:s24] =	ssyncset.done $0x0  }
0x82: {  	s26 =	simm.s32 $0x4200;
	s28 =	simm.s32 $0x1;
	[sflag:s24] =	ssyncadd.s32 $0xFFFFFF80  }
0x83: {  	[tilespmem:s26], [sflag:$0x2] =	stream.indirect.gather [hbm4b:s8+s23], $0x80, s23, s23, $0xb8;
	[tilespmem:$0x1BE00] =	vst v63  }
0x84: {  	_ =	swait.ge [sflag:s28], $0x4000  }
0x85: {  	[sflag:s28] =	ssyncset.done $0x0  }
0x86: {  	s29 =	simm.s32 $0x100;
	s30 =	simm.s32 $0x200;
	[sflag:s28] =	ssyncadd.s32 $0xFFFFC000  }
0x87: {  	[spmem:s3] =	stream.indirect.scatter.add.f32 [tilespmem:s30], [sflag:$0x3], $0x80, s29, s23, $0xb8;
	[tilespmem:$0x1BE00] =	vst v63  }
0x88: {  	_ =	swait.ge [sflag:s24], $0x4000  }
0x89: {  	[sflag:s24] =	ssyncset.done $0x0  }
0x8a: {  	[sflag:s24] =	ssyncadd.s32 $0xFFFFC000  }
0x8b: {  	[tilespmem:s22], [sflag:$0x3] =	stream.linear.gather [hbm4b:s6+s22], $0x80, $0x38;
	[tilespmem:$0x1BE00] =	vst v63  }
0x8c: {  	_ =	swait.ge [sflag:s24], $0x80  }
0x8d: {  	[sflag:s24] =	ssyncset.done $0x0  }
0x8e: {  	[sflag:s24] =	ssyncadd.s32 $0xFFFFFF80  }
0x8f: {  	[tilespmem:s30], [sflag:$0x1] =	stream.indirect.gather [hbm4b:s8+s23], $0x80, s22, s23, $0xb8;
	[tilespmem:$0x1BE00] =	vst v63  }
0x90: {  	_ = 	snop  }
0x91: {  	[tilespmem:s29], [sflag:$0x3] =	stream.linear.gather [hbm4b:s7+s22], $0x80, $0x38;
	[tilespmem:$0x1BE00] =	vst v63  }
0x92: {  	_ =	swait.ge [sflag:s24], $0x80  }
0x93: {  	[sflag:s24] =	ssyncset.done $0x0  }
0x94: {  	s31 =	simm.s32 $0x2;
	[sflag:s24] =	ssyncadd.s32 $0xFFFFFF80  }
0x95: {  	_ =	swait.ge [sflag:s31], $0x4000  }
0x96: {  	[sflag:s31] =	ssyncset.done $0x0  }
0x97: {  	[sflag:s31] =	ssyncadd.s32 $0xFFFFC000  }
0x98: {  	[spmem:s3] =	stream.indirect.scatter.add.f32 [tilespmem:s26], [sflag:$0x3], $0x80, s25, s23, $0xb8;
	[tilespmem:$0x1BE00] =	vst v63  }
0x99: {  	_ =	swait.ge [sflag:s24], $0x4000  }
0x9a: {  	[sflag:s24] =	ssyncset.done $0x0  }
0x9b: {  	[sflag:s24] =	ssyncadd.s32 $0xFFFFC000  }
0x9c: {  	_ =	swait.ge [sflag:s28], $0x4000  }
0x9d: {  	[sflag:s28] =	ssyncset.done $0x0  }
0x9e: {  	[sflag:s28] =	ssyncadd.s32 $0xFFFFC000  }
0x9f: {  	s2 =	sadd.s32 s14, s2;
	[bflag:$0x0] =	sbarrier.arrive $0xFFFF  }
0xa0: {  	[hbm:s2], [sflag:s4] =	dma.local [spmem:s5], $0x2780  }
0xa1: {  	_ =	swait.ge [sflag:s24], $0x2780  }
0xa2: {  	[sflag:s24] =	ssyncset.done $0x0  }
0xa3: {  	[sflag:s24] =	ssyncadd.s32 $0xFFFFD880  }
0xa4: {  	_ =	sfence.sel $0x180000  }
0xa5: {  	[bflag:$0x0] =	sbarrier.arrive $0xFFFF  }
0xa6: {  	p0 =	sne.s32 s1, $0x0;
	_ =	strace $0x90000047  }
0xa7: {  	s0 =	sadd.s32 @!p0 $0x100000, s0;
	[bflag:$0x2] =	sbarrier.arrive $0xFFFF  }
0xa8: {  	[sflag:s0] =	ssyncadd.tile.s32 @!p0 $0x1;
	_ =	shalt  }
.Lfunc_end2:
_tile_overlayer_lowered:
.L_overlay_start_2:
0xa9: {  	(tag) =	ssettag $0x2  }
0xaa: {  	s0 =	rddreg [dreg:$0x0];
	s2 =	stileid.u32  }
0xab: {  	s1 =	rddreg [dreg:$0x1];
	p0 =	sne.s32 s2, $0x0  }
0xac: {  	s3 =	rddreg [dreg:$0x2];
	[bflag:$0x3] =	sbarrier.arrive $0xFFFF;
	s2 =	simm.s32 @!p0 $0x1C03  }
0xad: {  	[timem:s3], [sflag:s2] =	dma.local @!p0 [hbm:s0], s1  }
0xae: {  	s0 =	simm.s32 @!p0 $0x3  }
0xaf: {  	_ =	swait.ge @!p0 [sflag:s0], s1  }
0xb0: {  	s1 =	ssub.s32 @!p0 $0x0, s1;
	[sflag:s0] =	ssyncset.done @!p0 $0x0  }
0xb1: {  	[sflag:s0] =	ssyncadd.s32 @!p0 s1  }
0xb2: {  	[bflag:$0x3] =	sbarrier.arrive $0xFFFF  }
0xb3: {  	_ =	shalt  }

</sc_bundles>
